<compile_context>
chip_gen: v7x
topology: tpu7x:2x2x1
jax: 0.10.2.dev20260603
libtpu: 0.0.44.dev20260713+nightly
codegen_flags: <defaults>
</compile_context>

<pallas_src>
import jax
import jax.numpy as jnp
from jax import lax
from jax.experimental import pallas as pl
from jax.experimental.pallas import tpu as pltpu
from jax.experimental.pallas import tpu_sc as plsc

NC = 2
NS = 16
L = 16
NBINS = 64


def _pad16(n):
    return (n + 15) // 16 * 16


def _make_body(B, NWORDS, VOCAB, C, C2, KEEP_LT):
    GROUPS = NWORDS // L
    DOCS_PER_WORKER = B // (NC * NS)
    KEPT_PAD = NWORDS + 4 * L

    def body(doc_hbm, wht_hbm, wfi_hbm, bht_hbm, bfi_hbm, out_hbm,
             doc_v, wht_v, wfi_v, bht_v, bfi_v, hist_v, kept_v, ind_v, cnt_v):
        wid = lax.axis_index("s") * NC + lax.axis_index("c")

        pltpu.sync_copy(wht_hbm, wht_v)
        pltpu.sync_copy(wfi_hbm, wfi_v)
        pltpu.sync_copy(bht_hbm, bht_v)
        pltpu.sync_copy(bfi_hbm, bfi_v)

        iot = lax.broadcasted_iota(jnp.int32, (L,), 0)
        laneH = iot * NBINS
        ones = jnp.ones((L,), jnp.int32)
        zeros = jnp.zeros((L,), jnp.int32)

        bhv = [bht_v[pl.ds(16 * i, L)] for i in range(bht_v.shape[0] // L)]
        bfv = [bfi_v[pl.ds(16 * i, L)] for i in range(bfi_v.shape[0] // L)]

        def _elem(vs, pos):
            return vs[pos // L][pos % L]

        bgA = [jnp.full((L,), _elem(bhv, k * (2 * C2) + s * 2 + 0), jnp.int32)
               for k in range(2) for s in range(C2)]
        bgB = [jnp.full((L,), _elem(bhv, k * (2 * C2) + s * 2 + 1), jnp.int32)
               for k in range(2) for s in range(C2)]
        bgF = [jnp.full((L,), _elem(bfv, k * C2 + s), jnp.int32)
               for k in range(2) for s in range(C2)]

        c1 = jnp.uint32(3432918353)
        c2 = jnp.uint32(461845907)

        for k in range(DOCS_PER_WORKER):
            d = wid * DOCS_PER_WORKER + k
            pltpu.sync_copy(doc_hbm.at[d], doc_v)
            for r in range(16 * NBINS // L):
                hist_v[pl.ds(r * L, L)] = zeros

            def group(g, off):
                w0 = g * L
                b = [doc_v[j, pl.ds(w0, L)] for j in range(16)]
                p = [b[4 * j] | (b[4 * j + 1] << 8) | (b[4 * j + 2] << 16)
                     | (b[4 * j + 3] << 24) for j in range(4)]
                h = jnp.zeros((L,), jnp.uint32)
                for j in range(4):
                    h = h ^ (p[j].astype(jnp.uint32) * c1 * c2)
                idxw = (h % jnp.uint32(VOCAB)).astype(jnp.int32)
                iK = idxw * (4 * C)
                iF = idxw * C
                ind = zeros
                for s in range(C):
                    t0 = plsc.load_gather(wht_v, [iK + (4 * s + 0)])
                    t1 = plsc.load_gather(wht_v, [iK + (4 * s + 1)])
                    t2 = plsc.load_gather(wht_v, [iK + (4 * s + 2)])
                    t3 = plsc.load_gather(wht_v, [iK + (4 * s + 3)])
                    fv = plsc.load_gather(wfi_v, [iF + s])
                    m = (p[0] == t0) & (p[1] == t1) & (p[2] == t2) & (p[3] == t3)
                    ind = ind + jnp.where(m, fv, 0)
                plsc.addupdate_scatter(hist_v, [laneH + ind], ones)
                ind_v[pl.ds(w0, L)] = ind
                return off

            lax.fori_loop(jnp.int32(0), jnp.int32(GROUPS), group, jnp.int32(0))

            def compact(g, off):
                ind = ind_v[pl.ds(g * L, L)]
                keep = ind < KEEP_LT
                plsc.store_compressed(kept_v.at[pl.ds(off, L)], ind, mask=keep)
                nkeep = jnp.sum(keep, dtype=jnp.int32).astype(jnp.int32)
                return (off + nkeep).astype(jnp.int32)

            off = lax.fori_loop(jnp.int32(0), jnp.int32(GROUPS), compact,
                                jnp.int32(0))

            npairs = jnp.maximum(off - 1, 0)
            ngrp2 = ((npairs + (2 * L - 1)) // (2 * L)).astype(jnp.int32)

            def pone(base):
                ia = iot + base
                a = plsc.load_gather(kept_v, [ia])
                b = plsc.load_gather(kept_v, [ia + 1])
                valid = ia < npairs
                bind = zeros
                for s in range(2 * C2):
                    bind = bind + jnp.where((a == bgA[s]) & (b == bgB[s]), bgF[s], 0)
                plsc.addupdate_scatter(hist_v, [laneH + bind], ones, mask=valid)

            def pgroup(i, carry):
                pone(i * (2 * L))
                pone(i * (2 * L) + L)
                return carry

            lax.fori_loop(jnp.int32(0), ngrp2, pgroup, jnp.int32(0))

            acc = [zeros] * (NBINS // L)
            for r in range(16):
                for c in range(NBINS // L):
                    acc[c] = acc[c] + hist_v[pl.ds(r * NBINS + c * L, L)]
            for c in range(NBINS // L):
                cnt_v[pl.ds(c * L, L)] = acc[c]
            pltpu.sync_copy(cnt_v, out_hbm.at[d])

    return body, KEPT_PAD


def kernel(documents, word_hash_table, word_feature_indices,
           bigram_hash_table, bigram_feature_indices):
    B, NWORDS, MWL = documents.shape
    VOCAB, C, _ = word_hash_table.shape
    _, C2, _ = bigram_hash_table.shape
    NF = 32
    KEEP_LT = NF + 1

    docs = documents.transpose(0, 2, 1)
    if docs.dtype != jnp.int32:
        docs = docs.astype(jnp.int32)
    whtf = word_hash_table.astype(jnp.int32).reshape(-1)
    wfif = word_feature_indices.astype(jnp.int32).reshape(-1)
    bhtf = bigram_hash_table.astype(jnp.int32).reshape(-1)
    bfif = bigram_feature_indices.astype(jnp.int32).reshape(-1)
    wht = jnp.zeros((_pad16(whtf.shape[0]),), jnp.int32).at[:whtf.shape[0]].set(whtf)
    wfi = jnp.zeros((_pad16(wfif.shape[0]),), jnp.int32).at[:wfif.shape[0]].set(wfif)
    bht = jnp.zeros((_pad16(bhtf.shape[0]),), jnp.int32).at[:bhtf.shape[0]].set(bhtf)
    bfi = jnp.zeros((_pad16(bfif.shape[0]),), jnp.int32).at[:bfif.shape[0]].set(bfif)

    body, KEPT_PAD = _make_body(B, NWORDS, VOCAB, C, C2, KEEP_LT)
    mesh = plsc.VectorSubcoreMesh(core_axis_name="c", subcore_axis_name="s")
    run = pl.kernel(
        body,
        mesh=mesh,
        compiler_params=pltpu.CompilerParams(use_tc_tiling_on_sc=False,
                                             needs_layout_passes=False),
        out_type=jax.ShapeDtypeStruct((B, NBINS), jnp.int32),
        scratch_types=[
            pltpu.VMEM((MWL, NWORDS), jnp.int32),
            pltpu.VMEM((wht.shape[0],), jnp.int32),
            pltpu.VMEM((wfi.shape[0],), jnp.int32),
            pltpu.VMEM((bht.shape[0],), jnp.int32),
            pltpu.VMEM((bfi.shape[0],), jnp.int32),
            pltpu.VMEM((16 * NBINS,), jnp.int32),
            pltpu.VMEM((KEPT_PAD,), jnp.int32),
            pltpu.VMEM((NWORDS,), jnp.int32),
            pltpu.VMEM((NBINS,), jnp.int32),
        ],
    )
    padded = run(docs, wht, wfi, bht, bfi)
    return padded[:, 1:1 + NF].astype(jnp.int64)

# --- scband reference (transcript-rebuilt; emitter-appended) ---
"""Pipeline reference for scband-count-vectorizer-31404800868363 (READ-ONLY COPY).

The authoritative reference and input builder live on the scoring server;
editing this copy changes nothing except your own understanding.
"""

import jax, jax.numpy as jnp
import numpy as np
jax.config.update('jax_enable_x64', True)

MWL = 16
AMP = 1
VOCAB_SIZE = 35
VOCAB_WO_STOP = 32
NUM_BIGRAMS = 2
MAX_FEATURES = 32

def _fast_hash_init(s, max_word_length, seed=0):
    x = [ord(c) for c in list(s)][:max_word_length]
    while len(x) < max_word_length:
        x.append(0)
    c1 = 3432918353
    c2 = 461845907
    h = seed
    for pos in range(0, len(x), 4):
        b1 = 2**24 * x[pos + 3] + 2**16 * x[pos + 2] + 2**8 * x[pos + 1] + x[pos]
        b1 = (c1 * b1) & 4294967295
        b1 = (c2 * b1) & 4294967295
        h = h ^ b1
    return h

def _build_tables():
    vocabulary = {('w%d' % i): i for i in range(30)}
    vocabulary['w0 w1'] = 30
    vocabulary['w2 w3'] = 31
    stop_words = ['the', 'and', 'of']
    bigrams = {k: vocabulary[k] for k in list(vocabulary) if len(k.split(' ')) > 1}
    for bg in bigrams:
        for w in bg.split(' '):
            if w not in vocabulary:
                vocabulary[w] = len(vocabulary)
    for sw in stop_words:
        vocabulary[sw] = len(vocabulary)
    vocab_size = len(vocabulary)
    words = {k: vocabulary[k] for k in vocabulary if len(k.split(' ')) == 1}
    collision = {}
    for w in words:
        val = _fast_hash_init(w, MWL, 0) % (vocab_size * AMP)
        collision.setdefault(val, []).append(w)
    max_c = max(len(v) for v in collision.values())
    hash_table = np.zeros((vocab_size * AMP, max_c, MWL), dtype=np.uint8)
    feat_idx = np.zeros((vocab_size * AMP, max_c), dtype=np.int32)
    for k, ws in collision.items():
        for i, w in enumerate(ws):
            arr = np.array([ord(c) for c in w[:MWL]], dtype=np.uint8)
            hash_table[k, i, :len(arr)] = arr
            feat_idx[k, i] = words[w] + 1
    hash_table = hash_table.view(np.int32).astype(np.int64)
    num_bg = len(bigrams)
    coll = {}
    for w in bigrams:
        a, b = w.split(' ')
        val = (vocabulary[a] + vocabulary[b] + 2) % (num_bg * AMP)
        coll.setdefault(val, []).append(w)
    max_c2 = max(len(v) for v in coll.values())
    bg_ht = -1 * np.ones((num_bg * AMP, max_c2, 2), dtype=np.int64)
    bg_fi = np.zeros((num_bg * AMP, max_c2), dtype=np.int32)
    for k, ws in coll.items():
        for i, w in enumerate(ws):
            a, b = w.split(' ')
            bg_ht[k, i, 0] = vocabulary[a] + 1
            bg_ht[k, i, 1] = vocabulary[b] + 1
            bg_fi[k, i] = vocabulary[w] + 1
    return hash_table, feat_idx, bg_ht, bg_fi

def setup_inputs(seed: int = 0):
    key = jax.random.key(seed)
    ht, fi, bht, bfi = _build_tables()
    documents = jax.random.randint(key, (64, 4096, 16), 0, 128, dtype=jnp.int32)
    return {
        'documents': documents,
        'word_hash_table': jnp.asarray(ht),
        'word_feature_indices': jnp.asarray(fi),
        'bigram_hash_table': jnp.asarray(bht),
        'bigram_feature_indices': jnp.asarray(bfi),
    }

def reference(documents, word_hash_table, word_feature_indices, bigram_hash_table, bigram_feature_indices):
    B = documents.shape[0]
    n_words = documents.shape[1]
    doc_ids = jnp.repeat(jnp.arange(B, dtype=jnp.int64), n_words)
    docs = documents.reshape(-1, MWL).astype(jnp.int64).reshape(-1, MWL // 4, 4)
    powers = jnp.array([1, 2**8, 2**16, 2**24], dtype=jnp.int64)
    packed = (docs * powers[None, None, :]).sum(axis=2)
    c1 = 3432918353
    c2 = 461845907
    h = jnp.zeros((packed.shape[0],), dtype=jnp.int64)
    for pos in range(MWL // 4):
        b1 = packed[:, pos]
        b1 = (c1 * b1) & 4294967295
        b1 = (c2 * b1) & 4294967295
        h = h ^ b1
    idx = h % (VOCAB_SIZE * AMP)
    lv = word_hash_table[idx]
    li = word_feature_indices[idx]
    match = (packed[:, None, :] == lv).astype(jnp.int64).sum(2) == (MWL // 4)
    indices = (match.astype(jnp.int32) * li).sum(1).astype(jnp.int64)
    total_bins = (VOCAB_SIZE + 1) * B
    bci = indices + (VOCAB_SIZE + 1) * doc_ids
    fv = jnp.bincount(bci, minlength=total_bins, length=total_bins)
    mask = indices < VOCAB_WO_STOP + 1
    order = jnp.argsort(jnp.where(mask, 0, 1).astype(jnp.int32))
    ind_m = indices[order]
    did_m = doc_ids[order]
    count = mask.sum()
    cand = jnp.concatenate([ind_m[:-1][:, None], ind_m[1:][:, None]], axis=1)
    bidx = cand.sum(1) % (NUM_BIGRAMS * AMP)
    blv = bigram_hash_table[bidx]
    bli = bigram_feature_indices[bidx]
    bmatch = (cand[:, None, :] == blv).astype(jnp.int64).sum(2) == 2
    bind = (bmatch.astype(jnp.int32) * bli).sum(1).astype(jnp.int64)
    pair_valid = jnp.arange(1, ind_m.shape[0], dtype=jnp.int64) < count
    dmask = (did_m[:-1] == did_m[1:]) & pair_valid
    bdid = did_m[:-1]
    bci2 = bind + (VOCAB_SIZE + 1) * bdid
    fv = fv + jnp.zeros((total_bins,), dtype=fv.dtype).at[bci2].add(dmask.astype(fv.dtype), mode='drop')
    return fv.reshape(-1, VOCAB_SIZE + 1)[:, 1:1 + MAX_FEATURES]

if __name__ == "__main__":
    import jax
    _d = setup_inputs()
    print(jax.jit(kernel)(*tuple(_d.values())))

</pallas_src>

<mosaic_0001>
#map = affine_map<(d0, d1) -> (0, 0, 0)>
#map1 = affine_map<(d0, d1) -> (0)>
#map2 = affine_map<(d0, d1) -> (0, 0)>
module attributes {stable_mosaic.version = 14 : i64} {
  func.func @body(%arg0: i32, %arg1: i32, %arg2: memref<64x16x4096xi32, #tpu.memory_space<hbm>>, %arg3: memref<432xi32, #tpu.memory_space<hbm>>, %arg4: memref<112xi32, #tpu.memory_space<hbm>>, %arg5: memref<16xi32, #tpu.memory_space<hbm>>, %arg6: memref<16xi32, #tpu.memory_space<hbm>>, %arg7: memref<64x64xi32, #tpu.memory_space<hbm>>, %arg8: memref<16x4096xi32, #tpu.memory_space<vmem>>, %arg9: memref<432xi32, #tpu.memory_space<vmem>>, %arg10: memref<112xi32, #tpu.memory_space<vmem>>, %arg11: memref<16xi32, #tpu.memory_space<vmem>>, %arg12: memref<16xi32, #tpu.memory_space<vmem>>, %arg13: memref<1024xi32, #tpu.memory_space<vmem>>, %arg14: memref<4160xi32, #tpu.memory_space<vmem>>, %arg15: memref<4096xi32, #tpu.memory_space<vmem>>, %arg16: memref<64xi32, #tpu.memory_space<vmem>>) attributes {dimension_semantics = [#tpu.dimension_semantics<core_parallel>, #tpu.dimension_semantics<subcore_parallel>], iteration_bounds = array<i64: 2, 16>, scalar_prefetch = 0 : i64, scratch_operands = 9 : i64, tpu.core_type = #tpu.core_type<sc_vector_subcore>, window_params = [{transform_indices = #map}, {transform_indices = #map1}, {transform_indices = #map1}, {transform_indices = #map1}, {transform_indices = #map1}, {transform_indices = #map2}]} {
    %mul3A = arith.constant 2 : i32
    %mul3A_0 = arith.muli %arg1, %mul3A : i32
    %add3A = arith.addi %mul3A_0, %arg0 : i32
    "tpu.region"() ({
      %run_scoped3A = tpu.sem_alloc : memref<!tpu.dma_semaphore, #tpu.memory_space<semaphore_mem>>
      tpu.enqueue_dma source(%arg3 : memref<432xi32, #tpu.memory_space<hbm>>) target(%arg9 : memref<432xi32, #tpu.memory_space<vmem>>) target_semaphore(%run_scoped3A : memref<!tpu.dma_semaphore, #tpu.memory_space<semaphore_mem>>)
      tpu.wait_dma2 semaphore(%run_scoped3A : memref<!tpu.dma_semaphore, #tpu.memory_space<semaphore_mem>>) src(%arg3 : memref<432xi32, #tpu.memory_space<hbm>>) dst(%arg9 : memref<432xi32, #tpu.memory_space<vmem>>)
      tpu.yield
    }) : () -> ()
    "tpu.region"() ({
      %run_scoped3A = tpu.sem_alloc : memref<!tpu.dma_semaphore, #tpu.memory_space<semaphore_mem>>
      tpu.enqueue_dma source(%arg4 : memref<112xi32, #tpu.memory_space<hbm>>) target(%arg10 : memref<112xi32, #tpu.memory_space<vmem>>) target_semaphore(%run_scoped3A : memref<!tpu.dma_semaphore, #tpu.memory_space<semaphore_mem>>)
      tpu.wait_dma2 semaphore(%run_scoped3A : memref<!tpu.dma_semaphore, #tpu.memory_space<semaphore_mem>>) src(%arg4 : memref<112xi32, #tpu.memory_space<hbm>>) dst(%arg10 : memref<112xi32, #tpu.memory_space<vmem>>)
      tpu.yield
    }) : () -> ()
    "tpu.region"() ({
      %run_scoped3A = tpu.sem_alloc : memref<!tpu.dma_semaphore, #tpu.memory_space<semaphore_mem>>
      tpu.enqueue_dma source(%arg5 : memref<16xi32, #tpu.memory_space<hbm>>) target(%arg11 : memref<16xi32, #tpu.memory_space<vmem>>) target_semaphore(%run_scoped3A : memref<!tpu.dma_semaphore, #tpu.memory_space<semaphore_mem>>)
      tpu.wait_dma2 semaphore(%run_scoped3A : memref<!tpu.dma_semaphore, #tpu.memory_space<semaphore_mem>>) src(%arg5 : memref<16xi32, #tpu.memory_space<hbm>>) dst(%arg11 : memref<16xi32, #tpu.memory_space<vmem>>)
      tpu.yield
    }) : () -> ()
    "tpu.region"() ({
      %run_scoped3A = tpu.sem_alloc : memref<!tpu.dma_semaphore, #tpu.memory_space<semaphore_mem>>
      tpu.enqueue_dma source(%arg6 : memref<16xi32, #tpu.memory_space<hbm>>) target(%arg12 : memref<16xi32, #tpu.memory_space<vmem>>) target_semaphore(%run_scoped3A : memref<!tpu.dma_semaphore, #tpu.memory_space<semaphore_mem>>)
      tpu.wait_dma2 semaphore(%run_scoped3A : memref<!tpu.dma_semaphore, #tpu.memory_space<semaphore_mem>>) src(%arg6 : memref<16xi32, #tpu.memory_space<hbm>>) dst(%arg12 : memref<16xi32, #tpu.memory_space<vmem>>)
      tpu.yield
    }) : () -> ()
    %iota3A = tpu.iota {dimensions = array<i32: 0>} : vector<16xi32>
    %mul3A_1 = arith.constant 64 : i32
    %mul3A_2 = vector.broadcast %mul3A_1 : i32 to vector<16xi32>
    %mul3A_3 = arith.muli %iota3A, %mul3A_2 : vector<16xi32>
    %broadcast_in_dim3A = arith.constant 1 : i32
    %broadcast_in_dim3A_4 = vector.broadcast %broadcast_in_dim3A : i32 to vector<16xi32>
    %broadcast_in_dim3A_5 = arith.constant 0 : i32
    %broadcast_in_dim3A_6 = vector.broadcast %broadcast_in_dim3A_5 : i32 to vector<16xi32>
    %get3A = arith.constant 0 : index
    %get3A_7 = tpu.vector_load %arg11[%get3A] {strides = array<i32>} : memref<16xi32, #tpu.memory_space<vmem>>, vector<16xi32>,
    %get3A_8 = arith.constant 0 : index
    %get3A_9 = tpu.vector_load %arg12[%get3A_8] {strides = array<i32>} : memref<16xi32, #tpu.memory_space<vmem>>, vector<16xi32>,
    %slice3A = vector.extract_strided_slice %get3A_7 {offsets = [0], sizes = [1], strides = [1]} : vector<16xi32> to vector<1xi32>
    %squeeze3A = vector.extract %slice3A[0] : i32 from vector<1xi32>
    %broadcast_in_dim3A_10 = vector.broadcast %squeeze3A : i32 to vector<16xi32>
    %slice3A_11 = vector.extract_strided_slice %get3A_7 {offsets = [2], sizes = [1], strides = [1]} : vector<16xi32> to vector<1xi32>
    %squeeze3A_12 = vector.extract %slice3A_11[0] : i32 from vector<1xi32>
    %broadcast_in_dim3A_13 = vector.broadcast %squeeze3A_12 : i32 to vector<16xi32>
    %slice3A_14 = vector.extract_strided_slice %get3A_7 {offsets = [4], sizes = [1], strides = [1]} : vector<16xi32> to vector<1xi32>
    %squeeze3A_15 = vector.extract %slice3A_14[0] : i32 from vector<1xi32>
    %broadcast_in_dim3A_16 = vector.broadcast %squeeze3A_15 : i32 to vector<16xi32>
    %slice3A_17 = vector.extract_strided_slice %get3A_7 {offsets = [6], sizes = [1], strides = [1]} : vector<16xi32> to vector<1xi32>
    %squeeze3A_18 = vector.extract %slice3A_17[0] : i32 from vector<1xi32>
    %broadcast_in_dim3A_19 = vector.broadcast %squeeze3A_18 : i32 to vector<16xi32>
    %slice3A_20 = vector.extract_strided_slice %get3A_7 {offsets = [1], sizes = [1], strides = [1]} : vector<16xi32> to vector<1xi32>
    %squeeze3A_21 = vector.extract %slice3A_20[0] : i32 from vector<1xi32>
    %broadcast_in_dim3A_22 = vector.broadcast %squeeze3A_21 : i32 to vector<16xi32>
    %slice3A_23 = vector.extract_strided_slice %get3A_7 {offsets = [3], sizes = [1], strides = [1]} : vector<16xi32> to vector<1xi32>
    %squeeze3A_24 = vector.extract %slice3A_23[0] : i32 from vector<1xi32>
    %broadcast_in_dim3A_25 = vector.broadcast %squeeze3A_24 : i32 to vector<16xi32>
    %slice3A_26 = vector.extract_strided_slice %get3A_7 {offsets = [5], sizes = [1], strides = [1]} : vector<16xi32> to vector<1xi32>
    %squeeze3A_27 = vector.extract %slice3A_26[0] : i32 from vector<1xi32>
    %broadcast_in_dim3A_28 = vector.broadcast %squeeze3A_27 : i32 to vector<16xi32>
    %slice3A_29 = vector.extract_strided_slice %get3A_7 {offsets = [7], sizes = [1], strides = [1]} : vector<16xi32> to vector<1xi32>
    %squeeze3A_30 = vector.extract %slice3A_29[0] : i32 from vector<1xi32>
    %broadcast_in_dim3A_31 = vector.broadcast %squeeze3A_30 : i32 to vector<16xi32>
    %slice3A_32 = vector.extract_strided_slice %get3A_9 {offsets = [0], sizes = [1], strides = [1]} : vector<16xi32> to vector<1xi32>
    %squeeze3A_33 = vector.extract %slice3A_32[0] : i32 from vector<1xi32>
    %broadcast_in_dim3A_34 = vector.broadcast %squeeze3A_33 : i32 to vector<16xi32>
    %slice3A_35 = vector.extract_strided_slice %get3A_9 {offsets = [1], sizes = [1], strides = [1]} : vector<16xi32> to vector<1xi32>
    %squeeze3A_36 = vector.extract %slice3A_35[0] : i32 from vector<1xi32>
    %broadcast_in_dim3A_37 = vector.broadcast %squeeze3A_36 : i32 to vector<16xi32>
    %slice3A_38 = vector.extract_strided_slice %get3A_9 {offsets = [2], sizes = [1], strides = [1]} : vector<16xi32> to vector<1xi32>
    %squeeze3A_39 = vector.extract %slice3A_38[0] : i32 from vector<1xi32>
    %broadcast_in_dim3A_40 = vector.broadcast %squeeze3A_39 : i32 to vector<16xi32>
    %slice3A_41 = vector.extract_strided_slice %get3A_9 {offsets = [3], sizes = [1], strides = [1]} : vector<16xi32> to vector<1xi32>
    %squeeze3A_42 = vector.extract %slice3A_41[0] : i32 from vector<1xi32>
    %broadcast_in_dim3A_43 = vector.broadcast %squeeze3A_42 : i32 to vector<16xi32>
    %mul3A_44 = arith.constant 2 : i32
    %mul3A_45 = arith.muli %add3A, %mul3A_44 : i32
    %add3A_46 = arith.constant 0 : i32
    %add3A_47 = arith.addi %mul3A_45, %add3A_46 : i32
    "tpu.region"() ({
      %run_scoped3A = tpu.sem_alloc : memref<!tpu.dma_semaphore, #tpu.memory_space<semaphore_mem>>
      %dma_start3A = arith.constant 0 : i32
      %dma_start3A_830 = arith.constant 0 : i32
      %dma_start3A_831 = tpu.memref_slice %arg2[%add3A_47, %dma_start3A, %dma_start3A_830] : memref<64x16x4096xi32, #tpu.memory_space<hbm>> -> memref<1x16x4096xi32, #tpu.memory_space<hbm>>
      %dma_start3A_832 = tpu.memref_squeeze %dma_start3A_831 : memref<1x16x4096xi32, #tpu.memory_space<hbm>> -> memref<16x4096xi32, #tpu.memory_space<hbm>>
      %dma_start3A_833 = arith.constant 0 : i32
      %dma_start3A_834 = arith.constant 0 : i32
      %dma_start3A_835 = tpu.memref_slice %arg2[%add3A_47, %dma_start3A_833, %dma_start3A_834] : memref<64x16x4096xi32, #tpu.memory_space<hbm>> -> memref<1x16x4096xi32, #tpu.memory_space<hbm>>
      %dma_start3A_836 = tpu.memref_squeeze %dma_start3A_835 : memref<1x16x4096xi32, #tpu.memory_space<hbm>> -> memref<16x4096xi32, #tpu.memory_space<hbm>>
      tpu.enqueue_dma source(%dma_start3A_836 : memref<16x4096xi32, #tpu.memory_space<hbm>>) target(%arg8 : memref<16x4096xi32, #tpu.memory_space<vmem>>) target_semaphore(%run_scoped3A : memref<!tpu.dma_semaphore, #tpu.memory_space<semaphore_mem>>)
      %dma_wait3A = arith.constant 0 : i32
      %dma_wait3A_837 = arith.constant 0 : i32
      %dma_wait3A_838 = tpu.memref_slice %arg2[%add3A_47, %dma_wait3A, %dma_wait3A_837] : memref<64x16x4096xi32, #tpu.memory_space<hbm>> -> memref<1x16x4096xi32, #tpu.memory_space<hbm>>
      %dma_wait3A_839 = tpu.memref_squeeze %dma_wait3A_838 : memref<1x16x4096xi32, #tpu.memory_space<hbm>> -> memref<16x4096xi32, #tpu.memory_space<hbm>>
      %dma_wait3A_840 = arith.constant 0 : i32
      %dma_wait3A_841 = arith.constant 0 : i32
      %dma_wait3A_842 = tpu.memref_slice %arg2[%add3A_47, %dma_wait3A_840, %dma_wait3A_841] : memref<64x16x4096xi32, #tpu.memory_space<hbm>> -> memref<1x16x4096xi32, #tpu.memory_space<hbm>>
      %dma_wait3A_843 = tpu.memref_squeeze %dma_wait3A_842 : memref<1x16x4096xi32, #tpu.memory_space<hbm>> -> memref<16x4096xi32, #tpu.memory_space<hbm>>
      tpu.wait_dma2 semaphore(%run_scoped3A : memref<!tpu.dma_semaphore, #tpu.memory_space<semaphore_mem>>) src(%dma_wait3A_843 : memref<16x4096xi32, #tpu.memory_space<hbm>>) dst(%arg8 : memref<16x4096xi32, #tpu.memory_space<vmem>>)
      tpu.yield
    }) : () -> ()
    %swap3A = arith.constant 0 : index
    %swap3A_48 = tpu.vector_load %arg13[%swap3A] {strides = array<i32>} : memref<1024xi32, #tpu.memory_space<vmem>>, vector<16xi32>,
    tpu.vector_store %arg13[%swap3A], %broadcast_in_dim3A_6 {strides = array<i32>} : memref<1024xi32, #tpu.memory_space<vmem>>, vector<16xi32>,
    %swap3A_49 = arith.constant 16 : index
    %swap3A_50 = tpu.vector_load %arg13[%swap3A_49] {strides = array<i32>} : memref<1024xi32, #tpu.memory_space<vmem>>, vector<16xi32>,
    tpu.vector_store %arg13[%swap3A_49], %broadcast_in_dim3A_6 {strides = array<i32>} : memref<1024xi32, #tpu.memory_space<vmem>>, vector<16xi32>,
    %swap3A_51 = arith.constant 32 : index
    %swap3A_52 = tpu.vector_load %arg13[%swap3A_51] {strides = array<i32>} : memref<1024xi32, #tpu.memory_space<vmem>>, vector<16xi32>,
    tpu.vector_store %arg13[%swap3A_51], %broadcast_in_dim3A_6 {strides = array<i32>} : memref<1024xi32, #tpu.memory_space<vmem>>, vector<16xi32>,
    %swap3A_53 = arith.constant 48 : index
    %swap3A_54 = tpu.vector_load %arg13[%swap3A_53] {strides = array<i32>} : memref<1024xi32, #tpu.memory_space<vmem>>, vector<16xi32>,
    tpu.vector_store %arg13[%swap3A_53], %broadcast_in_dim3A_6 {strides = array<i32>} : memref<1024xi32, #tpu.memory_space<vmem>>, vector<16xi32>,
    %swap3A_55 = arith.constant 64 : index
    %swap3A_56 = tpu.vector_load %arg13[%swap3A_55] {strides = array<i32>} : memref<1024xi32, #tpu.memory_space<vmem>>, vector<16xi32>,
    tpu.vector_store %arg13[%swap3A_55], %broadcast_in_dim3A_6 {strides = array<i32>} : memref<1024xi32, #tpu.memory_space<vmem>>, vector<16xi32>,
    %swap3A_57 = arith.constant 80 : index
    %swap3A_58 = tpu.vector_load %arg13[%swap3A_57] {strides = array<i32>} : memref<1024xi32, #tpu.memory_space<vmem>>, vector<16xi32>,
    tpu.vector_store %arg13[%swap3A_57], %broadcast_in_dim3A_6 {strides = array<i32>} : memref<1024xi32, #tpu.memory_space<vmem>>, vector<16xi32>,
    %swap3A_59 = arith.constant 96 : index
    %swap3A_60 = tpu.vector_load %arg13[%swap3A_59] {strides = array<i32>} : memref<1024xi32, #tpu.memory_space<vmem>>, vector<16xi32>,
    tpu.vector_store %arg13[%swap3A_59], %broadcast_in_dim3A_6 {strides = array<i32>} : memref<1024xi32, #tpu.memory_space<vmem>>, vector<16xi32>,
    %swap3A_61 = arith.constant 112 : index
    %swap3A_62 = tpu.vector_load %arg13[%swap3A_61] {strides = array<i32>} : memref<1024xi32, #tpu.memory_space<vmem>>, vector<16xi32>,
    tpu.vector_store %arg13[%swap3A_61], %broadcast_in_dim3A_6 {strides = array<i32>} : memref<1024xi32, #tpu.memory_space<vmem>>, vector<16xi32>,
    %swap3A_63 = arith.constant 128 : index
    %swap3A_64 = tpu.vector_load %arg13[%swap3A_63] {strides = array<i32>} : memref<1024xi32, #tpu.memory_space<vmem>>, vector<16xi32>,
    tpu.vector_store %arg13[%swap3A_63], %broadcast_in_dim3A_6 {strides = array<i32>} : memref<1024xi32, #tpu.memory_space<vmem>>, vector<16xi32>,
    %swap3A_65 = arith.constant 144 : index
    %swap3A_66 = tpu.vector_load %arg13[%swap3A_65] {strides = array<i32>} : memref<1024xi32, #tpu.memory_space<vmem>>, vector<16xi32>,
    tpu.vector_store %arg13[%swap3A_65], %broadcast_in_dim3A_6 {strides = array<i32>} : memref<1024xi32, #tpu.memory_space<vmem>>, vector<16xi32>,
    %swap3A_67 = arith.constant 160 : index
    %swap3A_68 = tpu.vector_load %arg13[%swap3A_67] {strides = array<i32>} : memref<1024xi32, #tpu.memory_space<vmem>>, vector<16xi32>,
    tpu.vector_store %arg13[%swap3A_67], %broadcast_in_dim3A_6 {strides = array<i32>} : memref<1024xi32, #tpu.memory_space<vmem>>, vector<16xi32>,
    %swap3A_69 = arith.constant 176 : index
    %swap3A_70 = tpu.vector_load %arg13[%swap3A_69] {strides = array<i32>} : memref<1024xi32, #tpu.memory_space<vmem>>, vector<16xi32>,
    tpu.vector_store %arg13[%swap3A_69], %broadcast_in_dim3A_6 {strides = array<i32>} : memref<1024xi32, #tpu.memory_space<vmem>>, vector<16xi32>,
    %swap3A_71 = arith.constant 192 : index
    %swap3A_72 = tpu.vector_load %arg13[%swap3A_71] {strides = array<i32>} : memref<1024xi32, #tpu.memory_space<vmem>>, vector<16xi32>,
    tpu.vector_store %arg13[%swap3A_71], %broadcast_in_dim3A_6 {strides = array<i32>} : memref<1024xi32, #tpu.memory_space<vmem>>, vector<16xi32>,
    %swap3A_73 = arith.constant 208 : index
    %swap3A_74 = tpu.vector_load %arg13[%swap3A_73] {strides = array<i32>} : memref<1024xi32, #tpu.memory_space<vmem>>, vector<16xi32>,
    tpu.vector_store %arg13[%swap3A_73], %broadcast_in_dim3A_6 {strides = array<i32>} : memref<1024xi32, #tpu.memory_space<vmem>>, vector<16xi32>,
    %swap3A_75 = arith.constant 224 : index
    %swap3A_76 = tpu.vector_load %arg13[%swap3A_75] {strides = array<i32>} : memref<1024xi32, #tpu.memory_space<vmem>>, vector<16xi32>,
    tpu.vector_store %arg13[%swap3A_75], %broadcast_in_dim3A_6 {strides = array<i32>} : memref<1024xi32, #tpu.memory_space<vmem>>, vector<16xi32>,
    %swap3A_77 = arith.constant 240 : index
    %swap3A_78 = tpu.vector_load %arg13[%swap3A_77] {strides = array<i32>} : memref<1024xi32, #tpu.memory_space<vmem>>, vector<16xi32>,
    tpu.vector_store %arg13[%swap3A_77], %broadcast_in_dim3A_6 {strides = array<i32>} : memref<1024xi32, #tpu.memory_space<vmem>>, vector<16xi32>,
    %swap3A_79 = arith.constant 256 : index
    %swap3A_80 = tpu.vector_load %arg13[%swap3A_79] {strides = array<i32>} : memref<1024xi32, #tpu.memory_space<vmem>>, vector<16xi32>,
    tpu.vector_store %arg13[%swap3A_79], %broadcast_in_dim3A_6 {strides = array<i32>} : memref<1024xi32, #tpu.memory_space<vmem>>, vector<16xi32>,
    %swap3A_81 = arith.constant 272 : index
    %swap3A_82 = tpu.vector_load %arg13[%swap3A_81] {strides = array<i32>} : memref<1024xi32, #tpu.memory_space<vmem>>, vector<16xi32>,
    tpu.vector_store %arg13[%swap3A_81], %broadcast_in_dim3A_6 {strides = array<i32>} : memref<1024xi32, #tpu.memory_space<vmem>>, vector<16xi32>,
    %swap3A_83 = arith.constant 288 : index
    %swap3A_84 = tpu.vector_load %arg13[%swap3A_83] {strides = array<i32>} : memref<1024xi32, #tpu.memory_space<vmem>>, vector<16xi32>,
    tpu.vector_store %arg13[%swap3A_83], %broadcast_in_dim3A_6 {strides = array<i32>} : memref<1024xi32, #tpu.memory_space<vmem>>, vector<16xi32>,
    %swap3A_85 = arith.constant 304 : index
    %swap3A_86 = tpu.vector_load %arg13[%swap3A_85] {strides = array<i32>} : memref<1024xi32, #tpu.memory_space<vmem>>, vector<16xi32>,
    tpu.vector_store %arg13[%swap3A_85], %broadcast_in_dim3A_6 {strides = array<i32>} : memref<1024xi32, #tpu.memory_space<vmem>>, vector<16xi32>,
    %swap3A_87 = arith.constant 320 : index
    %swap3A_88 = tpu.vector_load %arg13[%swap3A_87] {strides = array<i32>} : memref<1024xi32, #tpu.memory_space<vmem>>, vector<16xi32>,
    tpu.vector_store %arg13[%swap3A_87], %broadcast_in_dim3A_6 {strides = array<i32>} : memref<1024xi32, #tpu.memory_space<vmem>>, vector<16xi32>,
    %swap3A_89 = arith.constant 336 : index
    %swap3A_90 = tpu.vector_load %arg13[%swap3A_89] {strides = array<i32>} : memref<1024xi32, #tpu.memory_space<vmem>>, vector<16xi32>,
    tpu.vector_store %arg13[%swap3A_89], %broadcast_in_dim3A_6 {strides = array<i32>} : memref<1024xi32, #tpu.memory_space<vmem>>, vector<16xi32>,
    %swap3A_91 = arith.constant 352 : index
    %swap3A_92 = tpu.vector_load %arg13[%swap3A_91] {strides = array<i32>} : memref<1024xi32, #tpu.memory_space<vmem>>, vector<16xi32>,
    tpu.vector_store %arg13[%swap3A_91], %broadcast_in_dim3A_6 {strides = array<i32>} : memref<1024xi32, #tpu.memory_space<vmem>>, vector<16xi32>,
    %swap3A_93 = arith.constant 368 : index
    %swap3A_94 = tpu.vector_load %arg13[%swap3A_93] {strides = array<i32>} : memref<1024xi32, #tpu.memory_space<vmem>>, vector<16xi32>,
    tpu.vector_store %arg13[%swap3A_93], %broadcast_in_dim3A_6 {strides = array<i32>} : memref<1024xi32, #tpu.memory_space<vmem>>, vector<16xi32>,
    %swap3A_95 = arith.constant 384 : index
    %swap3A_96 = tpu.vector_load %arg13[%swap3A_95] {strides = array<i32>} : memref<1024xi32, #tpu.memory_space<vmem>>, vector<16xi32>,
    tpu.vector_store %arg13[%swap3A_95], %broadcast_in_dim3A_6 {strides = array<i32>} : memref<1024xi32, #tpu.memory_space<vmem>>, vector<16xi32>,
    %swap3A_97 = arith.constant 400 : index
    %swap3A_98 = tpu.vector_load %arg13[%swap3A_97] {strides = array<i32>} : memref<1024xi32, #tpu.memory_space<vmem>>, vector<16xi32>,
    tpu.vector_store %arg13[%swap3A_97], %broadcast_in_dim3A_6 {strides = array<i32>} : memref<1024xi32, #tpu.memory_space<vmem>>, vector<16xi32>,
    %swap3A_99 = arith.constant 416 : index
    %swap3A_100 = tpu.vector_load %arg13[%swap3A_99] {strides = array<i32>} : memref<1024xi32, #tpu.memory_space<vmem>>, vector<16xi32>,
    tpu.vector_store %arg13[%swap3A_99], %broadcast_in_dim3A_6 {strides = array<i32>} : memref<1024xi32, #tpu.memory_space<vmem>>, vector<16xi32>,
    %swap3A_101 = arith.constant 432 : index
    %swap3A_102 = tpu.vector_load %arg13[%swap3A_101] {strides = array<i32>} : memref<1024xi32, #tpu.memory_space<vmem>>, vector<16xi32>,
    tpu.vector_store %arg13[%swap3A_101], %broadcast_in_dim3A_6 {strides = array<i32>} : memref<1024xi32, #tpu.memory_space<vmem>>, vector<16xi32>,
    %swap3A_103 = arith.constant 448 : index
    %swap3A_104 = tpu.vector_load %arg13[%swap3A_103] {strides = array<i32>} : memref<1024xi32, #tpu.memory_space<vmem>>, vector<16xi32>,
    tpu.vector_store %arg13[%swap3A_103], %broadcast_in_dim3A_6 {strides = array<i32>} : memref<1024xi32, #tpu.memory_space<vmem>>, vector<16xi32>,
    %swap3A_105 = arith.constant 464 : index
    %swap3A_106 = tpu.vector_load %arg13[%swap3A_105] {strides = array<i32>} : memref<1024xi32, #tpu.memory_space<vmem>>, vector<16xi32>,
    tpu.vector_store %arg13[%swap3A_105], %broadcast_in_dim3A_6 {strides = array<i32>} : memref<1024xi32, #tpu.memory_space<vmem>>, vector<16xi32>,
    %swap3A_107 = arith.constant 480 : index
    %swap3A_108 = tpu.vector_load %arg13[%swap3A_107] {strides = array<i32>} : memref<1024xi32, #tpu.memory_space<vmem>>, vector<16xi32>,
    tpu.vector_store %arg13[%swap3A_107], %broadcast_in_dim3A_6 {strides = array<i32>} : memref<1024xi32, #tpu.memory_space<vmem>>, vector<16xi32>,
    %swap3A_109 = arith.constant 496 : index
    %swap3A_110 = tpu.vector_load %arg13[%swap3A_109] {strides = array<i32>} : memref<1024xi32, #tpu.memory_space<vmem>>, vector<16xi32>,
    tpu.vector_store %arg13[%swap3A_109], %broadcast_in_dim3A_6 {strides = array<i32>} : memref<1024xi32, #tpu.memory_space<vmem>>, vector<16xi32>,
    %swap3A_111 = arith.constant 512 : index
    %swap3A_112 = tpu.vector_load %arg13[%swap3A_111] {strides = array<i32>} : memref<1024xi32, #tpu.memory_space<vmem>>, vector<16xi32>,
    tpu.vector_store %arg13[%swap3A_111], %broadcast_in_dim3A_6 {strides = array<i32>} : memref<1024xi32, #tpu.memory_space<vmem>>, vector<16xi32>,
    %swap3A_113 = arith.constant 528 : index
    %swap3A_114 = tpu.vector_load %arg13[%swap3A_113] {strides = array<i32>} : memref<1024xi32, #tpu.memory_space<vmem>>, vector<16xi32>,
    tpu.vector_store %arg13[%swap3A_113], %broadcast_in_dim3A_6 {strides = array<i32>} : memref<1024xi32, #tpu.memory_space<vmem>>, vector<16xi32>,
    %swap3A_115 = arith.constant 544 : index
    %swap3A_116 = tpu.vector_load %arg13[%swap3A_115] {strides = array<i32>} : memref<1024xi32, #tpu.memory_space<vmem>>, vector<16xi32>,
    tpu.vector_store %arg13[%swap3A_115], %broadcast_in_dim3A_6 {strides = array<i32>} : memref<1024xi32, #tpu.memory_space<vmem>>, vector<16xi32>,
    %swap3A_117 = arith.constant 560 : index
    %swap3A_118 = tpu.vector_load %arg13[%swap3A_117] {strides = array<i32>} : memref<1024xi32, #tpu.memory_space<vmem>>, vector<16xi32>,
    tpu.vector_store %arg13[%swap3A_117], %broadcast_in_dim3A_6 {strides = array<i32>} : memref<1024xi32, #tpu.memory_space<vmem>>, vector<16xi32>,
    %swap3A_119 = arith.constant 576 : index
    %swap3A_120 = tpu.vector_load %arg13[%swap3A_119] {strides = array<i32>} : memref<1024xi32, #tpu.memory_space<vmem>>, vector<16xi32>,
    tpu.vector_store %arg13[%swap3A_119], %broadcast_in_dim3A_6 {strides = array<i32>} : memref<1024xi32, #tpu.memory_space<vmem>>, vector<16xi32>,
    %swap3A_121 = arith.constant 592 : index
    %swap3A_122 = tpu.vector_load %arg13[%swap3A_121] {strides = array<i32>} : memref<1024xi32, #tpu.memory_space<vmem>>, vector<16xi32>,
    tpu.vector_store %arg13[%swap3A_121], %broadcast_in_dim3A_6 {strides = array<i32>} : memref<1024xi32, #tpu.memory_space<vmem>>, vector<16xi32>,
    %swap3A_123 = arith.constant 608 : index
    %swap3A_124 = tpu.vector_load %arg13[%swap3A_123] {strides = array<i32>} : memref<1024xi32, #tpu.memory_space<vmem>>, vector<16xi32>,
    tpu.vector_store %arg13[%swap3A_123], %broadcast_in_dim3A_6 {strides = array<i32>} : memref<1024xi32, #tpu.memory_space<vmem>>, vector<16xi32>,
    %swap3A_125 = arith.constant 624 : index
    %swap3A_126 = tpu.vector_load %arg13[%swap3A_125] {strides = array<i32>} : memref<1024xi32, #tpu.memory_space<vmem>>, vector<16xi32>,
    tpu.vector_store %arg13[%swap3A_125], %broadcast_in_dim3A_6 {strides = array<i32>} : memref<1024xi32, #tpu.memory_space<vmem>>, vector<16xi32>,
    %swap3A_127 = arith.constant 640 : index
    %swap3A_128 = tpu.vector_load %arg13[%swap3A_127] {strides = array<i32>} : memref<1024xi32, #tpu.memory_space<vmem>>, vector<16xi32>,
    tpu.vector_store %arg13[%swap3A_127], %broadcast_in_dim3A_6 {strides = array<i32>} : memref<1024xi32, #tpu.memory_space<vmem>>, vector<16xi32>,
    %swap3A_129 = arith.constant 656 : index
    %swap3A_130 = tpu.vector_load %arg13[%swap3A_129] {strides = array<i32>} : memref<1024xi32, #tpu.memory_space<vmem>>, vector<16xi32>,
    tpu.vector_store %arg13[%swap3A_129], %broadcast_in_dim3A_6 {strides = array<i32>} : memref<1024xi32, #tpu.memory_space<vmem>>, vector<16xi32>,
    %swap3A_131 = arith.constant 672 : index
    %swap3A_132 = tpu.vector_load %arg13[%swap3A_131] {strides = array<i32>} : memref<1024xi32, #tpu.memory_space<vmem>>, vector<16xi32>,
    tpu.vector_store %arg13[%swap3A_131], %broadcast_in_dim3A_6 {strides = array<i32>} : memref<1024xi32, #tpu.memory_space<vmem>>, vector<16xi32>,
    %swap3A_133 = arith.constant 688 : index
    %swap3A_134 = tpu.vector_load %arg13[%swap3A_133] {strides = array<i32>} : memref<1024xi32, #tpu.memory_space<vmem>>, vector<16xi32>,
    tpu.vector_store %arg13[%swap3A_133], %broadcast_in_dim3A_6 {strides = array<i32>} : memref<1024xi32, #tpu.memory_space<vmem>>, vector<16xi32>,
    %swap3A_135 = arith.constant 704 : index
    %swap3A_136 = tpu.vector_load %arg13[%swap3A_135] {strides = array<i32>} : memref<1024xi32, #tpu.memory_space<vmem>>, vector<16xi32>,
    tpu.vector_store %arg13[%swap3A_135], %broadcast_in_dim3A_6 {strides = array<i32>} : memref<1024xi32, #tpu.memory_space<vmem>>, vector<16xi32>,
    %swap3A_137 = arith.constant 720 : index
    %swap3A_138 = tpu.vector_load %arg13[%swap3A_137] {strides = array<i32>} : memref<1024xi32, #tpu.memory_space<vmem>>, vector<16xi32>,
    tpu.vector_store %arg13[%swap3A_137], %broadcast_in_dim3A_6 {strides = array<i32>} : memref<1024xi32, #tpu.memory_space<vmem>>, vector<16xi32>,
    %swap3A_139 = arith.constant 736 : index
    %swap3A_140 = tpu.vector_load %arg13[%swap3A_139] {strides = array<i32>} : memref<1024xi32, #tpu.memory_space<vmem>>, vector<16xi32>,
    tpu.vector_store %arg13[%swap3A_139], %broadcast_in_dim3A_6 {strides = array<i32>} : memref<1024xi32, #tpu.memory_space<vmem>>, vector<16xi32>,
    %swap3A_141 = arith.constant 752 : index
    %swap3A_142 = tpu.vector_load %arg13[%swap3A_141] {strides = array<i32>} : memref<1024xi32, #tpu.memory_space<vmem>>, vector<16xi32>,
    tpu.vector_store %arg13[%swap3A_141], %broadcast_in_dim3A_6 {strides = array<i32>} : memref<1024xi32, #tpu.memory_space<vmem>>, vector<16xi32>,
    %swap3A_143 = arith.constant 768 : index
    %swap3A_144 = tpu.vector_load %arg13[%swap3A_143] {strides = array<i32>} : memref<1024xi32, #tpu.memory_space<vmem>>, vector<16xi32>,
    tpu.vector_store %arg13[%swap3A_143], %broadcast_in_dim3A_6 {strides = array<i32>} : memref<1024xi32, #tpu.memory_space<vmem>>, vector<16xi32>,
    %swap3A_145 = arith.constant 784 : index
    %swap3A_146 = tpu.vector_load %arg13[%swap3A_145] {strides = array<i32>} : memref<1024xi32, #tpu.memory_space<vmem>>, vector<16xi32>,
    tpu.vector_store %arg13[%swap3A_145], %broadcast_in_dim3A_6 {strides = array<i32>} : memref<1024xi32, #tpu.memory_space<vmem>>, vector<16xi32>,
    %swap3A_147 = arith.constant 800 : index
    %swap3A_148 = tpu.vector_load %arg13[%swap3A_147] {strides = array<i32>} : memref<1024xi32, #tpu.memory_space<vmem>>, vector<16xi32>,
    tpu.vector_store %arg13[%swap3A_147], %broadcast_in_dim3A_6 {strides = array<i32>} : memref<1024xi32, #tpu.memory_space<vmem>>, vector<16xi32>,
    %swap3A_149 = arith.constant 816 : index
    %swap3A_150 = tpu.vector_load %arg13[%swap3A_149] {strides = array<i32>} : memref<1024xi32, #tpu.memory_space<vmem>>, vector<16xi32>,
    tpu.vector_store %arg13[%swap3A_149], %broadcast_in_dim3A_6 {strides = array<i32>} : memref<1024xi32, #tpu.memory_space<vmem>>, vector<16xi32>,
    %swap3A_151 = arith.constant 832 : index
    %swap3A_152 = tpu.vector_load %arg13[%swap3A_151] {strides = array<i32>} : memref<1024xi32, #tpu.memory_space<vmem>>, vector<16xi32>,
    tpu.vector_store %arg13[%swap3A_151], %broadcast_in_dim3A_6 {strides = array<i32>} : memref<1024xi32, #tpu.memory_space<vmem>>, vector<16xi32>,
    %swap3A_153 = arith.constant 848 : index
    %swap3A_154 = tpu.vector_load %arg13[%swap3A_153] {strides = array<i32>} : memref<1024xi32, #tpu.memory_space<vmem>>, vector<16xi32>,
    tpu.vector_store %arg13[%swap3A_153], %broadcast_in_dim3A_6 {strides = array<i32>} : memref<1024xi32, #tpu.memory_space<vmem>>, vector<16xi32>,
    %swap3A_155 = arith.constant 864 : index
    %swap3A_156 = tpu.vector_load %arg13[%swap3A_155] {strides = array<i32>} : memref<1024xi32, #tpu.memory_space<vmem>>, vector<16xi32>,
    tpu.vector_store %arg13[%swap3A_155], %broadcast_in_dim3A_6 {strides = array<i32>} : memref<1024xi32, #tpu.memory_space<vmem>>, vector<16xi32>,
    %swap3A_157 = arith.constant 880 : index
    %swap3A_158 = tpu.vector_load %arg13[%swap3A_157] {strides = array<i32>} : memref<1024xi32, #tpu.memory_space<vmem>>, vector<16xi32>,
    tpu.vector_store %arg13[%swap3A_157], %broadcast_in_dim3A_6 {strides = array<i32>} : memref<1024xi32, #tpu.memory_space<vmem>>, vector<16xi32>,
    %swap3A_159 = arith.constant 896 : index
    %swap3A_160 = tpu.vector_load %arg13[%swap3A_159] {strides = array<i32>} : memref<1024xi32, #tpu.memory_space<vmem>>, vector<16xi32>,
    tpu.vector_store %arg13[%swap3A_159], %broadcast_in_dim3A_6 {strides = array<i32>} : memref<1024xi32, #tpu.memory_space<vmem>>, vector<16xi32>,
    %swap3A_161 = arith.constant 912 : index
    %swap3A_162 = tpu.vector_load %arg13[%swap3A_161] {strides = array<i32>} : memref<1024xi32, #tpu.memory_space<vmem>>, vector<16xi32>,
    tpu.vector_store %arg13[%swap3A_161], %broadcast_in_dim3A_6 {strides = array<i32>} : memref<1024xi32, #tpu.memory_space<vmem>>, vector<16xi32>,
    %swap3A_163 = arith.constant 928 : index
    %swap3A_164 = tpu.vector_load %arg13[%swap3A_163] {strides = array<i32>} : memref<1024xi32, #tpu.memory_space<vmem>>, vector<16xi32>,
    tpu.vector_store %arg13[%swap3A_163], %broadcast_in_dim3A_6 {strides = array<i32>} : memref<1024xi32, #tpu.memory_space<vmem>>, vector<16xi32>,
    %swap3A_165 = arith.constant 944 : index
    %swap3A_166 = tpu.vector_load %arg13[%swap3A_165] {strides = array<i32>} : memref<1024xi32, #tpu.memory_space<vmem>>, vector<16xi32>,
    tpu.vector_store %arg13[%swap3A_165], %broadcast_in_dim3A_6 {strides = array<i32>} : memref<1024xi32, #tpu.memory_space<vmem>>, vector<16xi32>,
    %swap3A_167 = arith.constant 960 : index
    %swap3A_168 = tpu.vector_load %arg13[%swap3A_167] {strides = array<i32>} : memref<1024xi32, #tpu.memory_space<vmem>>, vector<16xi32>,
    tpu.vector_store %arg13[%swap3A_167], %broadcast_in_dim3A_6 {strides = array<i32>} : memref<1024xi32, #tpu.memory_space<vmem>>, vector<16xi32>,
    %swap3A_169 = arith.constant 976 : index
    %swap3A_170 = tpu.vector_load %arg13[%swap3A_169] {strides = array<i32>} : memref<1024xi32, #tpu.memory_space<vmem>>, vector<16xi32>,
    tpu.vector_store %arg13[%swap3A_169], %broadcast_in_dim3A_6 {strides = array<i32>} : memref<1024xi32, #tpu.memory_space<vmem>>, vector<16xi32>,
    %swap3A_171 = arith.constant 992 : index
    %swap3A_172 = tpu.vector_load %arg13[%swap3A_171] {strides = array<i32>} : memref<1024xi32, #tpu.memory_space<vmem>>, vector<16xi32>,
    tpu.vector_store %arg13[%swap3A_171], %broadcast_in_dim3A_6 {strides = array<i32>} : memref<1024xi32, #tpu.memory_space<vmem>>, vector<16xi32>,
    %swap3A_173 = arith.constant 1008 : index
    %swap3A_174 = tpu.vector_load %arg13[%swap3A_173] {strides = array<i32>} : memref<1024xi32, #tpu.memory_space<vmem>>, vector<16xi32>,
    tpu.vector_store %arg13[%swap3A_173], %broadcast_in_dim3A_6 {strides = array<i32>} : memref<1024xi32, #tpu.memory_space<vmem>>, vector<16xi32>,
    %while3A = arith.constant 0 : i32
    %while3A_175 = arith.constant -862048943 : i32
    %while3A_176 = arith.constant 461845907 : i32
    %while3A_177 = arith.constant 0 : i32
    %while3A_178 = arith.constant 256 : i32
    %while3A_179 = arith.subi %while3A_178, %while3A_177 : i32
    %while3A_180 = arith.addi %while3A_177, %while3A_179 : i32
    %while3A_181 = arith.constant 1 : i32
    %while3A_182 = arith.divsi %while3A_179, %while3A_181 : i32
    %while3A_183 = arith.muli %while3A_182, %while3A_181 : i32
    %while3A_184 = arith.addi %while3A_177, %while3A_183 : i32
    %while3A_185 = arith.constant 1 : i32
    scf.for %while3A_830 = %while3A_177 to %while3A_184 step %while3A_185  : i32 {
      %mul3A_831 = arith.constant 16 : i32
      %mul3A_832 = arith.muli %while3A_830, %mul3A_831 : i32
      %get3A_833 = arith.constant 0 : i64
      %get3A_834 = arith.index_cast %get3A_833 : i64 to index
      %get3A_835 = arith.index_cast %mul3A_832 : i32 to index
      %get3A_836 = tpu.vector_load %arg8[%get3A_834, %get3A_835] {strides = array<i32>} : memref<16x4096xi32, #tpu.memory_space<vmem>>, vector<16xi32>,
      %get3A_837 = arith.constant 1 : i64
      %get3A_838 = arith.index_cast %get3A_837 : i64 to index
      %get3A_839 = arith.index_cast %mul3A_832 : i32 to index
      %get3A_840 = tpu.vector_load %arg8[%get3A_838, %get3A_839] {strides = array<i32>} : memref<16x4096xi32, #tpu.memory_space<vmem>>, vector<16xi32>,
      %get3A_841 = arith.constant 2 : i64
      %get3A_842 = arith.index_cast %get3A_841 : i64 to index
      %get3A_843 = arith.index_cast %mul3A_832 : i32 to index
      %get3A_844 = tpu.vector_load %arg8[%get3A_842, %get3A_843] {strides = array<i32>} : memref<16x4096xi32, #tpu.memory_space<vmem>>, vector<16xi32>,
      %get3A_845 = arith.constant 3 : i64
      %get3A_846 = arith.index_cast %get3A_845 : i64 to index
      %get3A_847 = arith.index_cast %mul3A_832 : i32 to index
      %get3A_848 = tpu.vector_load %arg8[%get3A_846, %get3A_847] {strides = array<i32>} : memref<16x4096xi32, #tpu.memory_space<vmem>>, vector<16xi32>,
      %get3A_849 = arith.constant 4 : i64
      %get3A_850 = arith.index_cast %get3A_849 : i64 to index
      %get3A_851 = arith.index_cast %mul3A_832 : i32 to index
      %get3A_852 = tpu.vector_load %arg8[%get3A_850, %get3A_851] {strides = array<i32>} : memref<16x4096xi32, #tpu.memory_space<vmem>>, vector<16xi32>,
      %get3A_853 = arith.constant 5 : i64
      %get3A_854 = arith.index_cast %get3A_853 : i64 to index
      %get3A_855 = arith.index_cast %mul3A_832 : i32 to index
      %get3A_856 = tpu.vector_load %arg8[%get3A_854, %get3A_855] {strides = array<i32>} : memref<16x4096xi32, #tpu.memory_space<vmem>>, vector<16xi32>,
      %get3A_857 = arith.constant 6 : i64
      %get3A_858 = arith.index_cast %get3A_857 : i64 to index
      %get3A_859 = arith.index_cast %mul3A_832 : i32 to index
      %get3A_860 = tpu.vector_load %arg8[%get3A_858, %get3A_859] {strides = array<i32>} : memref<16x4096xi32, #tpu.memory_space<vmem>>, vector<16xi32>,
      %get3A_861 = arith.constant 7 : i64
      %get3A_862 = arith.index_cast %get3A_861 : i64 to index
      %get3A_863 = arith.index_cast %mul3A_832 : i32 to index
      %get3A_864 = tpu.vector_load %arg8[%get3A_862, %get3A_863] {strides = array<i32>} : memref<16x4096xi32, #tpu.memory_space<vmem>>, vector<16xi32>,
      %get3A_865 = arith.constant 8 : i64
      %get3A_866 = arith.index_cast %get3A_865 : i64 to index
      %get3A_867 = arith.index_cast %mul3A_832 : i32 to index
      %get3A_868 = tpu.vector_load %arg8[%get3A_866, %get3A_867] {strides = array<i32>} : memref<16x4096xi32, #tpu.memory_space<vmem>>, vector<16xi32>,
      %get3A_869 = arith.constant 9 : i64
      %get3A_870 = arith.index_cast %get3A_869 : i64 to index
      %get3A_871 = arith.index_cast %mul3A_832 : i32 to index
      %get3A_872 = tpu.vector_load %arg8[%get3A_870, %get3A_871] {strides = array<i32>} : memref<16x4096xi32, #tpu.memory_space<vmem>>, vector<16xi32>,
      %get3A_873 = arith.constant 10 : i64
      %get3A_874 = arith.index_cast %get3A_873 : i64 to index
      %get3A_875 = arith.index_cast %mul3A_832 : i32 to index
      %get3A_876 = tpu.vector_load %arg8[%get3A_874, %get3A_875] {strides = array<i32>} : memref<16x4096xi32, #tpu.memory_space<vmem>>, vector<16xi32>,
      %get3A_877 = arith.constant 11 : i64
      %get3A_878 = arith.index_cast %get3A_877 : i64 to index
      %get3A_879 = arith.index_cast %mul3A_832 : i32 to index
      %get3A_880 = tpu.vector_load %arg8[%get3A_878, %get3A_879] {strides = array<i32>} : memref<16x4096xi32, #tpu.memory_space<vmem>>, vector<16xi32>,
      %get3A_881 = arith.constant 12 : i64
      %get3A_882 = arith.index_cast %get3A_881 : i64 to index
      %get3A_883 = arith.index_cast %mul3A_832 : i32 to index
      %get3A_884 = tpu.vector_load %arg8[%get3A_882, %get3A_883] {strides = array<i32>} : memref<16x4096xi32, #tpu.memory_space<vmem>>, vector<16xi32>,
      %get3A_885 = arith.constant 13 : i64
      %get3A_886 = arith.index_cast %get3A_885 : i64 to index
      %get3A_887 = arith.index_cast %mul3A_832 : i32 to index
      %get3A_888 = tpu.vector_load %arg8[%get3A_886, %get3A_887] {strides = array<i32>} : memref<16x4096xi32, #tpu.memory_space<vmem>>, vector<16xi32>,
      %get3A_889 = arith.constant 14 : i64
      %get3A_890 = arith.index_cast %get3A_889 : i64 to index
      %get3A_891 = arith.index_cast %mul3A_832 : i32 to index
      %get3A_892 = tpu.vector_load %arg8[%get3A_890, %get3A_891] {strides = array<i32>} : memref<16x4096xi32, #tpu.memory_space<vmem>>, vector<16xi32>,
      %get3A_893 = arith.constant 15 : i64
      %get3A_894 = arith.index_cast %get3A_893 : i64 to index
      %get3A_895 = arith.index_cast %mul3A_832 : i32 to index
      %get3A_896 = tpu.vector_load %arg8[%get3A_894, %get3A_895] {strides = array<i32>} : memref<16x4096xi32, #tpu.memory_space<vmem>>, vector<16xi32>,
      %shift_left3A = arith.constant 8 : i32
      %shift_left3A_897 = vector.broadcast %shift_left3A : i32 to vector<16xi32>
      %shift_left3A_898 = arith.shli %get3A_840, %shift_left3A_897 : vector<16xi32>
      %or3A = arith.ori %get3A_836, %shift_left3A_898 : vector<16xi32>
      %shift_left3A_899 = arith.constant 16 : i32
      %shift_left3A_900 = vector.broadcast %shift_left3A_899 : i32 to vector<16xi32>
      %shift_left3A_901 = arith.shli %get3A_844, %shift_left3A_900 : vector<16xi32>
      %or3A_902 = arith.ori %or3A, %shift_left3A_901 : vector<16xi32>
      %shift_left3A_903 = arith.constant 24 : i32
      %shift_left3A_904 = vector.broadcast %shift_left3A_903 : i32 to vector<16xi32>
      %shift_left3A_905 = arith.shli %get3A_848, %shift_left3A_904 : vector<16xi32>
      %or3A_906 = arith.ori %or3A_902, %shift_left3A_905 : vector<16xi32>
      %shift_left3A_907 = arith.constant 8 : i32
      %shift_left3A_908 = vector.broadcast %shift_left3A_907 : i32 to vector<16xi32>
      %shift_left3A_909 = arith.shli %get3A_856, %shift_left3A_908 : vector<16xi32>
      %or3A_910 = arith.ori %get3A_852, %shift_left3A_909 : vector<16xi32>
      %shift_left3A_911 = arith.constant 16 : i32
      %shift_left3A_912 = vector.broadcast %shift_left3A_911 : i32 to vector<16xi32>
      %shift_left3A_913 = arith.shli %get3A_860, %shift_left3A_912 : vector<16xi32>
      %or3A_914 = arith.ori %or3A_910, %shift_left3A_913 : vector<16xi32>
      %shift_left3A_915 = arith.constant 24 : i32
      %shift_left3A_916 = vector.broadcast %shift_left3A_915 : i32 to vector<16xi32>
      %shift_left3A_917 = arith.shli %get3A_864, %shift_left3A_916 : vector<16xi32>
      %or3A_918 = arith.ori %or3A_914, %shift_left3A_917 : vector<16xi32>
      %shift_left3A_919 = arith.constant 8 : i32
      %shift_left3A_920 = vector.broadcast %shift_left3A_919 : i32 to vector<16xi32>
      %shift_left3A_921 = arith.shli %get3A_872, %shift_left3A_920 : vector<16xi32>
      %or3A_922 = arith.ori %get3A_868, %shift_left3A_921 : vector<16xi32>
      %shift_left3A_923 = arith.constant 16 : i32
      %shift_left3A_924 = vector.broadcast %shift_left3A_923 : i32 to vector<16xi32>
      %shift_left3A_925 = arith.shli %get3A_876, %shift_left3A_924 : vector<16xi32>
      %or3A_926 = arith.ori %or3A_922, %shift_left3A_925 : vector<16xi32>
      %shift_left3A_927 = arith.constant 24 : i32
      %shift_left3A_928 = vector.broadcast %shift_left3A_927 : i32 to vector<16xi32>
      %shift_left3A_929 = arith.shli %get3A_880, %shift_left3A_928 : vector<16xi32>
      %or3A_930 = arith.ori %or3A_926, %shift_left3A_929 : vector<16xi32>
      %shift_left3A_931 = arith.constant 8 : i32
      %shift_left3A_932 = vector.broadcast %shift_left3A_931 : i32 to vector<16xi32>
      %shift_left3A_933 = arith.shli %get3A_888, %shift_left3A_932 : vector<16xi32>
      %or3A_934 = arith.ori %get3A_884, %shift_left3A_933 : vector<16xi32>
      %shift_left3A_935 = arith.constant 16 : i32
      %shift_left3A_936 = vector.broadcast %shift_left3A_935 : i32 to vector<16xi32>
      %shift_left3A_937 = arith.shli %get3A_892, %shift_left3A_936 : vector<16xi32>
      %or3A_938 = arith.ori %or3A_934, %shift_left3A_937 : vector<16xi32>
      %shift_left3A_939 = arith.constant 24 : i32
      %shift_left3A_940 = vector.broadcast %shift_left3A_939 : i32 to vector<16xi32>
      %shift_left3A_941 = arith.shli %get3A_896, %shift_left3A_940 : vector<16xi32>
      %or3A_942 = arith.ori %or3A_938, %shift_left3A_941 : vector<16xi32>
      %broadcast_in_dim3A_943 = arith.constant 0 : i32
      %broadcast_in_dim3A_944 = vector.broadcast %broadcast_in_dim3A_943 : i32 to vector<16xi32>
      %mul3A_945 = vector.broadcast %while3A_175 : i32 to vector<16xi32>
      %mul3A_946 = arith.muli %or3A_906, %mul3A_945 : vector<16xi32>
      %mul3A_947 = vector.broadcast %while3A_176 : i32 to vector<16xi32>
      %mul3A_948 = arith.muli %mul3A_946, %mul3A_947 : vector<16xi32>
      %xor3A = arith.xori %broadcast_in_dim3A_944, %mul3A_948 : vector<16xi32>
      %mul3A_949 = vector.broadcast %while3A_175 : i32 to vector<16xi32>
      %mul3A_950 = arith.muli %or3A_918, %mul3A_949 : vector<16xi32>
      %mul3A_951 = vector.broadcast %while3A_176 : i32 to vector<16xi32>
      %mul3A_952 = arith.muli %mul3A_950, %mul3A_951 : vector<16xi32>
      %xor3A_953 = arith.xori %xor3A, %mul3A_952 : vector<16xi32>
      %mul3A_954 = vector.broadcast %while3A_175 : i32 to vector<16xi32>
      %mul3A_955 = arith.muli %or3A_930, %mul3A_954 : vector<16xi32>
      %mul3A_956 = vector.broadcast %while3A_176 : i32 to vector<16xi32>
      %mul3A_957 = arith.muli %mul3A_955, %mul3A_956 : vector<16xi32>
      %xor3A_958 = arith.xori %xor3A_953, %mul3A_957 : vector<16xi32>
      %mul3A_959 = vector.broadcast %while3A_175 : i32 to vector<16xi32>
      %mul3A_960 = arith.muli %or3A_942, %mul3A_959 : vector<16xi32>
      %mul3A_961 = vector.broadcast %while3A_176 : i32 to vector<16xi32>
      %mul3A_962 = arith.muli %mul3A_960, %mul3A_961 : vector<16xi32>
      %xor3A_963 = arith.xori %xor3A_958, %mul3A_962 : vector<16xi32>
      %jit3A_964 = arith.constant 35 : i32
      %eq3A = arith.constant 0 : i32
      %eq3A_965 = arith.cmpi eq, %jit3A_964, %eq3A : i32
      %jit3A_966 = arith.constant 1 : i32
      %select_n3A_967 = arith.select %eq3A_965, %jit3A_966, %jit3A_964 : i32
      %rem3A_968 = vector.broadcast %select_n3A_967 : i32 to vector<16xi32>
      %rem3A_969 = arith.remui %xor3A_963, %rem3A_968 : vector<16xi32>
      %ne3A_970 = arith.constant 0 : i32
      %ne3A_971 = vector.broadcast %ne3A_970 : i32 to vector<16xi32>
      %ne3A_972 = arith.cmpi ne, %rem3A_969, %ne3A_971 : vector<16xi32>
      %lt3A = arith.constant 0 : i32
      %lt3A_973 = vector.broadcast %lt3A : i32 to vector<16xi32>
      %lt3A_974 = arith.cmpi ult, %rem3A_969, %lt3A_973 : vector<16xi32>
      %lt3A_975 = arith.constant 0 : i32
      %lt3A_976 = arith.cmpi ult, %select_n3A_967, %lt3A_975 : i32
      %ne3A_977 = vector.broadcast %lt3A_976 : i1 to vector<16xi1>
      %ne3A_978 = vector.broadcast %ne3A_977 : vector<16xi1> to vector<16xi1>
      %ne3A_979 = arith.xori %lt3A_974, %ne3A_978 : vector<16xi1>
      %and3A_980 = arith.andi %ne3A_979, %ne3A_972 : vector<16xi1>
      %add3A_981 = vector.broadcast %select_n3A_967 : i32 to vector<16xi32>
      %add3A_982 = arith.addi %rem3A_969, %add3A_981 : vector<16xi32>
      %select_n3A_983 = arith.select %and3A_980, %add3A_982, %rem3A_969 : vector<16xi1>, vector<16xi32>
      %mul3A_984 = arith.constant 12 : i32
      %mul3A_985 = vector.broadcast %mul3A_984 : i32 to vector<16xi32>
      %mul3A_986 = arith.muli %select_n3A_983, %mul3A_985 : vector<16xi32>
      %mul3A_987 = arith.constant 3 : i32
      %mul3A_988 = vector.broadcast %mul3A_987 : i32 to vector<16xi32>
      %mul3A_989 = arith.muli %select_n3A_983, %mul3A_988 : vector<16xi32>
      %add3A_990 = arith.constant 0 : i32
      %add3A_991 = vector.broadcast %add3A_990 : i32 to vector<16xi32>
      %add3A_992 = arith.addi %mul3A_986, %add3A_991 : vector<16xi32>
      %gather3A = tpu.vector_load_idx %arg9[%add3A_992] : memref<432xi32, #tpu.memory_space<vmem>>[vector<16xi32>], vector<16xi32>,
      %add3A_993 = arith.constant 1 : i32
      %add3A_994 = vector.broadcast %add3A_993 : i32 to vector<16xi32>
      %add3A_995 = arith.addi %mul3A_986, %add3A_994 : vector<16xi32>
      %gather3A_996 = tpu.vector_load_idx %arg9[%add3A_995] : memref<432xi32, #tpu.memory_space<vmem>>[vector<16xi32>], vector<16xi32>,
      %add3A_997 = arith.constant 2 : i32
      %add3A_998 = vector.broadcast %add3A_997 : i32 to vector<16xi32>
      %add3A_999 = arith.addi %mul3A_986, %add3A_998 : vector<16xi32>
      %gather3A_1000 = tpu.vector_load_idx %arg9[%add3A_999] : memref<432xi32, #tpu.memory_space<vmem>>[vector<16xi32>], vector<16xi32>,
      %add3A_1001 = arith.constant 3 : i32
      %add3A_1002 = vector.broadcast %add3A_1001 : i32 to vector<16xi32>
      %add3A_1003 = arith.addi %mul3A_986, %add3A_1002 : vector<16xi32>
      %gather3A_1004 = tpu.vector_load_idx %arg9[%add3A_1003] : memref<432xi32, #tpu.memory_space<vmem>>[vector<16xi32>], vector<16xi32>,
      %add3A_1005 = arith.constant 0 : i32
      %add3A_1006 = vector.broadcast %add3A_1005 : i32 to vector<16xi32>
      %add3A_1007 = arith.addi %mul3A_989, %add3A_1006 : vector<16xi32>
      %gather3A_1008 = tpu.vector_load_idx %arg10[%add3A_1007] : memref<112xi32, #tpu.memory_space<vmem>>[vector<16xi32>], vector<16xi32>,
      %eq3A_1009 = arith.cmpi eq, %or3A_906, %gather3A : vector<16xi32>
      %eq3A_1010 = arith.cmpi eq, %or3A_918, %gather3A_996 : vector<16xi32>
      %and3A_1011 = arith.andi %eq3A_1009, %eq3A_1010 : vector<16xi1>
      %eq3A_1012 = arith.cmpi eq, %or3A_930, %gather3A_1000 : vector<16xi32>
      %and3A_1013 = arith.andi %and3A_1011, %eq3A_1012 : vector<16xi1>
      %eq3A_1014 = arith.cmpi eq, %or3A_942, %gather3A_1004 : vector<16xi32>
      %and3A_1015 = arith.andi %and3A_1013, %eq3A_1014 : vector<16xi1>
      %jit3A_1016 = arith.constant 0 : i64
      %convert_element_type3A_1017 = arith.trunci %jit3A_1016 : i64 to i32
      %broadcast_in_dim3A_1018 = vector.broadcast %convert_element_type3A_1017 : i32 to vector<16xi32>
      %select_n3A_1019 = arith.select %and3A_1015, %gather3A_1008, %broadcast_in_dim3A_1018 : vector<16xi1>, vector<16xi32>
      %add3A_1020 = arith.addi %broadcast_in_dim3A_6, %select_n3A_1019 : vector<16xi32>
      %add3A_1021 = arith.constant 4 : i32
      %add3A_1022 = vector.broadcast %add3A_1021 : i32 to vector<16xi32>
      %add3A_1023 = arith.addi %mul3A_986, %add3A_1022 : vector<16xi32>
      %gather3A_1024 = tpu.vector_load_idx %arg9[%add3A_1023] : memref<432xi32, #tpu.memory_space<vmem>>[vector<16xi32>], vector<16xi32>,
      %add3A_1025 = arith.constant 5 : i32
      %add3A_1026 = vector.broadcast %add3A_1025 : i32 to vector<16xi32>
      %add3A_1027 = arith.addi %mul3A_986, %add3A_1026 : vector<16xi32>
      %gather3A_1028 = tpu.vector_load_idx %arg9[%add3A_1027] : memref<432xi32, #tpu.memory_space<vmem>>[vector<16xi32>], vector<16xi32>,
      %add3A_1029 = arith.constant 6 : i32
      %add3A_1030 = vector.broadcast %add3A_1029 : i32 to vector<16xi32>
      %add3A_1031 = arith.addi %mul3A_986, %add3A_1030 : vector<16xi32>
      %gather3A_1032 = tpu.vector_load_idx %arg9[%add3A_1031] : memref<432xi32, #tpu.memory_space<vmem>>[vector<16xi32>], vector<16xi32>,
      %add3A_1033 = arith.constant 7 : i32
      %add3A_1034 = vector.broadcast %add3A_1033 : i32 to vector<16xi32>
      %add3A_1035 = arith.addi %mul3A_986, %add3A_1034 : vector<16xi32>
      %gather3A_1036 = tpu.vector_load_idx %arg9[%add3A_1035] : memref<432xi32, #tpu.memory_space<vmem>>[vector<16xi32>], vector<16xi32>,
      %add3A_1037 = arith.constant 1 : i32
      %add3A_1038 = vector.broadcast %add3A_1037 : i32 to vector<16xi32>
      %add3A_1039 = arith.addi %mul3A_989, %add3A_1038 : vector<16xi32>
      %gather3A_1040 = tpu.vector_load_idx %arg10[%add3A_1039] : memref<112xi32, #tpu.memory_space<vmem>>[vector<16xi32>], vector<16xi32>,
      %eq3A_1041 = arith.cmpi eq, %or3A_906, %gather3A_1024 : vector<16xi32>
      %eq3A_1042 = arith.cmpi eq, %or3A_918, %gather3A_1028 : vector<16xi32>
      %and3A_1043 = arith.andi %eq3A_1041, %eq3A_1042 : vector<16xi1>
      %eq3A_1044 = arith.cmpi eq, %or3A_930, %gather3A_1032 : vector<16xi32>
      %and3A_1045 = arith.andi %and3A_1043, %eq3A_1044 : vector<16xi1>
      %eq3A_1046 = arith.cmpi eq, %or3A_942, %gather3A_1036 : vector<16xi32>
      %and3A_1047 = arith.andi %and3A_1045, %eq3A_1046 : vector<16xi1>
      %jit3A_1048 = arith.constant 0 : i64
      %convert_element_type3A_1049 = arith.trunci %jit3A_1048 : i64 to i32
      %broadcast_in_dim3A_1050 = vector.broadcast %convert_element_type3A_1049 : i32 to vector<16xi32>
      %select_n3A_1051 = arith.select %and3A_1047, %gather3A_1040, %broadcast_in_dim3A_1050 : vector<16xi1>, vector<16xi32>
      %add3A_1052 = arith.addi %add3A_1020, %select_n3A_1051 : vector<16xi32>
      %add3A_1053 = arith.constant 8 : i32
      %add3A_1054 = vector.broadcast %add3A_1053 : i32 to vector<16xi32>
      %add3A_1055 = arith.addi %mul3A_986, %add3A_1054 : vector<16xi32>
      %gather3A_1056 = tpu.vector_load_idx %arg9[%add3A_1055] : memref<432xi32, #tpu.memory_space<vmem>>[vector<16xi32>], vector<16xi32>,
      %add3A_1057 = arith.constant 9 : i32
      %add3A_1058 = vector.broadcast %add3A_1057 : i32 to vector<16xi32>
      %add3A_1059 = arith.addi %mul3A_986, %add3A_1058 : vector<16xi32>
      %gather3A_1060 = tpu.vector_load_idx %arg9[%add3A_1059] : memref<432xi32, #tpu.memory_space<vmem>>[vector<16xi32>], vector<16xi32>,
      %add3A_1061 = arith.constant 10 : i32
      %add3A_1062 = vector.broadcast %add3A_1061 : i32 to vector<16xi32>
      %add3A_1063 = arith.addi %mul3A_986, %add3A_1062 : vector<16xi32>
      %gather3A_1064 = tpu.vector_load_idx %arg9[%add3A_1063] : memref<432xi32, #tpu.memory_space<vmem>>[vector<16xi32>], vector<16xi32>,
      %add3A_1065 = arith.constant 11 : i32
      %add3A_1066 = vector.broadcast %add3A_1065 : i32 to vector<16xi32>
      %add3A_1067 = arith.addi %mul3A_986, %add3A_1066 : vector<16xi32>
      %gather3A_1068 = tpu.vector_load_idx %arg9[%add3A_1067] : memref<432xi32, #tpu.memory_space<vmem>>[vector<16xi32>], vector<16xi32>,
      %add3A_1069 = arith.constant 2 : i32
      %add3A_1070 = vector.broadcast %add3A_1069 : i32 to vector<16xi32>
      %add3A_1071 = arith.addi %mul3A_989, %add3A_1070 : vector<16xi32>
      %gather3A_1072 = tpu.vector_load_idx %arg10[%add3A_1071] : memref<112xi32, #tpu.memory_space<vmem>>[vector<16xi32>], vector<16xi32>,
      %eq3A_1073 = arith.cmpi eq, %or3A_906, %gather3A_1056 : vector<16xi32>
      %eq3A_1074 = arith.cmpi eq, %or3A_918, %gather3A_1060 : vector<16xi32>
      %and3A_1075 = arith.andi %eq3A_1073, %eq3A_1074 : vector<16xi1>
      %eq3A_1076 = arith.cmpi eq, %or3A_930, %gather3A_1064 : vector<16xi32>
      %and3A_1077 = arith.andi %and3A_1075, %eq3A_1076 : vector<16xi1>
      %eq3A_1078 = arith.cmpi eq, %or3A_942, %gather3A_1068 : vector<16xi32>
      %and3A_1079 = arith.andi %and3A_1077, %eq3A_1078 : vector<16xi1>
      %jit3A_1080 = arith.constant 0 : i64
      %convert_element_type3A_1081 = arith.trunci %jit3A_1080 : i64 to i32
      %broadcast_in_dim3A_1082 = vector.broadcast %convert_element_type3A_1081 : i32 to vector<16xi32>
      %select_n3A_1083 = arith.select %and3A_1079, %gather3A_1072, %broadcast_in_dim3A_1082 : vector<16xi1>, vector<16xi32>
      %add3A_1084 = arith.addi %add3A_1052, %select_n3A_1083 : vector<16xi32>
      %add3A_1085 = arith.addi %mul3A_3, %add3A_1084 : vector<16xi32>
      tpu.vector_store_idx %arg13[%add3A_1085], %broadcast_in_dim3A_4 {add = true} : memref<1024xi32, #tpu.memory_space<vmem>>[vector<16xi32>], vector<16xi32>,
      %swap3A_1086 = arith.index_cast %mul3A_832 : i32 to index
      %swap3A_1087 = tpu.vector_load %arg15[%swap3A_1086] {strides = array<i32>} : memref<4096xi32, #tpu.memory_space<vmem>>, vector<16xi32>,
      tpu.vector_store %arg15[%swap3A_1086], %add3A_1084 {strides = array<i32>} : memref<4096xi32, #tpu.memory_space<vmem>>, vector<16xi32>,
    }
    %while3A_186 = arith.constant 1 : i32
    scf.for %while3A_830 = %while3A_184 to %while3A_180 step %while3A_186  : i32 {
      %mul3A_831 = arith.constant 16 : i32
      %mul3A_832 = arith.muli %while3A_830, %mul3A_831 : i32
      %get3A_833 = arith.constant 0 : i64
      %get3A_834 = arith.index_cast %get3A_833 : i64 to index
      %get3A_835 = arith.index_cast %mul3A_832 : i32 to index
      %get3A_836 = tpu.vector_load %arg8[%get3A_834, %get3A_835] {strides = array<i32>} : memref<16x4096xi32, #tpu.memory_space<vmem>>, vector<16xi32>,
      %get3A_837 = arith.constant 1 : i64
      %get3A_838 = arith.index_cast %get3A_837 : i64 to index
      %get3A_839 = arith.index_cast %mul3A_832 : i32 to index
      %get3A_840 = tpu.vector_load %arg8[%get3A_838, %get3A_839] {strides = array<i32>} : memref<16x4096xi32, #tpu.memory_space<vmem>>, vector<16xi32>,
      %get3A_841 = arith.constant 2 : i64
      %get3A_842 = arith.index_cast %get3A_841 : i64 to index
      %get3A_843 = arith.index_cast %mul3A_832 : i32 to index
      %get3A_844 = tpu.vector_load %arg8[%get3A_842, %get3A_843] {strides = array<i32>} : memref<16x4096xi32, #tpu.memory_space<vmem>>, vector<16xi32>,
      %get3A_845 = arith.constant 3 : i64
      %get3A_846 = arith.index_cast %get3A_845 : i64 to index
      %get3A_847 = arith.index_cast %mul3A_832 : i32 to index
      %get3A_848 = tpu.vector_load %arg8[%get3A_846, %get3A_847] {strides = array<i32>} : memref<16x4096xi32, #tpu.memory_space<vmem>>, vector<16xi32>,
      %get3A_849 = arith.constant 4 : i64
      %get3A_850 = arith.index_cast %get3A_849 : i64 to index
      %get3A_851 = arith.index_cast %mul3A_832 : i32 to index
      %get3A_852 = tpu.vector_load %arg8[%get3A_850, %get3A_851] {strides = array<i32>} : memref<16x4096xi32, #tpu.memory_space<vmem>>, vector<16xi32>,
      %get3A_853 = arith.constant 5 : i64
      %get3A_854 = arith.index_cast %get3A_853 : i64 to index
      %get3A_855 = arith.index_cast %mul3A_832 : i32 to index
      %get3A_856 = tpu.vector_load %arg8[%get3A_854, %get3A_855] {strides = array<i32>} : memref<16x4096xi32, #tpu.memory_space<vmem>>, vector<16xi32>,
      %get3A_857 = arith.constant 6 : i64
      %get3A_858 = arith.index_cast %get3A_857 : i64 to index
      %get3A_859 = arith.index_cast %mul3A_832 : i32 to index
      %get3A_860 = tpu.vector_load %arg8[%get3A_858, %get3A_859] {strides = array<i32>} : memref<16x4096xi32, #tpu.memory_space<vmem>>, vector<16xi32>,
      %get3A_861 = arith.constant 7 : i64
      %get3A_862 = arith.index_cast %get3A_861 : i64 to index
      %get3A_863 = arith.index_cast %mul3A_832 : i32 to index
      %get3A_864 = tpu.vector_load %arg8[%get3A_862, %get3A_863] {strides = array<i32>} : memref<16x4096xi32, #tpu.memory_space<vmem>>, vector<16xi32>,
      %get3A_865 = arith.constant 8 : i64
      %get3A_866 = arith.index_cast %get3A_865 : i64 to index
      %get3A_867 = arith.index_cast %mul3A_832 : i32 to index
      %get3A_868 = tpu.vector_load %arg8[%get3A_866, %get3A_867] {strides = array<i32>} : memref<16x4096xi32, #tpu.memory_space<vmem>>, vector<16xi32>,
      %get3A_869 = arith.constant 9 : i64
      %get3A_870 = arith.index_cast %get3A_869 : i64 to index
      %get3A_871 = arith.index_cast %mul3A_832 : i32 to index
      %get3A_872 = tpu.vector_load %arg8[%get3A_870, %get3A_871] {strides = array<i32>} : memref<16x4096xi32, #tpu.memory_space<vmem>>, vector<16xi32>,
      %get3A_873 = arith.constant 10 : i64
      %get3A_874 = arith.index_cast %get3A_873 : i64 to index
      %get3A_875 = arith.index_cast %mul3A_832 : i32 to index
      %get3A_876 = tpu.vector_load %arg8[%get3A_874, %get3A_875] {strides = array<i32>} : memref<16x4096xi32, #tpu.memory_space<vmem>>, vector<16xi32>,
      %get3A_877 = arith.constant 11 : i64
      %get3A_878 = arith.index_cast %get3A_877 : i64 to index
      %get3A_879 = arith.index_cast %mul3A_832 : i32 to index
      %get3A_880 = tpu.vector_load %arg8[%get3A_878, %get3A_879] {strides = array<i32>} : memref<16x4096xi32, #tpu.memory_space<vmem>>, vector<16xi32>,
      %get3A_881 = arith.constant 12 : i64
      %get3A_882 = arith.index_cast %get3A_881 : i64 to index
      %get3A_883 = arith.index_cast %mul3A_832 : i32 to index
      %get3A_884 = tpu.vector_load %arg8[%get3A_882, %get3A_883] {strides = array<i32>} : memref<16x4096xi32, #tpu.memory_space<vmem>>, vector<16xi32>,
      %get3A_885 = arith.constant 13 : i64
      %get3A_886 = arith.index_cast %get3A_885 : i64 to index
      %get3A_887 = arith.index_cast %mul3A_832 : i32 to index
      %get3A_888 = tpu.vector_load %arg8[%get3A_886, %get3A_887] {strides = array<i32>} : memref<16x4096xi32, #tpu.memory_space<vmem>>, vector<16xi32>,
      %get3A_889 = arith.constant 14 : i64
      %get3A_890 = arith.index_cast %get3A_889 : i64 to index
      %get3A_891 = arith.index_cast %mul3A_832 : i32 to index
      %get3A_892 = tpu.vector_load %arg8[%get3A_890, %get3A_891] {strides = array<i32>} : memref<16x4096xi32, #tpu.memory_space<vmem>>, vector<16xi32>,
      %get3A_893 = arith.constant 15 : i64
      %get3A_894 = arith.index_cast %get3A_893 : i64 to index
      %get3A_895 = arith.index_cast %mul3A_832 : i32 to index
      %get3A_896 = tpu.vector_load %arg8[%get3A_894, %get3A_895] {strides = array<i32>} : memref<16x4096xi32, #tpu.memory_space<vmem>>, vector<16xi32>,
      %shift_left3A = arith.constant 8 : i32
      %shift_left3A_897 = vector.broadcast %shift_left3A : i32 to vector<16xi32>
      %shift_left3A_898 = arith.shli %get3A_840, %shift_left3A_897 : vector<16xi32>
      %or3A = arith.ori %get3A_836, %shift_left3A_898 : vector<16xi32>
      %shift_left3A_899 = arith.constant 16 : i32
      %shift_left3A_900 = vector.broadcast %shift_left3A_899 : i32 to vector<16xi32>
      %shift_left3A_901 = arith.shli %get3A_844, %shift_left3A_900 : vector<16xi32>
      %or3A_902 = arith.ori %or3A, %shift_left3A_901 : vector<16xi32>
      %shift_left3A_903 = arith.constant 24 : i32
      %shift_left3A_904 = vector.broadcast %shift_left3A_903 : i32 to vector<16xi32>
      %shift_left3A_905 = arith.shli %get3A_848, %shift_left3A_904 : vector<16xi32>
      %or3A_906 = arith.ori %or3A_902, %shift_left3A_905 : vector<16xi32>
      %shift_left3A_907 = arith.constant 8 : i32
      %shift_left3A_908 = vector.broadcast %shift_left3A_907 : i32 to vector<16xi32>
      %shift_left3A_909 = arith.shli %get3A_856, %shift_left3A_908 : vector<16xi32>
      %or3A_910 = arith.ori %get3A_852, %shift_left3A_909 : vector<16xi32>
      %shift_left3A_911 = arith.constant 16 : i32
      %shift_left3A_912 = vector.broadcast %shift_left3A_911 : i32 to vector<16xi32>
      %shift_left3A_913 = arith.shli %get3A_860, %shift_left3A_912 : vector<16xi32>
      %or3A_914 = arith.ori %or3A_910, %shift_left3A_913 : vector<16xi32>
      %shift_left3A_915 = arith.constant 24 : i32
      %shift_left3A_916 = vector.broadcast %shift_left3A_915 : i32 to vector<16xi32>
      %shift_left3A_917 = arith.shli %get3A_864, %shift_left3A_916 : vector<16xi32>
      %or3A_918 = arith.ori %or3A_914, %shift_left3A_917 : vector<16xi32>
      %shift_left3A_919 = arith.constant 8 : i32
      %shift_left3A_920 = vector.broadcast %shift_left3A_919 : i32 to vector<16xi32>
      %shift_left3A_921 = arith.shli %get3A_872, %shift_left3A_920 : vector<16xi32>
      %or3A_922 = arith.ori %get3A_868, %shift_left3A_921 : vector<16xi32>
      %shift_left3A_923 = arith.constant 16 : i32
      %shift_left3A_924 = vector.broadcast %shift_left3A_923 : i32 to vector<16xi32>
      %shift_left3A_925 = arith.shli %get3A_876, %shift_left3A_924 : vector<16xi32>
      %or3A_926 = arith.ori %or3A_922, %shift_left3A_925 : vector<16xi32>
      %shift_left3A_927 = arith.constant 24 : i32
      %shift_left3A_928 = vector.broadcast %shift_left3A_927 : i32 to vector<16xi32>
      %shift_left3A_929 = arith.shli %get3A_880, %shift_left3A_928 : vector<16xi32>
      %or3A_930 = arith.ori %or3A_926, %shift_left3A_929 : vector<16xi32>
      %shift_left3A_931 = arith.constant 8 : i32
      %shift_left3A_932 = vector.broadcast %shift_left3A_931 : i32 to vector<16xi32>
      %shift_left3A_933 = arith.shli %get3A_888, %shift_left3A_932 : vector<16xi32>
      %or3A_934 = arith.ori %get3A_884, %shift_left3A_933 : vector<16xi32>
      %shift_left3A_935 = arith.constant 16 : i32
      %shift_left3A_936 = vector.broadcast %shift_left3A_935 : i32 to vector<16xi32>
      %shift_left3A_937 = arith.shli %get3A_892, %shift_left3A_936 : vector<16xi32>
      %or3A_938 = arith.ori %or3A_934, %shift_left3A_937 : vector<16xi32>
      %shift_left3A_939 = arith.constant 24 : i32
      %shift_left3A_940 = vector.broadcast %shift_left3A_939 : i32 to vector<16xi32>
      %shift_left3A_941 = arith.shli %get3A_896, %shift_left3A_940 : vector<16xi32>
      %or3A_942 = arith.ori %or3A_938, %shift_left3A_941 : vector<16xi32>
      %broadcast_in_dim3A_943 = arith.constant 0 : i32
      %broadcast_in_dim3A_944 = vector.broadcast %broadcast_in_dim3A_943 : i32 to vector<16xi32>
      %mul3A_945 = vector.broadcast %while3A_175 : i32 to vector<16xi32>
      %mul3A_946 = arith.muli %or3A_906, %mul3A_945 : vector<16xi32>
      %mul3A_947 = vector.broadcast %while3A_176 : i32 to vector<16xi32>
      %mul3A_948 = arith.muli %mul3A_946, %mul3A_947 : vector<16xi32>
      %xor3A = arith.xori %broadcast_in_dim3A_944, %mul3A_948 : vector<16xi32>
      %mul3A_949 = vector.broadcast %while3A_175 : i32 to vector<16xi32>
      %mul3A_950 = arith.muli %or3A_918, %mul3A_949 : vector<16xi32>
      %mul3A_951 = vector.broadcast %while3A_176 : i32 to vector<16xi32>
      %mul3A_952 = arith.muli %mul3A_950, %mul3A_951 : vector<16xi32>
      %xor3A_953 = arith.xori %xor3A, %mul3A_952 : vector<16xi32>
      %mul3A_954 = vector.broadcast %while3A_175 : i32 to vector<16xi32>
      %mul3A_955 = arith.muli %or3A_930, %mul3A_954 : vector<16xi32>
      %mul3A_956 = vector.broadcast %while3A_176 : i32 to vector<16xi32>
      %mul3A_957 = arith.muli %mul3A_955, %mul3A_956 : vector<16xi32>
      %xor3A_958 = arith.xori %xor3A_953, %mul3A_957 : vector<16xi32>
      %mul3A_959 = vector.broadcast %while3A_175 : i32 to vector<16xi32>
      %mul3A_960 = arith.muli %or3A_942, %mul3A_959 : vector<16xi32>
      %mul3A_961 = vector.broadcast %while3A_176 : i32 to vector<16xi32>
      %mul3A_962 = arith.muli %mul3A_960, %mul3A_961 : vector<16xi32>
      %xor3A_963 = arith.xori %xor3A_958, %mul3A_962 : vector<16xi32>
      %jit3A_964 = arith.constant 35 : i32
      %eq3A = arith.constant 0 : i32
      %eq3A_965 = arith.cmpi eq, %jit3A_964, %eq3A : i32
      %jit3A_966 = arith.constant 1 : i32
      %select_n3A_967 = arith.select %eq3A_965, %jit3A_966, %jit3A_964 : i32
      %rem3A_968 = vector.broadcast %select_n3A_967 : i32 to vector<16xi32>
      %rem3A_969 = arith.remui %xor3A_963, %rem3A_968 : vector<16xi32>
      %ne3A_970 = arith.constant 0 : i32
      %ne3A_971 = vector.broadcast %ne3A_970 : i32 to vector<16xi32>
      %ne3A_972 = arith.cmpi ne, %rem3A_969, %ne3A_971 : vector<16xi32>
      %lt3A = arith.constant 0 : i32
      %lt3A_973 = vector.broadcast %lt3A : i32 to vector<16xi32>
      %lt3A_974 = arith.cmpi ult, %rem3A_969, %lt3A_973 : vector<16xi32>
      %lt3A_975 = arith.constant 0 : i32
      %lt3A_976 = arith.cmpi ult, %select_n3A_967, %lt3A_975 : i32
      %ne3A_977 = vector.broadcast %lt3A_976 : i1 to vector<16xi1>
      %ne3A_978 = vector.broadcast %ne3A_977 : vector<16xi1> to vector<16xi1>
      %ne3A_979 = arith.xori %lt3A_974, %ne3A_978 : vector<16xi1>
      %and3A_980 = arith.andi %ne3A_979, %ne3A_972 : vector<16xi1>
      %add3A_981 = vector.broadcast %select_n3A_967 : i32 to vector<16xi32>
      %add3A_982 = arith.addi %rem3A_969, %add3A_981 : vector<16xi32>
      %select_n3A_983 = arith.select %and3A_980, %add3A_982, %rem3A_969 : vector<16xi1>, vector<16xi32>
      %mul3A_984 = arith.constant 12 : i32
      %mul3A_985 = vector.broadcast %mul3A_984 : i32 to vector<16xi32>
      %mul3A_986 = arith.muli %select_n3A_983, %mul3A_985 : vector<16xi32>
      %mul3A_987 = arith.constant 3 : i32
      %mul3A_988 = vector.broadcast %mul3A_987 : i32 to vector<16xi32>
      %mul3A_989 = arith.muli %select_n3A_983, %mul3A_988 : vector<16xi32>
      %add3A_990 = arith.constant 0 : i32
      %add3A_991 = vector.broadcast %add3A_990 : i32 to vector<16xi32>
      %add3A_992 = arith.addi %mul3A_986, %add3A_991 : vector<16xi32>
      %gather3A = tpu.vector_load_idx %arg9[%add3A_992] : memref<432xi32, #tpu.memory_space<vmem>>[vector<16xi32>], vector<16xi32>,
      %add3A_993 = arith.constant 1 : i32
      %add3A_994 = vector.broadcast %add3A_993 : i32 to vector<16xi32>
      %add3A_995 = arith.addi %mul3A_986, %add3A_994 : vector<16xi32>
      %gather3A_996 = tpu.vector_load_idx %arg9[%add3A_995] : memref<432xi32, #tpu.memory_space<vmem>>[vector<16xi32>], vector<16xi32>,
      %add3A_997 = arith.constant 2 : i32
      %add3A_998 = vector.broadcast %add3A_997 : i32 to vector<16xi32>
      %add3A_999 = arith.addi %mul3A_986, %add3A_998 : vector<16xi32>
      %gather3A_1000 = tpu.vector_load_idx %arg9[%add3A_999] : memref<432xi32, #tpu.memory_space<vmem>>[vector<16xi32>], vector<16xi32>,
      %add3A_1001 = arith.constant 3 : i32
      %add3A_1002 = vector.broadcast %add3A_1001 : i32 to vector<16xi32>
      %add3A_1003 = arith.addi %mul3A_986, %add3A_1002 : vector<16xi32>
      %gather3A_1004 = tpu.vector_load_idx %arg9[%add3A_1003] : memref<432xi32, #tpu.memory_space<vmem>>[vector<16xi32>], vector<16xi32>,
      %add3A_1005 = arith.constant 0 : i32
      %add3A_1006 = vector.broadcast %add3A_1005 : i32 to vector<16xi32>
      %add3A_1007 = arith.addi %mul3A_989, %add3A_1006 : vector<16xi32>
      %gather3A_1008 = tpu.vector_load_idx %arg10[%add3A_1007] : memref<112xi32, #tpu.memory_space<vmem>>[vector<16xi32>], vector<16xi32>,
      %eq3A_1009 = arith.cmpi eq, %or3A_906, %gather3A : vector<16xi32>
      %eq3A_1010 = arith.cmpi eq, %or3A_918, %gather3A_996 : vector<16xi32>
      %and3A_1011 = arith.andi %eq3A_1009, %eq3A_1010 : vector<16xi1>
      %eq3A_1012 = arith.cmpi eq, %or3A_930, %gather3A_1000 : vector<16xi32>
      %and3A_1013 = arith.andi %and3A_1011, %eq3A_1012 : vector<16xi1>
      %eq3A_1014 = arith.cmpi eq, %or3A_942, %gather3A_1004 : vector<16xi32>
      %and3A_1015 = arith.andi %and3A_1013, %eq3A_1014 : vector<16xi1>
      %jit3A_1016 = arith.constant 0 : i64
      %convert_element_type3A_1017 = arith.trunci %jit3A_1016 : i64 to i32
      %broadcast_in_dim3A_1018 = vector.broadcast %convert_element_type3A_1017 : i32 to vector<16xi32>
      %select_n3A_1019 = arith.select %and3A_1015, %gather3A_1008, %broadcast_in_dim3A_1018 : vector<16xi1>, vector<16xi32>
      %add3A_1020 = arith.addi %broadcast_in_dim3A_6, %select_n3A_1019 : vector<16xi32>
      %add3A_1021 = arith.constant 4 : i32
      %add3A_1022 = vector.broadcast %add3A_1021 : i32 to vector<16xi32>
      %add3A_1023 = arith.addi %mul3A_986, %add3A_1022 : vector<16xi32>
      %gather3A_1024 = tpu.vector_load_idx %arg9[%add3A_1023] : memref<432xi32, #tpu.memory_space<vmem>>[vector<16xi32>], vector<16xi32>,
      %add3A_1025 = arith.constant 5 : i32
      %add3A_1026 = vector.broadcast %add3A_1025 : i32 to vector<16xi32>
      %add3A_1027 = arith.addi %mul3A_986, %add3A_1026 : vector<16xi32>
      %gather3A_1028 = tpu.vector_load_idx %arg9[%add3A_1027] : memref<432xi32, #tpu.memory_space<vmem>>[vector<16xi32>], vector<16xi32>,
      %add3A_1029 = arith.constant 6 : i32
      %add3A_1030 = vector.broadcast %add3A_1029 : i32 to vector<16xi32>
      %add3A_1031 = arith.addi %mul3A_986, %add3A_1030 : vector<16xi32>
      %gather3A_1032 = tpu.vector_load_idx %arg9[%add3A_1031] : memref<432xi32, #tpu.memory_space<vmem>>[vector<16xi32>], vector<16xi32>,
      %add3A_1033 = arith.constant 7 : i32
      %add3A_1034 = vector.broadcast %add3A_1033 : i32 to vector<16xi32>
      %add3A_1035 = arith.addi %mul3A_986, %add3A_1034 : vector<16xi32>
      %gather3A_1036 = tpu.vector_load_idx %arg9[%add3A_1035] : memref<432xi32, #tpu.memory_space<vmem>>[vector<16xi32>], vector<16xi32>,
      %add3A_1037 = arith.constant 1 : i32
      %add3A_1038 = vector.broadcast %add3A_1037 : i32 to vector<16xi32>
      %add3A_1039 = arith.addi %mul3A_989, %add3A_1038 : vector<16xi32>
      %gather3A_1040 = tpu.vector_load_idx %arg10[%add3A_1039] : memref<112xi32, #tpu.memory_space<vmem>>[vector<16xi32>], vector<16xi32>,
      %eq3A_1041 = arith.cmpi eq, %or3A_906, %gather3A_1024 : vector<16xi32>
      %eq3A_1042 = arith.cmpi eq, %or3A_918, %gather3A_1028 : vector<16xi32>
      %and3A_1043 = arith.andi %eq3A_1041, %eq3A_1042 : vector<16xi1>
      %eq3A_1044 = arith.cmpi eq, %or3A_930, %gather3A_1032 : vector<16xi32>
      %and3A_1045 = arith.andi %and3A_1043, %eq3A_1044 : vector<16xi1>
      %eq3A_1046 = arith.cmpi eq, %or3A_942, %gather3A_1036 : vector<16xi32>
      %and3A_1047 = arith.andi %and3A_1045, %eq3A_1046 : vector<16xi1>
      %jit3A_1048 = arith.constant 0 : i64
      %convert_element_type3A_1049 = arith.trunci %jit3A_1048 : i64 to i32
      %broadcast_in_dim3A_1050 = vector.broadcast %convert_element_type3A_1049 : i32 to vector<16xi32>
      %select_n3A_1051 = arith.select %and3A_1047, %gather3A_1040, %broadcast_in_dim3A_1050 : vector<16xi1>, vector<16xi32>
      %add3A_1052 = arith.addi %add3A_1020, %select_n3A_1051 : vector<16xi32>
      %add3A_1053 = arith.constant 8 : i32
      %add3A_1054 = vector.broadcast %add3A_1053 : i32 to vector<16xi32>
      %add3A_1055 = arith.addi %mul3A_986, %add3A_1054 : vector<16xi32>
      %gather3A_1056 = tpu.vector_load_idx %arg9[%add3A_1055] : memref<432xi32, #tpu.memory_space<vmem>>[vector<16xi32>], vector<16xi32>,
      %add3A_1057 = arith.constant 9 : i32
      %add3A_1058 = vector.broadcast %add3A_1057 : i32 to vector<16xi32>
      %add3A_1059 = arith.addi %mul3A_986, %add3A_1058 : vector<16xi32>
      %gather3A_1060 = tpu.vector_load_idx %arg9[%add3A_1059] : memref<432xi32, #tpu.memory_space<vmem>>[vector<16xi32>], vector<16xi32>,
      %add3A_1061 = arith.constant 10 : i32
      %add3A_1062 = vector.broadcast %add3A_1061 : i32 to vector<16xi32>
      %add3A_1063 = arith.addi %mul3A_986, %add3A_1062 : vector<16xi32>
      %gather3A_1064 = tpu.vector_load_idx %arg9[%add3A_1063] : memref<432xi32, #tpu.memory_space<vmem>>[vector<16xi32>], vector<16xi32>,
      %add3A_1065 = arith.constant 11 : i32
      %add3A_1066 = vector.broadcast %add3A_1065 : i32 to vector<16xi32>
      %add3A_1067 = arith.addi %mul3A_986, %add3A_1066 : vector<16xi32>
      %gather3A_1068 = tpu.vector_load_idx %arg9[%add3A_1067] : memref<432xi32, #tpu.memory_space<vmem>>[vector<16xi32>], vector<16xi32>,
      %add3A_1069 = arith.constant 2 : i32
      %add3A_1070 = vector.broadcast %add3A_1069 : i32 to vector<16xi32>
      %add3A_1071 = arith.addi %mul3A_989, %add3A_1070 : vector<16xi32>
      %gather3A_1072 = tpu.vector_load_idx %arg10[%add3A_1071] : memref<112xi32, #tpu.memory_space<vmem>>[vector<16xi32>], vector<16xi32>,
      %eq3A_1073 = arith.cmpi eq, %or3A_906, %gather3A_1056 : vector<16xi32>
      %eq3A_1074 = arith.cmpi eq, %or3A_918, %gather3A_1060 : vector<16xi32>
      %and3A_1075 = arith.andi %eq3A_1073, %eq3A_1074 : vector<16xi1>
      %eq3A_1076 = arith.cmpi eq, %or3A_930, %gather3A_1064 : vector<16xi32>
      %and3A_1077 = arith.andi %and3A_1075, %eq3A_1076 : vector<16xi1>
      %eq3A_1078 = arith.cmpi eq, %or3A_942, %gather3A_1068 : vector<16xi32>
      %and3A_1079 = arith.andi %and3A_1077, %eq3A_1078 : vector<16xi1>
      %jit3A_1080 = arith.constant 0 : i64
      %convert_element_type3A_1081 = arith.trunci %jit3A_1080 : i64 to i32
      %broadcast_in_dim3A_1082 = vector.broadcast %convert_element_type3A_1081 : i32 to vector<16xi32>
      %select_n3A_1083 = arith.select %and3A_1079, %gather3A_1072, %broadcast_in_dim3A_1082 : vector<16xi1>, vector<16xi32>
      %add3A_1084 = arith.addi %add3A_1052, %select_n3A_1083 : vector<16xi32>
      %add3A_1085 = arith.addi %mul3A_3, %add3A_1084 : vector<16xi32>
      tpu.vector_store_idx %arg13[%add3A_1085], %broadcast_in_dim3A_4 {add = true} : memref<1024xi32, #tpu.memory_space<vmem>>[vector<16xi32>], vector<16xi32>,
      %swap3A_1086 = arith.index_cast %mul3A_832 : i32 to index
      %swap3A_1087 = tpu.vector_load %arg15[%swap3A_1086] {strides = array<i32>} : memref<4096xi32, #tpu.memory_space<vmem>>, vector<16xi32>,
      tpu.vector_store %arg15[%swap3A_1086], %add3A_1084 {strides = array<i32>} : memref<4096xi32, #tpu.memory_space<vmem>>, vector<16xi32>,
    }
    %while3A_187 = arith.constant 0 : i32
    %while3A_188 = arith.constant 256 : i32
    %while3A_189 = arith.constant 0 : i32
    %while3A_190 = arith.subi %while3A_188, %while3A_187 : i32
    %while3A_191 = arith.addi %while3A_187, %while3A_190 : i32
    %while3A_192 = arith.constant 1 : i32
    %while3A_193 = arith.divsi %while3A_190, %while3A_192 : i32
    %while3A_194 = arith.muli %while3A_193, %while3A_192 : i32
    %while3A_195 = arith.addi %while3A_187, %while3A_194 : i32
    %while3A_196 = arith.constant 1 : i32
    %while3A_197 = scf.for %while3A_830 = %while3A_187 to %while3A_195 step %while3A_196 iter_args(%while3A_831 = %while3A_189) -> (i32)  : i32 {
      %mul3A_832 = arith.constant 16 : i32
      %mul3A_833 = arith.muli %while3A_830, %mul3A_832 : i32
      %get3A_834 = arith.index_cast %mul3A_833 : i32 to index
      %get3A_835 = tpu.vector_load %arg15[%get3A_834] {strides = array<i32>} : memref<4096xi32, #tpu.memory_space<vmem>>, vector<16xi32>,
      %lt3A = arith.constant 33 : i32
      %lt3A_836 = vector.broadcast %lt3A : i32 to vector<16xi32>
      %lt3A_837 = arith.cmpi slt, %get3A_835, %lt3A_836 : vector<16xi32>
      %swap3A_838 = arith.index_cast %while3A_831 : i32 to index
      %swap3A_839 = tpu.vector_load %arg14[%swap3A_838] masked %lt3A_837 {strides = array<i32>} : memref<4160xi32, #tpu.memory_space<vmem>>, vector<16xi32>, vector<16xi1>
      tpu.vector_store %arg14[%swap3A_838], %get3A_835 masked %lt3A_837 {strides = array<i32>} : memref<4160xi32, #tpu.memory_space<vmem>>, vector<16xi32>, vector<16xi1>
      %convert_element_type3A_840 = arith.extui %lt3A_837 : vector<16xi1> to vector<16xi32>
      %reduce_sum3A = arith.constant true
      %reduce_sum3A_841 = vector.broadcast %reduce_sum3A : i1 to vector<16xi1>
      %reduce_sum3A_842 = tpu.scan <sum>, %convert_element_type3A_840 masked %reduce_sum3A_841 : vector<16xi32>, vector<16xi1> -> vector<16xi32>
      %reduce_sum3A_843 = vector.extract %reduce_sum3A_842[15] : i32 from vector<16xi32>
      %add3A_844 = arith.addi %while3A_831, %reduce_sum3A_843 : i32
      scf.yield %add3A_844 : i32
    }
    %while3A_198 = arith.constant 1 : i32
    %while3A_199 = scf.for %while3A_830 = %while3A_195 to %while3A_191 step %while3A_198 iter_args(%while3A_831 = %while3A_197) -> (i32)  : i32 {
      %mul3A_832 = arith.constant 16 : i32
      %mul3A_833 = arith.muli %while3A_830, %mul3A_832 : i32
      %get3A_834 = arith.index_cast %mul3A_833 : i32 to index
      %get3A_835 = tpu.vector_load %arg15[%get3A_834] {strides = array<i32>} : memref<4096xi32, #tpu.memory_space<vmem>>, vector<16xi32>,
      %lt3A = arith.constant 33 : i32
      %lt3A_836 = vector.broadcast %lt3A : i32 to vector<16xi32>
      %lt3A_837 = arith.cmpi slt, %get3A_835, %lt3A_836 : vector<16xi32>
      %swap3A_838 = arith.index_cast %while3A_831 : i32 to index
      %swap3A_839 = tpu.vector_load %arg14[%swap3A_838] masked %lt3A_837 {strides = array<i32>} : memref<4160xi32, #tpu.memory_space<vmem>>, vector<16xi32>, vector<16xi1>
      tpu.vector_store %arg14[%swap3A_838], %get3A_835 masked %lt3A_837 {strides = array<i32>} : memref<4160xi32, #tpu.memory_space<vmem>>, vector<16xi32>, vector<16xi1>
      %convert_element_type3A_840 = arith.extui %lt3A_837 : vector<16xi1> to vector<16xi32>
      %reduce_sum3A = arith.constant true
      %reduce_sum3A_841 = vector.broadcast %reduce_sum3A : i1 to vector<16xi1>
      %reduce_sum3A_842 = tpu.scan <sum>, %convert_element_type3A_840 masked %reduce_sum3A_841 : vector<16xi32>, vector<16xi1> -> vector<16xi32>
      %reduce_sum3A_843 = vector.extract %reduce_sum3A_842[15] : i32 from vector<16xi32>
      %add3A_844 = arith.addi %while3A_831, %reduce_sum3A_843 : i32
      scf.yield %add3A_844 : i32
    }
    %sub3A = arith.constant 1 : i32
    %sub3A_200 = arith.subi %while3A_199, %sub3A : i32
    %max3A = arith.constant 0 : i32
    %max3A_201 = arith.maxsi %sub3A_200, %max3A : i32
    %add3A_202 = arith.constant 31 : i32
    %add3A_203 = arith.addi %max3A_201, %add3A_202 : i32
    %jit3A = arith.constant 32 : i64
    %convert_element_type3A = arith.trunci %jit3A : i64 to i32
    %div3A = arith.divsi %add3A_203, %convert_element_type3A : i32
    %sign3A = arith.constant 0 : i32
    %sign3A_204 = arith.cmpi sgt, %add3A_203, %sign3A : i32
    %sign3A_205 = arith.extui %sign3A_204 : i1 to i32
    %sign3A_206 = arith.constant 0 : i32
    %sign3A_207 = arith.cmpi slt, %add3A_203, %sign3A_206 : i32
    %sign3A_208 = arith.extui %sign3A_207 : i1 to i32
    %sign3A_209 = arith.subi %sign3A_205, %sign3A_208 : i32
    %sign3A_210 = arith.constant 0 : i32
    %sign3A_211 = arith.cmpi sgt, %convert_element_type3A, %sign3A_210 : i32
    %sign3A_212 = arith.extui %sign3A_211 : i1 to i32
    %sign3A_213 = arith.constant 0 : i32
    %sign3A_214 = arith.cmpi slt, %convert_element_type3A, %sign3A_213 : i32
    %sign3A_215 = arith.extui %sign3A_214 : i1 to i32
    %sign3A_216 = arith.subi %sign3A_212, %sign3A_215 : i32
    %ne3A = arith.cmpi ne, %sign3A_209, %sign3A_216 : i32
    %rem3A = arith.remsi %add3A_203, %convert_element_type3A : i32
    %ne3A_217 = arith.constant 0 : i32
    %ne3A_218 = arith.cmpi ne, %rem3A, %ne3A_217 : i32
    %and3A = arith.andi %ne3A, %ne3A_218 : i1
    %sub3A_219 = arith.constant 1 : i32
    %sub3A_220 = arith.subi %div3A, %sub3A_219 : i32
    %select_n3A = arith.select %and3A, %sub3A_220, %div3A : i32
    %while3A_221 = arith.constant 0 : i32
    %while3A_222 = arith.constant 0 : i32
    %while3A_223 = arith.subi %select_n3A, %while3A_222 : i32
    %while3A_224 = arith.addi %while3A_222, %while3A_223 : i32
    %while3A_225 = arith.constant 1 : i32
    %while3A_226 = arith.divsi %while3A_223, %while3A_225 : i32
    %while3A_227 = arith.muli %while3A_226, %while3A_225 : i32
    %while3A_228 = arith.addi %while3A_222, %while3A_227 : i32
    %while3A_229 = arith.constant 1 : i32
    scf.for %while3A_830 = %while3A_222 to %while3A_228 step %while3A_229  : i32 {
      %mul3A_831 = arith.constant 32 : i32
      %mul3A_832 = arith.muli %while3A_830, %mul3A_831 : i32
      %add3A_833 = vector.broadcast %mul3A_832 : i32 to vector<16xi32>
      %add3A_834 = arith.addi %iota3A, %add3A_833 : vector<16xi32>
      %gather3A = tpu.vector_load_idx %arg14[%add3A_834] : memref<4160xi32, #tpu.memory_space<vmem>>[vector<16xi32>], vector<16xi32>,
      %add3A_835 = arith.constant 1 : i32
      %add3A_836 = vector.broadcast %add3A_835 : i32 to vector<16xi32>
      %add3A_837 = arith.addi %add3A_834, %add3A_836 : vector<16xi32>
      %gather3A_838 = tpu.vector_load_idx %arg14[%add3A_837] : memref<4160xi32, #tpu.memory_space<vmem>>[vector<16xi32>], vector<16xi32>,
      %lt3A = vector.broadcast %max3A_201 : i32 to vector<16xi32>
      %lt3A_839 = arith.cmpi slt, %add3A_834, %lt3A : vector<16xi32>
      %eq3A = arith.cmpi eq, %gather3A, %broadcast_in_dim3A_10 : vector<16xi32>
      %eq3A_840 = arith.cmpi eq, %gather3A_838, %broadcast_in_dim3A_22 : vector<16xi32>
      %and3A_841 = arith.andi %eq3A, %eq3A_840 : vector<16xi1>
      %jit3A_842 = arith.constant 0 : i64
      %convert_element_type3A_843 = arith.trunci %jit3A_842 : i64 to i32
      %broadcast_in_dim3A_844 = vector.broadcast %convert_element_type3A_843 : i32 to vector<16xi32>
      %select_n3A_845 = arith.select %and3A_841, %broadcast_in_dim3A_34, %broadcast_in_dim3A_844 : vector<16xi1>, vector<16xi32>
      %add3A_846 = arith.addi %broadcast_in_dim3A_6, %select_n3A_845 : vector<16xi32>
      %eq3A_847 = arith.cmpi eq, %gather3A, %broadcast_in_dim3A_13 : vector<16xi32>
      %eq3A_848 = arith.cmpi eq, %gather3A_838, %broadcast_in_dim3A_25 : vector<16xi32>
      %and3A_849 = arith.andi %eq3A_847, %eq3A_848 : vector<16xi1>
      %jit3A_850 = arith.constant 0 : i64
      %convert_element_type3A_851 = arith.trunci %jit3A_850 : i64 to i32
      %broadcast_in_dim3A_852 = vector.broadcast %convert_element_type3A_851 : i32 to vector<16xi32>
      %select_n3A_853 = arith.select %and3A_849, %broadcast_in_dim3A_37, %broadcast_in_dim3A_852 : vector<16xi1>, vector<16xi32>
      %add3A_854 = arith.addi %add3A_846, %select_n3A_853 : vector<16xi32>
      %eq3A_855 = arith.cmpi eq, %gather3A, %broadcast_in_dim3A_16 : vector<16xi32>
      %eq3A_856 = arith.cmpi eq, %gather3A_838, %broadcast_in_dim3A_28 : vector<16xi32>
      %and3A_857 = arith.andi %eq3A_855, %eq3A_856 : vector<16xi1>
      %jit3A_858 = arith.constant 0 : i64
      %convert_element_type3A_859 = arith.trunci %jit3A_858 : i64 to i32
      %broadcast_in_dim3A_860 = vector.broadcast %convert_element_type3A_859 : i32 to vector<16xi32>
      %select_n3A_861 = arith.select %and3A_857, %broadcast_in_dim3A_40, %broadcast_in_dim3A_860 : vector<16xi1>, vector<16xi32>
      %add3A_862 = arith.addi %add3A_854, %select_n3A_861 : vector<16xi32>
      %eq3A_863 = arith.cmpi eq, %gather3A, %broadcast_in_dim3A_19 : vector<16xi32>
      %eq3A_864 = arith.cmpi eq, %gather3A_838, %broadcast_in_dim3A_31 : vector<16xi32>
      %and3A_865 = arith.andi %eq3A_863, %eq3A_864 : vector<16xi1>
      %jit3A_866 = arith.constant 0 : i64
      %convert_element_type3A_867 = arith.trunci %jit3A_866 : i64 to i32
      %broadcast_in_dim3A_868 = vector.broadcast %convert_element_type3A_867 : i32 to vector<16xi32>
      %select_n3A_869 = arith.select %and3A_865, %broadcast_in_dim3A_43, %broadcast_in_dim3A_868 : vector<16xi1>, vector<16xi32>
      %add3A_870 = arith.addi %add3A_862, %select_n3A_869 : vector<16xi32>
      %add3A_871 = arith.addi %mul3A_3, %add3A_870 : vector<16xi32>
      tpu.vector_store_idx %arg13[%add3A_871], %broadcast_in_dim3A_4 masked %lt3A_839 {add = true} : memref<1024xi32, #tpu.memory_space<vmem>>[vector<16xi32>], vector<16xi32>, vector<16xi1>
      %mul3A_872 = arith.constant 32 : i32
      %mul3A_873 = arith.muli %while3A_830, %mul3A_872 : i32
      %add3A_874 = arith.constant 16 : i32
      %add3A_875 = arith.addi %mul3A_873, %add3A_874 : i32
      %add3A_876 = vector.broadcast %add3A_875 : i32 to vector<16xi32>
      %add3A_877 = arith.addi %iota3A, %add3A_876 : vector<16xi32>
      %gather3A_878 = tpu.vector_load_idx %arg14[%add3A_877] : memref<4160xi32, #tpu.memory_space<vmem>>[vector<16xi32>], vector<16xi32>,
      %add3A_879 = arith.constant 1 : i32
      %add3A_880 = vector.broadcast %add3A_879 : i32 to vector<16xi32>
      %add3A_881 = arith.addi %add3A_877, %add3A_880 : vector<16xi32>
      %gather3A_882 = tpu.vector_load_idx %arg14[%add3A_881] : memref<4160xi32, #tpu.memory_space<vmem>>[vector<16xi32>], vector<16xi32>,
      %lt3A_883 = vector.broadcast %max3A_201 : i32 to vector<16xi32>
      %lt3A_884 = arith.cmpi slt, %add3A_877, %lt3A_883 : vector<16xi32>
      %eq3A_885 = arith.cmpi eq, %gather3A_878, %broadcast_in_dim3A_10 : vector<16xi32>
      %eq3A_886 = arith.cmpi eq, %gather3A_882, %broadcast_in_dim3A_22 : vector<16xi32>
      %and3A_887 = arith.andi %eq3A_885, %eq3A_886 : vector<16xi1>
      %jit3A_888 = arith.constant 0 : i64
      %convert_element_type3A_889 = arith.trunci %jit3A_888 : i64 to i32
      %broadcast_in_dim3A_890 = vector.broadcast %convert_element_type3A_889 : i32 to vector<16xi32>
      %select_n3A_891 = arith.select %and3A_887, %broadcast_in_dim3A_34, %broadcast_in_dim3A_890 : vector<16xi1>, vector<16xi32>
      %add3A_892 = arith.addi %broadcast_in_dim3A_6, %select_n3A_891 : vector<16xi32>
      %eq3A_893 = arith.cmpi eq, %gather3A_878, %broadcast_in_dim3A_13 : vector<16xi32>
      %eq3A_894 = arith.cmpi eq, %gather3A_882, %broadcast_in_dim3A_25 : vector<16xi32>
      %and3A_895 = arith.andi %eq3A_893, %eq3A_894 : vector<16xi1>
      %jit3A_896 = arith.constant 0 : i64
      %convert_element_type3A_897 = arith.trunci %jit3A_896 : i64 to i32
      %broadcast_in_dim3A_898 = vector.broadcast %convert_element_type3A_897 : i32 to vector<16xi32>
      %select_n3A_899 = arith.select %and3A_895, %broadcast_in_dim3A_37, %broadcast_in_dim3A_898 : vector<16xi1>, vector<16xi32>
      %add3A_900 = arith.addi %add3A_892, %select_n3A_899 : vector<16xi32>
      %eq3A_901 = arith.cmpi eq, %gather3A_878, %broadcast_in_dim3A_16 : vector<16xi32>
      %eq3A_902 = arith.cmpi eq, %gather3A_882, %broadcast_in_dim3A_28 : vector<16xi32>
      %and3A_903 = arith.andi %eq3A_901, %eq3A_902 : vector<16xi1>
      %jit3A_904 = arith.constant 0 : i64
      %convert_element_type3A_905 = arith.trunci %jit3A_904 : i64 to i32
      %broadcast_in_dim3A_906 = vector.broadcast %convert_element_type3A_905 : i32 to vector<16xi32>
      %select_n3A_907 = arith.select %and3A_903, %broadcast_in_dim3A_40, %broadcast_in_dim3A_906 : vector<16xi1>, vector<16xi32>
      %add3A_908 = arith.addi %add3A_900, %select_n3A_907 : vector<16xi32>
      %eq3A_909 = arith.cmpi eq, %gather3A_878, %broadcast_in_dim3A_19 : vector<16xi32>
      %eq3A_910 = arith.cmpi eq, %gather3A_882, %broadcast_in_dim3A_31 : vector<16xi32>
      %and3A_911 = arith.andi %eq3A_909, %eq3A_910 : vector<16xi1>
      %jit3A_912 = arith.constant 0 : i64
      %convert_element_type3A_913 = arith.trunci %jit3A_912 : i64 to i32
      %broadcast_in_dim3A_914 = vector.broadcast %convert_element_type3A_913 : i32 to vector<16xi32>
      %select_n3A_915 = arith.select %and3A_911, %broadcast_in_dim3A_43, %broadcast_in_dim3A_914 : vector<16xi1>, vector<16xi32>
      %add3A_916 = arith.addi %add3A_908, %select_n3A_915 : vector<16xi32>
      %add3A_917 = arith.addi %mul3A_3, %add3A_916 : vector<16xi32>
      tpu.vector_store_idx %arg13[%add3A_917], %broadcast_in_dim3A_4 masked %lt3A_884 {add = true} : memref<1024xi32, #tpu.memory_space<vmem>>[vector<16xi32>], vector<16xi32>, vector<16xi1>
    }
    %while3A_230 = arith.constant 1 : i32
    scf.for %while3A_830 = %while3A_228 to %while3A_224 step %while3A_230  : i32 {
      %mul3A_831 = arith.constant 32 : i32
      %mul3A_832 = arith.muli %while3A_830, %mul3A_831 : i32
      %add3A_833 = vector.broadcast %mul3A_832 : i32 to vector<16xi32>
      %add3A_834 = arith.addi %iota3A, %add3A_833 : vector<16xi32>
      %gather3A = tpu.vector_load_idx %arg14[%add3A_834] : memref<4160xi32, #tpu.memory_space<vmem>>[vector<16xi32>], vector<16xi32>,
      %add3A_835 = arith.constant 1 : i32
      %add3A_836 = vector.broadcast %add3A_835 : i32 to vector<16xi32>
      %add3A_837 = arith.addi %add3A_834, %add3A_836 : vector<16xi32>
      %gather3A_838 = tpu.vector_load_idx %arg14[%add3A_837] : memref<4160xi32, #tpu.memory_space<vmem>>[vector<16xi32>], vector<16xi32>,
      %lt3A = vector.broadcast %max3A_201 : i32 to vector<16xi32>
      %lt3A_839 = arith.cmpi slt, %add3A_834, %lt3A : vector<16xi32>
      %eq3A = arith.cmpi eq, %gather3A, %broadcast_in_dim3A_10 : vector<16xi32>
      %eq3A_840 = arith.cmpi eq, %gather3A_838, %broadcast_in_dim3A_22 : vector<16xi32>
      %and3A_841 = arith.andi %eq3A, %eq3A_840 : vector<16xi1>
      %jit3A_842 = arith.constant 0 : i64
      %convert_element_type3A_843 = arith.trunci %jit3A_842 : i64 to i32
      %broadcast_in_dim3A_844 = vector.broadcast %convert_element_type3A_843 : i32 to vector<16xi32>
      %select_n3A_845 = arith.select %and3A_841, %broadcast_in_dim3A_34, %broadcast_in_dim3A_844 : vector<16xi1>, vector<16xi32>
      %add3A_846 = arith.addi %broadcast_in_dim3A_6, %select_n3A_845 : vector<16xi32>
      %eq3A_847 = arith.cmpi eq, %gather3A, %broadcast_in_dim3A_13 : vector<16xi32>
      %eq3A_848 = arith.cmpi eq, %gather3A_838, %broadcast_in_dim3A_25 : vector<16xi32>
      %and3A_849 = arith.andi %eq3A_847, %eq3A_848 : vector<16xi1>
      %jit3A_850 = arith.constant 0 : i64
      %convert_element_type3A_851 = arith.trunci %jit3A_850 : i64 to i32
      %broadcast_in_dim3A_852 = vector.broadcast %convert_element_type3A_851 : i32 to vector<16xi32>
      %select_n3A_853 = arith.select %and3A_849, %broadcast_in_dim3A_37, %broadcast_in_dim3A_852 : vector<16xi1>, vector<16xi32>
      %add3A_854 = arith.addi %add3A_846, %select_n3A_853 : vector<16xi32>
      %eq3A_855 = arith.cmpi eq, %gather3A, %broadcast_in_dim3A_16 : vector<16xi32>
      %eq3A_856 = arith.cmpi eq, %gather3A_838, %broadcast_in_dim3A_28 : vector<16xi32>
      %and3A_857 = arith.andi %eq3A_855, %eq3A_856 : vector<16xi1>
      %jit3A_858 = arith.constant 0 : i64
      %convert_element_type3A_859 = arith.trunci %jit3A_858 : i64 to i32
      %broadcast_in_dim3A_860 = vector.broadcast %convert_element_type3A_859 : i32 to vector<16xi32>
      %select_n3A_861 = arith.select %and3A_857, %broadcast_in_dim3A_40, %broadcast_in_dim3A_860 : vector<16xi1>, vector<16xi32>
      %add3A_862 = arith.addi %add3A_854, %select_n3A_861 : vector<16xi32>
      %eq3A_863 = arith.cmpi eq, %gather3A, %broadcast_in_dim3A_19 : vector<16xi32>
      %eq3A_864 = arith.cmpi eq, %gather3A_838, %broadcast_in_dim3A_31 : vector<16xi32>
      %and3A_865 = arith.andi %eq3A_863, %eq3A_864 : vector<16xi1>
      %jit3A_866 = arith.constant 0 : i64
      %convert_element_type3A_867 = arith.trunci %jit3A_866 : i64 to i32
      %broadcast_in_dim3A_868 = vector.broadcast %convert_element_type3A_867 : i32 to vector<16xi32>
      %select_n3A_869 = arith.select %and3A_865, %broadcast_in_dim3A_43, %broadcast_in_dim3A_868 : vector<16xi1>, vector<16xi32>
      %add3A_870 = arith.addi %add3A_862, %select_n3A_869 : vector<16xi32>
      %add3A_871 = arith.addi %mul3A_3, %add3A_870 : vector<16xi32>
      tpu.vector_store_idx %arg13[%add3A_871], %broadcast_in_dim3A_4 masked %lt3A_839 {add = true} : memref<1024xi32, #tpu.memory_space<vmem>>[vector<16xi32>], vector<16xi32>, vector<16xi1>
      %mul3A_872 = arith.constant 32 : i32
      %mul3A_873 = arith.muli %while3A_830, %mul3A_872 : i32
      %add3A_874 = arith.constant 16 : i32
      %add3A_875 = arith.addi %mul3A_873, %add3A_874 : i32
      %add3A_876 = vector.broadcast %add3A_875 : i32 to vector<16xi32>
      %add3A_877 = arith.addi %iota3A, %add3A_876 : vector<16xi32>
      %gather3A_878 = tpu.vector_load_idx %arg14[%add3A_877] : memref<4160xi32, #tpu.memory_space<vmem>>[vector<16xi32>], vector<16xi32>,
      %add3A_879 = arith.constant 1 : i32
      %add3A_880 = vector.broadcast %add3A_879 : i32 to vector<16xi32>
      %add3A_881 = arith.addi %add3A_877, %add3A_880 : vector<16xi32>
      %gather3A_882 = tpu.vector_load_idx %arg14[%add3A_881] : memref<4160xi32, #tpu.memory_space<vmem>>[vector<16xi32>], vector<16xi32>,
      %lt3A_883 = vector.broadcast %max3A_201 : i32 to vector<16xi32>
      %lt3A_884 = arith.cmpi slt, %add3A_877, %lt3A_883 : vector<16xi32>
      %eq3A_885 = arith.cmpi eq, %gather3A_878, %broadcast_in_dim3A_10 : vector<16xi32>
      %eq3A_886 = arith.cmpi eq, %gather3A_882, %broadcast_in_dim3A_22 : vector<16xi32>
      %and3A_887 = arith.andi %eq3A_885, %eq3A_886 : vector<16xi1>
      %jit3A_888 = arith.constant 0 : i64
      %convert_element_type3A_889 = arith.trunci %jit3A_888 : i64 to i32
      %broadcast_in_dim3A_890 = vector.broadcast %convert_element_type3A_889 : i32 to vector<16xi32>
      %select_n3A_891 = arith.select %and3A_887, %broadcast_in_dim3A_34, %broadcast_in_dim3A_890 : vector<16xi1>, vector<16xi32>
      %add3A_892 = arith.addi %broadcast_in_dim3A_6, %select_n3A_891 : vector<16xi32>
      %eq3A_893 = arith.cmpi eq, %gather3A_878, %broadcast_in_dim3A_13 : vector<16xi32>
      %eq3A_894 = arith.cmpi eq, %gather3A_882, %broadcast_in_dim3A_25 : vector<16xi32>
      %and3A_895 = arith.andi %eq3A_893, %eq3A_894 : vector<16xi1>
      %jit3A_896 = arith.constant 0 : i64
      %convert_element_type3A_897 = arith.trunci %jit3A_896 : i64 to i32
      %broadcast_in_dim3A_898 = vector.broadcast %convert_element_type3A_897 : i32 to vector<16xi32>
      %select_n3A_899 = arith.select %and3A_895, %broadcast_in_dim3A_37, %broadcast_in_dim3A_898 : vector<16xi1>, vector<16xi32>
      %add3A_900 = arith.addi %add3A_892, %select_n3A_899 : vector<16xi32>
      %eq3A_901 = arith.cmpi eq, %gather3A_878, %broadcast_in_dim3A_16 : vector<16xi32>
      %eq3A_902 = arith.cmpi eq, %gather3A_882, %broadcast_in_dim3A_28 : vector<16xi32>
      %and3A_903 = arith.andi %eq3A_901, %eq3A_902 : vector<16xi1>
      %jit3A_904 = arith.constant 0 : i64
      %convert_element_type3A_905 = arith.trunci %jit3A_904 : i64 to i32
      %broadcast_in_dim3A_906 = vector.broadcast %convert_element_type3A_905 : i32 to vector<16xi32>
      %select_n3A_907 = arith.select %and3A_903, %broadcast_in_dim3A_40, %broadcast_in_dim3A_906 : vector<16xi1>, vector<16xi32>
      %add3A_908 = arith.addi %add3A_900, %select_n3A_907 : vector<16xi32>
      %eq3A_909 = arith.cmpi eq, %gather3A_878, %broadcast_in_dim3A_19 : vector<16xi32>
      %eq3A_910 = arith.cmpi eq, %gather3A_882, %broadcast_in_dim3A_31 : vector<16xi32>
      %and3A_911 = arith.andi %eq3A_909, %eq3A_910 : vector<16xi1>
      %jit3A_912 = arith.constant 0 : i64
      %convert_element_type3A_913 = arith.trunci %jit3A_912 : i64 to i32
      %broadcast_in_dim3A_914 = vector.broadcast %convert_element_type3A_913 : i32 to vector<16xi32>
      %select_n3A_915 = arith.select %and3A_911, %broadcast_in_dim3A_43, %broadcast_in_dim3A_914 : vector<16xi1>, vector<16xi32>
      %add3A_916 = arith.addi %add3A_908, %select_n3A_915 : vector<16xi32>
      %add3A_917 = arith.addi %mul3A_3, %add3A_916 : vector<16xi32>
      tpu.vector_store_idx %arg13[%add3A_917], %broadcast_in_dim3A_4 masked %lt3A_884 {add = true} : memref<1024xi32, #tpu.memory_space<vmem>>[vector<16xi32>], vector<16xi32>, vector<16xi1>
    }
    %get3A_231 = arith.constant 0 : index
    %get3A_232 = tpu.vector_load %arg13[%get3A_231] {strides = array<i32>} : memref<1024xi32, #tpu.memory_space<vmem>>, vector<16xi32>,
    %add3A_233 = arith.addi %broadcast_in_dim3A_6, %get3A_232 : vector<16xi32>
    %get3A_234 = arith.constant 16 : index
    %get3A_235 = tpu.vector_load %arg13[%get3A_234] {strides = array<i32>} : memref<1024xi32, #tpu.memory_space<vmem>>, vector<16xi32>,
    %add3A_236 = arith.addi %broadcast_in_dim3A_6, %get3A_235 : vector<16xi32>
    %get3A_237 = arith.constant 32 : index
    %get3A_238 = tpu.vector_load %arg13[%get3A_237] {strides = array<i32>} : memref<1024xi32, #tpu.memory_space<vmem>>, vector<16xi32>,
    %add3A_239 = arith.addi %broadcast_in_dim3A_6, %get3A_238 : vector<16xi32>
    %get3A_240 = arith.constant 48 : index
    %get3A_241 = tpu.vector_load %arg13[%get3A_240] {strides = array<i32>} : memref<1024xi32, #tpu.memory_space<vmem>>, vector<16xi32>,
    %add3A_242 = arith.addi %broadcast_in_dim3A_6, %get3A_241 : vector<16xi32>
    %get3A_243 = arith.constant 64 : index
    %get3A_244 = tpu.vector_load %arg13[%get3A_243] {strides = array<i32>} : memref<1024xi32, #tpu.memory_space<vmem>>, vector<16xi32>,
    %add3A_245 = arith.addi %add3A_233, %get3A_244 : vector<16xi32>
    %get3A_246 = arith.constant 80 : index
    %get3A_247 = tpu.vector_load %arg13[%get3A_246] {strides = array<i32>} : memref<1024xi32, #tpu.memory_space<vmem>>, vector<16xi32>,
    %add3A_248 = arith.addi %add3A_236, %get3A_247 : vector<16xi32>
    %get3A_249 = arith.constant 96 : index
    %get3A_250 = tpu.vector_load %arg13[%get3A_249] {strides = array<i32>} : memref<1024xi32, #tpu.memory_space<vmem>>, vector<16xi32>,
    %add3A_251 = arith.addi %add3A_239, %get3A_250 : vector<16xi32>
    %get3A_252 = arith.constant 112 : index
    %get3A_253 = tpu.vector_load %arg13[%get3A_252] {strides = array<i32>} : memref<1024xi32, #tpu.memory_space<vmem>>, vector<16xi32>,
    %add3A_254 = arith.addi %add3A_242, %get3A_253 : vector<16xi32>
    %get3A_255 = arith.constant 128 : index
    %get3A_256 = tpu.vector_load %arg13[%get3A_255] {strides = array<i32>} : memref<1024xi32, #tpu.memory_space<vmem>>, vector<16xi32>,
    %add3A_257 = arith.addi %add3A_245, %get3A_256 : vector<16xi32>
    %get3A_258 = arith.constant 144 : index
    %get3A_259 = tpu.vector_load %arg13[%get3A_258] {strides = array<i32>} : memref<1024xi32, #tpu.memory_space<vmem>>, vector<16xi32>,
    %add3A_260 = arith.addi %add3A_248, %get3A_259 : vector<16xi32>
    %get3A_261 = arith.constant 160 : index
    %get3A_262 = tpu.vector_load %arg13[%get3A_261] {strides = array<i32>} : memref<1024xi32, #tpu.memory_space<vmem>>, vector<16xi32>,
    %add3A_263 = arith.addi %add3A_251, %get3A_262 : vector<16xi32>
    %get3A_264 = arith.constant 176 : index
    %get3A_265 = tpu.vector_load %arg13[%get3A_264] {strides = array<i32>} : memref<1024xi32, #tpu.memory_space<vmem>>, vector<16xi32>,
    %add3A_266 = arith.addi %add3A_254, %get3A_265 : vector<16xi32>
    %get3A_267 = arith.constant 192 : index
    %get3A_268 = tpu.vector_load %arg13[%get3A_267] {strides = array<i32>} : memref<1024xi32, #tpu.memory_space<vmem>>, vector<16xi32>,
    %add3A_269 = arith.addi %add3A_257, %get3A_268 : vector<16xi32>
    %get3A_270 = arith.constant 208 : index
    %get3A_271 = tpu.vector_load %arg13[%get3A_270] {strides = array<i32>} : memref<1024xi32, #tpu.memory_space<vmem>>, vector<16xi32>,
    %add3A_272 = arith.addi %add3A_260, %get3A_271 : vector<16xi32>
    %get3A_273 = arith.constant 224 : index
    %get3A_274 = tpu.vector_load %arg13[%get3A_273] {strides = array<i32>} : memref<1024xi32, #tpu.memory_space<vmem>>, vector<16xi32>,
    %add3A_275 = arith.addi %add3A_263, %get3A_274 : vector<16xi32>
    %get3A_276 = arith.constant 240 : index
    %get3A_277 = tpu.vector_load %arg13[%get3A_276] {strides = array<i32>} : memref<1024xi32, #tpu.memory_space<vmem>>, vector<16xi32>,
    %add3A_278 = arith.addi %add3A_266, %get3A_277 : vector<16xi32>
    %get3A_279 = arith.constant 256 : index
    %get3A_280 = tpu.vector_load %arg13[%get3A_279] {strides = array<i32>} : memref<1024xi32, #tpu.memory_space<vmem>>, vector<16xi32>,
    %add3A_281 = arith.addi %add3A_269, %get3A_280 : vector<16xi32>
    %get3A_282 = arith.constant 272 : index
    %get3A_283 = tpu.vector_load %arg13[%get3A_282] {strides = array<i32>} : memref<1024xi32, #tpu.memory_space<vmem>>, vector<16xi32>,
    %add3A_284 = arith.addi %add3A_272, %get3A_283 : vector<16xi32>
    %get3A_285 = arith.constant 288 : index
    %get3A_286 = tpu.vector_load %arg13[%get3A_285] {strides = array<i32>} : memref<1024xi32, #tpu.memory_space<vmem>>, vector<16xi32>,
    %add3A_287 = arith.addi %add3A_275, %get3A_286 : vector<16xi32>
    %get3A_288 = arith.constant 304 : index
    %get3A_289 = tpu.vector_load %arg13[%get3A_288] {strides = array<i32>} : memref<1024xi32, #tpu.memory_space<vmem>>, vector<16xi32>,
    %add3A_290 = arith.addi %add3A_278, %get3A_289 : vector<16xi32>
    %get3A_291 = arith.constant 320 : index
    %get3A_292 = tpu.vector_load %arg13[%get3A_291] {strides = array<i32>} : memref<1024xi32, #tpu.memory_space<vmem>>, vector<16xi32>,
    %add3A_293 = arith.addi %add3A_281, %get3A_292 : vector<16xi32>
    %get3A_294 = arith.constant 336 : index
    %get3A_295 = tpu.vector_load %arg13[%get3A_294] {strides = array<i32>} : memref<1024xi32, #tpu.memory_space<vmem>>, vector<16xi32>,
    %add3A_296 = arith.addi %add3A_284, %get3A_295 : vector<16xi32>
    %get3A_297 = arith.constant 352 : index
    %get3A_298 = tpu.vector_load %arg13[%get3A_297] {strides = array<i32>} : memref<1024xi32, #tpu.memory_space<vmem>>, vector<16xi32>,
    %add3A_299 = arith.addi %add3A_287, %get3A_298 : vector<16xi32>
    %get3A_300 = arith.constant 368 : index
    %get3A_301 = tpu.vector_load %arg13[%get3A_300] {strides = array<i32>} : memref<1024xi32, #tpu.memory_space<vmem>>, vector<16xi32>,
    %add3A_302 = arith.addi %add3A_290, %get3A_301 : vector<16xi32>
    %get3A_303 = arith.constant 384 : index
    %get3A_304 = tpu.vector_load %arg13[%get3A_303] {strides = array<i32>} : memref<1024xi32, #tpu.memory_space<vmem>>, vector<16xi32>,
    %add3A_305 = arith.addi %add3A_293, %get3A_304 : vector<16xi32>
    %get3A_306 = arith.constant 400 : index
    %get3A_307 = tpu.vector_load %arg13[%get3A_306] {strides = array<i32>} : memref<1024xi32, #tpu.memory_space<vmem>>, vector<16xi32>,
    %add3A_308 = arith.addi %add3A_296, %get3A_307 : vector<16xi32>
    %get3A_309 = arith.constant 416 : index
    %get3A_310 = tpu.vector_load %arg13[%get3A_309] {strides = array<i32>} : memref<1024xi32, #tpu.memory_space<vmem>>, vector<16xi32>,
    %add3A_311 = arith.addi %add3A_299, %get3A_310 : vector<16xi32>
    %get3A_312 = arith.constant 432 : index
    %get3A_313 = tpu.vector_load %arg13[%get3A_312] {strides = array<i32>} : memref<1024xi32, #tpu.memory_space<vmem>>, vector<16xi32>,
    %add3A_314 = arith.addi %add3A_302, %get3A_313 : vector<16xi32>
    %get3A_315 = arith.constant 448 : index
    %get3A_316 = tpu.vector_load %arg13[%get3A_315] {strides = array<i32>} : memref<1024xi32, #tpu.memory_space<vmem>>, vector<16xi32>,
    %add3A_317 = arith.addi %add3A_305, %get3A_316 : vector<16xi32>
    %get3A_318 = arith.constant 464 : index
    %get3A_319 = tpu.vector_load %arg13[%get3A_318] {strides = array<i32>} : memref<1024xi32, #tpu.memory_space<vmem>>, vector<16xi32>,
    %add3A_320 = arith.addi %add3A_308, %get3A_319 : vector<16xi32>
    %get3A_321 = arith.constant 480 : index
    %get3A_322 = tpu.vector_load %arg13[%get3A_321] {strides = array<i32>} : memref<1024xi32, #tpu.memory_space<vmem>>, vector<16xi32>,
    %add3A_323 = arith.addi %add3A_311, %get3A_322 : vector<16xi32>
    %get3A_324 = arith.constant 496 : index
    %get3A_325 = tpu.vector_load %arg13[%get3A_324] {strides = array<i32>} : memref<1024xi32, #tpu.memory_space<vmem>>, vector<16xi32>,
    %add3A_326 = arith.addi %add3A_314, %get3A_325 : vector<16xi32>
    %get3A_327 = arith.constant 512 : index
    %get3A_328 = tpu.vector_load %arg13[%get3A_327] {strides = array<i32>} : memref<1024xi32, #tpu.memory_space<vmem>>, vector<16xi32>,
    %add3A_329 = arith.addi %add3A_317, %get3A_328 : vector<16xi32>
    %get3A_330 = arith.constant 528 : index
    %get3A_331 = tpu.vector_load %arg13[%get3A_330] {strides = array<i32>} : memref<1024xi32, #tpu.memory_space<vmem>>, vector<16xi32>,
    %add3A_332 = arith.addi %add3A_320, %get3A_331 : vector<16xi32>
    %get3A_333 = arith.constant 544 : index
    %get3A_334 = tpu.vector_load %arg13[%get3A_333] {strides = array<i32>} : memref<1024xi32, #tpu.memory_space<vmem>>, vector<16xi32>,
    %add3A_335 = arith.addi %add3A_323, %get3A_334 : vector<16xi32>
    %get3A_336 = arith.constant 560 : index
    %get3A_337 = tpu.vector_load %arg13[%get3A_336] {strides = array<i32>} : memref<1024xi32, #tpu.memory_space<vmem>>, vector<16xi32>,
    %add3A_338 = arith.addi %add3A_326, %get3A_337 : vector<16xi32>
    %get3A_339 = arith.constant 576 : index
    %get3A_340 = tpu.vector_load %arg13[%get3A_339] {strides = array<i32>} : memref<1024xi32, #tpu.memory_space<vmem>>, vector<16xi32>,
    %add3A_341 = arith.addi %add3A_329, %get3A_340 : vector<16xi32>
    %get3A_342 = arith.constant 592 : index
    %get3A_343 = tpu.vector_load %arg13[%get3A_342] {strides = array<i32>} : memref<1024xi32, #tpu.memory_space<vmem>>, vector<16xi32>,
    %add3A_344 = arith.addi %add3A_332, %get3A_343 : vector<16xi32>
    %get3A_345 = arith.constant 608 : index
    %get3A_346 = tpu.vector_load %arg13[%get3A_345] {strides = array<i32>} : memref<1024xi32, #tpu.memory_space<vmem>>, vector<16xi32>,
    %add3A_347 = arith.addi %add3A_335, %get3A_346 : vector<16xi32>
    %get3A_348 = arith.constant 624 : index
    %get3A_349 = tpu.vector_load %arg13[%get3A_348] {strides = array<i32>} : memref<1024xi32, #tpu.memory_space<vmem>>, vector<16xi32>,
    %add3A_350 = arith.addi %add3A_338, %get3A_349 : vector<16xi32>
    %get3A_351 = arith.constant 640 : index
    %get3A_352 = tpu.vector_load %arg13[%get3A_351] {strides = array<i32>} : memref<1024xi32, #tpu.memory_space<vmem>>, vector<16xi32>,
    %add3A_353 = arith.addi %add3A_341, %get3A_352 : vector<16xi32>
    %get3A_354 = arith.constant 656 : index
    %get3A_355 = tpu.vector_load %arg13[%get3A_354] {strides = array<i32>} : memref<1024xi32, #tpu.memory_space<vmem>>, vector<16xi32>,
    %add3A_356 = arith.addi %add3A_344, %get3A_355 : vector<16xi32>
    %get3A_357 = arith.constant 672 : index
    %get3A_358 = tpu.vector_load %arg13[%get3A_357] {strides = array<i32>} : memref<1024xi32, #tpu.memory_space<vmem>>, vector<16xi32>,
    %add3A_359 = arith.addi %add3A_347, %get3A_358 : vector<16xi32>
    %get3A_360 = arith.constant 688 : index
    %get3A_361 = tpu.vector_load %arg13[%get3A_360] {strides = array<i32>} : memref<1024xi32, #tpu.memory_space<vmem>>, vector<16xi32>,
    %add3A_362 = arith.addi %add3A_350, %get3A_361 : vector<16xi32>
    %get3A_363 = arith.constant 704 : index
    %get3A_364 = tpu.vector_load %arg13[%get3A_363] {strides = array<i32>} : memref<1024xi32, #tpu.memory_space<vmem>>, vector<16xi32>,
    %add3A_365 = arith.addi %add3A_353, %get3A_364 : vector<16xi32>
    %get3A_366 = arith.constant 720 : index
    %get3A_367 = tpu.vector_load %arg13[%get3A_366] {strides = array<i32>} : memref<1024xi32, #tpu.memory_space<vmem>>, vector<16xi32>,
    %add3A_368 = arith.addi %add3A_356, %get3A_367 : vector<16xi32>
    %get3A_369 = arith.constant 736 : index
    %get3A_370 = tpu.vector_load %arg13[%get3A_369] {strides = array<i32>} : memref<1024xi32, #tpu.memory_space<vmem>>, vector<16xi32>,
    %add3A_371 = arith.addi %add3A_359, %get3A_370 : vector<16xi32>
    %get3A_372 = arith.constant 752 : index
    %get3A_373 = tpu.vector_load %arg13[%get3A_372] {strides = array<i32>} : memref<1024xi32, #tpu.memory_space<vmem>>, vector<16xi32>,
    %add3A_374 = arith.addi %add3A_362, %get3A_373 : vector<16xi32>
    %get3A_375 = arith.constant 768 : index
    %get3A_376 = tpu.vector_load %arg13[%get3A_375] {strides = array<i32>} : memref<1024xi32, #tpu.memory_space<vmem>>, vector<16xi32>,
    %add3A_377 = arith.addi %add3A_365, %get3A_376 : vector<16xi32>
    %get3A_378 = arith.constant 784 : index
    %get3A_379 = tpu.vector_load %arg13[%get3A_378] {strides = array<i32>} : memref<1024xi32, #tpu.memory_space<vmem>>, vector<16xi32>,
    %add3A_380 = arith.addi %add3A_368, %get3A_379 : vector<16xi32>
    %get3A_381 = arith.constant 800 : index
    %get3A_382 = tpu.vector_load %arg13[%get3A_381] {strides = array<i32>} : memref<1024xi32, #tpu.memory_space<vmem>>, vector<16xi32>,
    %add3A_383 = arith.addi %add3A_371, %get3A_382 : vector<16xi32>
    %get3A_384 = arith.constant 816 : index
    %get3A_385 = tpu.vector_load %arg13[%get3A_384] {strides = array<i32>} : memref<1024xi32, #tpu.memory_space<vmem>>, vector<16xi32>,
    %add3A_386 = arith.addi %add3A_374, %get3A_385 : vector<16xi32>
    %get3A_387 = arith.constant 832 : index
    %get3A_388 = tpu.vector_load %arg13[%get3A_387] {strides = array<i32>} : memref<1024xi32, #tpu.memory_space<vmem>>, vector<16xi32>,
    %add3A_389 = arith.addi %add3A_377, %get3A_388 : vector<16xi32>
    %get3A_390 = arith.constant 848 : index
    %get3A_391 = tpu.vector_load %arg13[%get3A_390] {strides = array<i32>} : memref<1024xi32, #tpu.memory_space<vmem>>, vector<16xi32>,
    %add3A_392 = arith.addi %add3A_380, %get3A_391 : vector<16xi32>
    %get3A_393 = arith.constant 864 : index
    %get3A_394 = tpu.vector_load %arg13[%get3A_393] {strides = array<i32>} : memref<1024xi32, #tpu.memory_space<vmem>>, vector<16xi32>,
    %add3A_395 = arith.addi %add3A_383, %get3A_394 : vector<16xi32>
    %get3A_396 = arith.constant 880 : index
    %get3A_397 = tpu.vector_load %arg13[%get3A_396] {strides = array<i32>} : memref<1024xi32, #tpu.memory_space<vmem>>, vector<16xi32>,
    %add3A_398 = arith.addi %add3A_386, %get3A_397 : vector<16xi32>
    %get3A_399 = arith.constant 896 : index
    %get3A_400 = tpu.vector_load %arg13[%get3A_399] {strides = array<i32>} : memref<1024xi32, #tpu.memory_space<vmem>>, vector<16xi32>,
    %add3A_401 = arith.addi %add3A_389, %get3A_400 : vector<16xi32>
    %get3A_402 = arith.constant 912 : index
    %get3A_403 = tpu.vector_load %arg13[%get3A_402] {strides = array<i32>} : memref<1024xi32, #tpu.memory_space<vmem>>, vector<16xi32>,
    %add3A_404 = arith.addi %add3A_392, %get3A_403 : vector<16xi32>
    %get3A_405 = arith.constant 928 : index
    %get3A_406 = tpu.vector_load %arg13[%get3A_405] {strides = array<i32>} : memref<1024xi32, #tpu.memory_space<vmem>>, vector<16xi32>,
    %add3A_407 = arith.addi %add3A_395, %get3A_406 : vector<16xi32>
    %get3A_408 = arith.constant 944 : index
    %get3A_409 = tpu.vector_load %arg13[%get3A_408] {strides = array<i32>} : memref<1024xi32, #tpu.memory_space<vmem>>, vector<16xi32>,
    %add3A_410 = arith.addi %add3A_398, %get3A_409 : vector<16xi32>
    %get3A_411 = arith.constant 960 : index
    %get3A_412 = tpu.vector_load %arg13[%get3A_411] {strides = array<i32>} : memref<1024xi32, #tpu.memory_space<vmem>>, vector<16xi32>,
    %add3A_413 = arith.addi %add3A_401, %get3A_412 : vector<16xi32>
    %get3A_414 = arith.constant 976 : index
    %get3A_415 = tpu.vector_load %arg13[%get3A_414] {strides = array<i32>} : memref<1024xi32, #tpu.memory_space<vmem>>, vector<16xi32>,
    %add3A_416 = arith.addi %add3A_404, %get3A_415 : vector<16xi32>
    %get3A_417 = arith.constant 992 : index
    %get3A_418 = tpu.vector_load %arg13[%get3A_417] {strides = array<i32>} : memref<1024xi32, #tpu.memory_space<vmem>>, vector<16xi32>,
    %add3A_419 = arith.addi %add3A_407, %get3A_418 : vector<16xi32>
    %get3A_420 = arith.constant 1008 : index
    %get3A_421 = tpu.vector_load %arg13[%get3A_420] {strides = array<i32>} : memref<1024xi32, #tpu.memory_space<vmem>>, vector<16xi32>,
    %add3A_422 = arith.addi %add3A_410, %get3A_421 : vector<16xi32>
    %swap3A_423 = arith.constant 0 : index
    %swap3A_424 = tpu.vector_load %arg16[%swap3A_423] {strides = array<i32>} : memref<64xi32, #tpu.memory_space<vmem>>, vector<16xi32>,
    tpu.vector_store %arg16[%swap3A_423], %add3A_413 {strides = array<i32>} : memref<64xi32, #tpu.memory_space<vmem>>, vector<16xi32>,
    %swap3A_425 = arith.constant 16 : index
    %swap3A_426 = tpu.vector_load %arg16[%swap3A_425] {strides = array<i32>} : memref<64xi32, #tpu.memory_space<vmem>>, vector<16xi32>,
    tpu.vector_store %arg16[%swap3A_425], %add3A_416 {strides = array<i32>} : memref<64xi32, #tpu.memory_space<vmem>>, vector<16xi32>,
    %swap3A_427 = arith.constant 32 : index
    %swap3A_428 = tpu.vector_load %arg16[%swap3A_427] {strides = array<i32>} : memref<64xi32, #tpu.memory_space<vmem>>, vector<16xi32>,
    tpu.vector_store %arg16[%swap3A_427], %add3A_419 {strides = array<i32>} : memref<64xi32, #tpu.memory_space<vmem>>, vector<16xi32>,
    %swap3A_429 = arith.constant 48 : index
    %swap3A_430 = tpu.vector_load %arg16[%swap3A_429] {strides = array<i32>} : memref<64xi32, #tpu.memory_space<vmem>>, vector<16xi32>,
    tpu.vector_store %arg16[%swap3A_429], %add3A_422 {strides = array<i32>} : memref<64xi32, #tpu.memory_space<vmem>>, vector<16xi32>,
    "tpu.region"() ({
      %run_scoped3A = tpu.sem_alloc : memref<!tpu.dma_semaphore, #tpu.memory_space<semaphore_mem>>
      %dma_start3A = arith.constant 0 : i32
      %dma_start3A_830 = tpu.memref_slice %arg7[%add3A_47, %dma_start3A] : memref<64x64xi32, #tpu.memory_space<hbm>> -> memref<1x64xi32, #tpu.memory_space<hbm>>
      %dma_start3A_831 = tpu.memref_squeeze %dma_start3A_830 : memref<1x64xi32, #tpu.memory_space<hbm>> -> memref<64xi32, #tpu.memory_space<hbm>>
      %dma_start3A_832 = arith.constant 0 : i32
      %dma_start3A_833 = tpu.memref_slice %arg7[%add3A_47, %dma_start3A_832] : memref<64x64xi32, #tpu.memory_space<hbm>> -> memref<1x64xi32, #tpu.memory_space<hbm>>
      %dma_start3A_834 = tpu.memref_squeeze %dma_start3A_833 : memref<1x64xi32, #tpu.memory_space<hbm>> -> memref<64xi32, #tpu.memory_space<hbm>>
      tpu.enqueue_dma source(%arg16 : memref<64xi32, #tpu.memory_space<vmem>>) target(%dma_start3A_834 : memref<64xi32, #tpu.memory_space<hbm>>) target_semaphore(%run_scoped3A : memref<!tpu.dma_semaphore, #tpu.memory_space<semaphore_mem>>)
      %dma_wait3A = arith.constant 0 : i32
      %dma_wait3A_835 = tpu.memref_slice %arg7[%add3A_47, %dma_wait3A] : memref<64x64xi32, #tpu.memory_space<hbm>> -> memref<1x64xi32, #tpu.memory_space<hbm>>
      %dma_wait3A_836 = tpu.memref_squeeze %dma_wait3A_835 : memref<1x64xi32, #tpu.memory_space<hbm>> -> memref<64xi32, #tpu.memory_space<hbm>>
      %dma_wait3A_837 = arith.constant 0 : i32
      %dma_wait3A_838 = tpu.memref_slice %arg7[%add3A_47, %dma_wait3A_837] : memref<64x64xi32, #tpu.memory_space<hbm>> -> memref<1x64xi32, #tpu.memory_space<hbm>>
      %dma_wait3A_839 = tpu.memref_squeeze %dma_wait3A_838 : memref<1x64xi32, #tpu.memory_space<hbm>> -> memref<64xi32, #tpu.memory_space<hbm>>
      tpu.wait_dma2 semaphore(%run_scoped3A : memref<!tpu.dma_semaphore, #tpu.memory_space<semaphore_mem>>) src(%arg16 : memref<64xi32, #tpu.memory_space<vmem>>) dst(%dma_wait3A_839 : memref<64xi32, #tpu.memory_space<hbm>>)
      tpu.yield
    }) : () -> ()
    %mul3A_431 = arith.constant 2 : i32
    %mul3A_432 = arith.muli %add3A, %mul3A_431 : i32
    %add3A_433 = arith.constant 1 : i32
    %add3A_434 = arith.addi %mul3A_432, %add3A_433 : i32
    "tpu.region"() ({
      %run_scoped3A = tpu.sem_alloc : memref<!tpu.dma_semaphore, #tpu.memory_space<semaphore_mem>>
      %dma_start3A = arith.constant 0 : i32
      %dma_start3A_830 = arith.constant 0 : i32
      %dma_start3A_831 = tpu.memref_slice %arg2[%add3A_434, %dma_start3A, %dma_start3A_830] : memref<64x16x4096xi32, #tpu.memory_space<hbm>> -> memref<1x16x4096xi32, #tpu.memory_space<hbm>>
      %dma_start3A_832 = tpu.memref_squeeze %dma_start3A_831 : memref<1x16x4096xi32, #tpu.memory_space<hbm>> -> memref<16x4096xi32, #tpu.memory_space<hbm>>
      %dma_start3A_833 = arith.constant 0 : i32
      %dma_start3A_834 = arith.constant 0 : i32
      %dma_start3A_835 = tpu.memref_slice %arg2[%add3A_434, %dma_start3A_833, %dma_start3A_834] : memref<64x16x4096xi32, #tpu.memory_space<hbm>> -> memref<1x16x4096xi32, #tpu.memory_space<hbm>>
      %dma_start3A_836 = tpu.memref_squeeze %dma_start3A_835 : memref<1x16x4096xi32, #tpu.memory_space<hbm>> -> memref<16x4096xi32, #tpu.memory_space<hbm>>
      tpu.enqueue_dma source(%dma_start3A_836 : memref<16x4096xi32, #tpu.memory_space<hbm>>) target(%arg8 : memref<16x4096xi32, #tpu.memory_space<vmem>>) target_semaphore(%run_scoped3A : memref<!tpu.dma_semaphore, #tpu.memory_space<semaphore_mem>>)
      %dma_wait3A = arith.constant 0 : i32
      %dma_wait3A_837 = arith.constant 0 : i32
      %dma_wait3A_838 = tpu.memref_slice %arg2[%add3A_434, %dma_wait3A, %dma_wait3A_837] : memref<64x16x4096xi32, #tpu.memory_space<hbm>> -> memref<1x16x4096xi32, #tpu.memory_space<hbm>>
      %dma_wait3A_839 = tpu.memref_squeeze %dma_wait3A_838 : memref<1x16x4096xi32, #tpu.memory_space<hbm>> -> memref<16x4096xi32, #tpu.memory_space<hbm>>
      %dma_wait3A_840 = arith.constant 0 : i32
      %dma_wait3A_841 = arith.constant 0 : i32
      %dma_wait3A_842 = tpu.memref_slice %arg2[%add3A_434, %dma_wait3A_840, %dma_wait3A_841] : memref<64x16x4096xi32, #tpu.memory_space<hbm>> -> memref<1x16x4096xi32, #tpu.memory_space<hbm>>
      %dma_wait3A_843 = tpu.memref_squeeze %dma_wait3A_842 : memref<1x16x4096xi32, #tpu.memory_space<hbm>> -> memref<16x4096xi32, #tpu.memory_space<hbm>>
      tpu.wait_dma2 semaphore(%run_scoped3A : memref<!tpu.dma_semaphore, #tpu.memory_space<semaphore_mem>>) src(%dma_wait3A_843 : memref<16x4096xi32, #tpu.memory_space<hbm>>) dst(%arg8 : memref<16x4096xi32, #tpu.memory_space<vmem>>)
      tpu.yield
    }) : () -> ()
    %swap3A_435 = arith.constant 0 : index
    %swap3A_436 = tpu.vector_load %arg13[%swap3A_435] {strides = array<i32>} : memref<1024xi32, #tpu.memory_space<vmem>>, vector<16xi32>,
    tpu.vector_store %arg13[%swap3A_435], %broadcast_in_dim3A_6 {strides = array<i32>} : memref<1024xi32, #tpu.memory_space<vmem>>, vector<16xi32>,
    %swap3A_437 = arith.constant 16 : index
    %swap3A_438 = tpu.vector_load %arg13[%swap3A_437] {strides = array<i32>} : memref<1024xi32, #tpu.memory_space<vmem>>, vector<16xi32>,
    tpu.vector_store %arg13[%swap3A_437], %broadcast_in_dim3A_6 {strides = array<i32>} : memref<1024xi32, #tpu.memory_space<vmem>>, vector<16xi32>,
    %swap3A_439 = arith.constant 32 : index
    %swap3A_440 = tpu.vector_load %arg13[%swap3A_439] {strides = array<i32>} : memref<1024xi32, #tpu.memory_space<vmem>>, vector<16xi32>,
    tpu.vector_store %arg13[%swap3A_439], %broadcast_in_dim3A_6 {strides = array<i32>} : memref<1024xi32, #tpu.memory_space<vmem>>, vector<16xi32>,
    %swap3A_441 = arith.constant 48 : index
    %swap3A_442 = tpu.vector_load %arg13[%swap3A_441] {strides = array<i32>} : memref<1024xi32, #tpu.memory_space<vmem>>, vector<16xi32>,
    tpu.vector_store %arg13[%swap3A_441], %broadcast_in_dim3A_6 {strides = array<i32>} : memref<1024xi32, #tpu.memory_space<vmem>>, vector<16xi32>,
    %swap3A_443 = arith.constant 64 : index
    %swap3A_444 = tpu.vector_load %arg13[%swap3A_443] {strides = array<i32>} : memref<1024xi32, #tpu.memory_space<vmem>>, vector<16xi32>,
    tpu.vector_store %arg13[%swap3A_443], %broadcast_in_dim3A_6 {strides = array<i32>} : memref<1024xi32, #tpu.memory_space<vmem>>, vector<16xi32>,
    %swap3A_445 = arith.constant 80 : index
    %swap3A_446 = tpu.vector_load %arg13[%swap3A_445] {strides = array<i32>} : memref<1024xi32, #tpu.memory_space<vmem>>, vector<16xi32>,
    tpu.vector_store %arg13[%swap3A_445], %broadcast_in_dim3A_6 {strides = array<i32>} : memref<1024xi32, #tpu.memory_space<vmem>>, vector<16xi32>,
    %swap3A_447 = arith.constant 96 : index
    %swap3A_448 = tpu.vector_load %arg13[%swap3A_447] {strides = array<i32>} : memref<1024xi32, #tpu.memory_space<vmem>>, vector<16xi32>,
    tpu.vector_store %arg13[%swap3A_447], %broadcast_in_dim3A_6 {strides = array<i32>} : memref<1024xi32, #tpu.memory_space<vmem>>, vector<16xi32>,
    %swap3A_449 = arith.constant 112 : index
    %swap3A_450 = tpu.vector_load %arg13[%swap3A_449] {strides = array<i32>} : memref<1024xi32, #tpu.memory_space<vmem>>, vector<16xi32>,
    tpu.vector_store %arg13[%swap3A_449], %broadcast_in_dim3A_6 {strides = array<i32>} : memref<1024xi32, #tpu.memory_space<vmem>>, vector<16xi32>,
    %swap3A_451 = arith.constant 128 : index
    %swap3A_452 = tpu.vector_load %arg13[%swap3A_451] {strides = array<i32>} : memref<1024xi32, #tpu.memory_space<vmem>>, vector<16xi32>,
    tpu.vector_store %arg13[%swap3A_451], %broadcast_in_dim3A_6 {strides = array<i32>} : memref<1024xi32, #tpu.memory_space<vmem>>, vector<16xi32>,
    %swap3A_453 = arith.constant 144 : index
    %swap3A_454 = tpu.vector_load %arg13[%swap3A_453] {strides = array<i32>} : memref<1024xi32, #tpu.memory_space<vmem>>, vector<16xi32>,
    tpu.vector_store %arg13[%swap3A_453], %broadcast_in_dim3A_6 {strides = array<i32>} : memref<1024xi32, #tpu.memory_space<vmem>>, vector<16xi32>,
    %swap3A_455 = arith.constant 160 : index
    %swap3A_456 = tpu.vector_load %arg13[%swap3A_455] {strides = array<i32>} : memref<1024xi32, #tpu.memory_space<vmem>>, vector<16xi32>,
    tpu.vector_store %arg13[%swap3A_455], %broadcast_in_dim3A_6 {strides = array<i32>} : memref<1024xi32, #tpu.memory_space<vmem>>, vector<16xi32>,
    %swap3A_457 = arith.constant 176 : index
    %swap3A_458 = tpu.vector_load %arg13[%swap3A_457] {strides = array<i32>} : memref<1024xi32, #tpu.memory_space<vmem>>, vector<16xi32>,
    tpu.vector_store %arg13[%swap3A_457], %broadcast_in_dim3A_6 {strides = array<i32>} : memref<1024xi32, #tpu.memory_space<vmem>>, vector<16xi32>,
    %swap3A_459 = arith.constant 192 : index
    %swap3A_460 = tpu.vector_load %arg13[%swap3A_459] {strides = array<i32>} : memref<1024xi32, #tpu.memory_space<vmem>>, vector<16xi32>,
    tpu.vector_store %arg13[%swap3A_459], %broadcast_in_dim3A_6 {strides = array<i32>} : memref<1024xi32, #tpu.memory_space<vmem>>, vector<16xi32>,
    %swap3A_461 = arith.constant 208 : index
    %swap3A_462 = tpu.vector_load %arg13[%swap3A_461] {strides = array<i32>} : memref<1024xi32, #tpu.memory_space<vmem>>, vector<16xi32>,
    tpu.vector_store %arg13[%swap3A_461], %broadcast_in_dim3A_6 {strides = array<i32>} : memref<1024xi32, #tpu.memory_space<vmem>>, vector<16xi32>,
    %swap3A_463 = arith.constant 224 : index
    %swap3A_464 = tpu.vector_load %arg13[%swap3A_463] {strides = array<i32>} : memref<1024xi32, #tpu.memory_space<vmem>>, vector<16xi32>,
    tpu.vector_store %arg13[%swap3A_463], %broadcast_in_dim3A_6 {strides = array<i32>} : memref<1024xi32, #tpu.memory_space<vmem>>, vector<16xi32>,
    %swap3A_465 = arith.constant 240 : index
    %swap3A_466 = tpu.vector_load %arg13[%swap3A_465] {strides = array<i32>} : memref<1024xi32, #tpu.memory_space<vmem>>, vector<16xi32>,
    tpu.vector_store %arg13[%swap3A_465], %broadcast_in_dim3A_6 {strides = array<i32>} : memref<1024xi32, #tpu.memory_space<vmem>>, vector<16xi32>,
    %swap3A_467 = arith.constant 256 : index
    %swap3A_468 = tpu.vector_load %arg13[%swap3A_467] {strides = array<i32>} : memref<1024xi32, #tpu.memory_space<vmem>>, vector<16xi32>,
    tpu.vector_store %arg13[%swap3A_467], %broadcast_in_dim3A_6 {strides = array<i32>} : memref<1024xi32, #tpu.memory_space<vmem>>, vector<16xi32>,
    %swap3A_469 = arith.constant 272 : index
    %swap3A_470 = tpu.vector_load %arg13[%swap3A_469] {strides = array<i32>} : memref<1024xi32, #tpu.memory_space<vmem>>, vector<16xi32>,
    tpu.vector_store %arg13[%swap3A_469], %broadcast_in_dim3A_6 {strides = array<i32>} : memref<1024xi32, #tpu.memory_space<vmem>>, vector<16xi32>,
    %swap3A_471 = arith.constant 288 : index
    %swap3A_472 = tpu.vector_load %arg13[%swap3A_471] {strides = array<i32>} : memref<1024xi32, #tpu.memory_space<vmem>>, vector<16xi32>,
    tpu.vector_store %arg13[%swap3A_471], %broadcast_in_dim3A_6 {strides = array<i32>} : memref<1024xi32, #tpu.memory_space<vmem>>, vector<16xi32>,
    %swap3A_473 = arith.constant 304 : index
    %swap3A_474 = tpu.vector_load %arg13[%swap3A_473] {strides = array<i32>} : memref<1024xi32, #tpu.memory_space<vmem>>, vector<16xi32>,
    tpu.vector_store %arg13[%swap3A_473], %broadcast_in_dim3A_6 {strides = array<i32>} : memref<1024xi32, #tpu.memory_space<vmem>>, vector<16xi32>,
    %swap3A_475 = arith.constant 320 : index
    %swap3A_476 = tpu.vector_load %arg13[%swap3A_475] {strides = array<i32>} : memref<1024xi32, #tpu.memory_space<vmem>>, vector<16xi32>,
    tpu.vector_store %arg13[%swap3A_475], %broadcast_in_dim3A_6 {strides = array<i32>} : memref<1024xi32, #tpu.memory_space<vmem>>, vector<16xi32>,
    %swap3A_477 = arith.constant 336 : index
    %swap3A_478 = tpu.vector_load %arg13[%swap3A_477] {strides = array<i32>} : memref<1024xi32, #tpu.memory_space<vmem>>, vector<16xi32>,
    tpu.vector_store %arg13[%swap3A_477], %broadcast_in_dim3A_6 {strides = array<i32>} : memref<1024xi32, #tpu.memory_space<vmem>>, vector<16xi32>,
    %swap3A_479 = arith.constant 352 : index
    %swap3A_480 = tpu.vector_load %arg13[%swap3A_479] {strides = array<i32>} : memref<1024xi32, #tpu.memory_space<vmem>>, vector<16xi32>,
    tpu.vector_store %arg13[%swap3A_479], %broadcast_in_dim3A_6 {strides = array<i32>} : memref<1024xi32, #tpu.memory_space<vmem>>, vector<16xi32>,
    %swap3A_481 = arith.constant 368 : index
    %swap3A_482 = tpu.vector_load %arg13[%swap3A_481] {strides = array<i32>} : memref<1024xi32, #tpu.memory_space<vmem>>, vector<16xi32>,
    tpu.vector_store %arg13[%swap3A_481], %broadcast_in_dim3A_6 {strides = array<i32>} : memref<1024xi32, #tpu.memory_space<vmem>>, vector<16xi32>,
    %swap3A_483 = arith.constant 384 : index
    %swap3A_484 = tpu.vector_load %arg13[%swap3A_483] {strides = array<i32>} : memref<1024xi32, #tpu.memory_space<vmem>>, vector<16xi32>,
    tpu.vector_store %arg13[%swap3A_483], %broadcast_in_dim3A_6 {strides = array<i32>} : memref<1024xi32, #tpu.memory_space<vmem>>, vector<16xi32>,
    %swap3A_485 = arith.constant 400 : index
    %swap3A_486 = tpu.vector_load %arg13[%swap3A_485] {strides = array<i32>} : memref<1024xi32, #tpu.memory_space<vmem>>, vector<16xi32>,
    tpu.vector_store %arg13[%swap3A_485], %broadcast_in_dim3A_6 {strides = array<i32>} : memref<1024xi32, #tpu.memory_space<vmem>>, vector<16xi32>,
    %swap3A_487 = arith.constant 416 : index
    %swap3A_488 = tpu.vector_load %arg13[%swap3A_487] {strides = array<i32>} : memref<1024xi32, #tpu.memory_space<vmem>>, vector<16xi32>,
    tpu.vector_store %arg13[%swap3A_487], %broadcast_in_dim3A_6 {strides = array<i32>} : memref<1024xi32, #tpu.memory_space<vmem>>, vector<16xi32>,
    %swap3A_489 = arith.constant 432 : index
    %swap3A_490 = tpu.vector_load %arg13[%swap3A_489] {strides = array<i32>} : memref<1024xi32, #tpu.memory_space<vmem>>, vector<16xi32>,
    tpu.vector_store %arg13[%swap3A_489], %broadcast_in_dim3A_6 {strides = array<i32>} : memref<1024xi32, #tpu.memory_space<vmem>>, vector<16xi32>,
    %swap3A_491 = arith.constant 448 : index
    %swap3A_492 = tpu.vector_load %arg13[%swap3A_491] {strides = array<i32>} : memref<1024xi32, #tpu.memory_space<vmem>>, vector<16xi32>,
    tpu.vector_store %arg13[%swap3A_491], %broadcast_in_dim3A_6 {strides = array<i32>} : memref<1024xi32, #tpu.memory_space<vmem>>, vector<16xi32>,
    %swap3A_493 = arith.constant 464 : index
    %swap3A_494 = tpu.vector_load %arg13[%swap3A_493] {strides = array<i32>} : memref<1024xi32, #tpu.memory_space<vmem>>, vector<16xi32>,
    tpu.vector_store %arg13[%swap3A_493], %broadcast_in_dim3A_6 {strides = array<i32>} : memref<1024xi32, #tpu.memory_space<vmem>>, vector<16xi32>,
    %swap3A_495 = arith.constant 480 : index
    %swap3A_496 = tpu.vector_load %arg13[%swap3A_495] {strides = array<i32>} : memref<1024xi32, #tpu.memory_space<vmem>>, vector<16xi32>,
    tpu.vector_store %arg13[%swap3A_495], %broadcast_in_dim3A_6 {strides = array<i32>} : memref<1024xi32, #tpu.memory_space<vmem>>, vector<16xi32>,
    %swap3A_497 = arith.constant 496 : index
    %swap3A_498 = tpu.vector_load %arg13[%swap3A_497] {strides = array<i32>} : memref<1024xi32, #tpu.memory_space<vmem>>, vector<16xi32>,
    tpu.vector_store %arg13[%swap3A_497], %broadcast_in_dim3A_6 {strides = array<i32>} : memref<1024xi32, #tpu.memory_space<vmem>>, vector<16xi32>,
    %swap3A_499 = arith.constant 512 : index
    %swap3A_500 = tpu.vector_load %arg13[%swap3A_499] {strides = array<i32>} : memref<1024xi32, #tpu.memory_space<vmem>>, vector<16xi32>,
    tpu.vector_store %arg13[%swap3A_499], %broadcast_in_dim3A_6 {strides = array<i32>} : memref<1024xi32, #tpu.memory_space<vmem>>, vector<16xi32>,
    %swap3A_501 = arith.constant 528 : index
    %swap3A_502 = tpu.vector_load %arg13[%swap3A_501] {strides = array<i32>} : memref<1024xi32, #tpu.memory_space<vmem>>, vector<16xi32>,
    tpu.vector_store %arg13[%swap3A_501], %broadcast_in_dim3A_6 {strides = array<i32>} : memref<1024xi32, #tpu.memory_space<vmem>>, vector<16xi32>,
    %swap3A_503 = arith.constant 544 : index
    %swap3A_504 = tpu.vector_load %arg13[%swap3A_503] {strides = array<i32>} : memref<1024xi32, #tpu.memory_space<vmem>>, vector<16xi32>,
    tpu.vector_store %arg13[%swap3A_503], %broadcast_in_dim3A_6 {strides = array<i32>} : memref<1024xi32, #tpu.memory_space<vmem>>, vector<16xi32>,
    %swap3A_505 = arith.constant 560 : index
    %swap3A_506 = tpu.vector_load %arg13[%swap3A_505] {strides = array<i32>} : memref<1024xi32, #tpu.memory_space<vmem>>, vector<16xi32>,
    tpu.vector_store %arg13[%swap3A_505], %broadcast_in_dim3A_6 {strides = array<i32>} : memref<1024xi32, #tpu.memory_space<vmem>>, vector<16xi32>,
    %swap3A_507 = arith.constant 576 : index
    %swap3A_508 = tpu.vector_load %arg13[%swap3A_507] {strides = array<i32>} : memref<1024xi32, #tpu.memory_space<vmem>>, vector<16xi32>,
    tpu.vector_store %arg13[%swap3A_507], %broadcast_in_dim3A_6 {strides = array<i32>} : memref<1024xi32, #tpu.memory_space<vmem>>, vector<16xi32>,
    %swap3A_509 = arith.constant 592 : index
    %swap3A_510 = tpu.vector_load %arg13[%swap3A_509] {strides = array<i32>} : memref<1024xi32, #tpu.memory_space<vmem>>, vector<16xi32>,
    tpu.vector_store %arg13[%swap3A_509], %broadcast_in_dim3A_6 {strides = array<i32>} : memref<1024xi32, #tpu.memory_space<vmem>>, vector<16xi32>,
    %swap3A_511 = arith.constant 608 : index
    %swap3A_512 = tpu.vector_load %arg13[%swap3A_511] {strides = array<i32>} : memref<1024xi32, #tpu.memory_space<vmem>>, vector<16xi32>,
    tpu.vector_store %arg13[%swap3A_511], %broadcast_in_dim3A_6 {strides = array<i32>} : memref<1024xi32, #tpu.memory_space<vmem>>, vector<16xi32>,
    %swap3A_513 = arith.constant 624 : index
    %swap3A_514 = tpu.vector_load %arg13[%swap3A_513] {strides = array<i32>} : memref<1024xi32, #tpu.memory_space<vmem>>, vector<16xi32>,
    tpu.vector_store %arg13[%swap3A_513], %broadcast_in_dim3A_6 {strides = array<i32>} : memref<1024xi32, #tpu.memory_space<vmem>>, vector<16xi32>,
    %swap3A_515 = arith.constant 640 : index
    %swap3A_516 = tpu.vector_load %arg13[%swap3A_515] {strides = array<i32>} : memref<1024xi32, #tpu.memory_space<vmem>>, vector<16xi32>,
    tpu.vector_store %arg13[%swap3A_515], %broadcast_in_dim3A_6 {strides = array<i32>} : memref<1024xi32, #tpu.memory_space<vmem>>, vector<16xi32>,
    %swap3A_517 = arith.constant 656 : index
    %swap3A_518 = tpu.vector_load %arg13[%swap3A_517] {strides = array<i32>} : memref<1024xi32, #tpu.memory_space<vmem>>, vector<16xi32>,
    tpu.vector_store %arg13[%swap3A_517], %broadcast_in_dim3A_6 {strides = array<i32>} : memref<1024xi32, #tpu.memory_space<vmem>>, vector<16xi32>,
    %swap3A_519 = arith.constant 672 : index
    %swap3A_520 = tpu.vector_load %arg13[%swap3A_519] {strides = array<i32>} : memref<1024xi32, #tpu.memory_space<vmem>>, vector<16xi32>,
    tpu.vector_store %arg13[%swap3A_519], %broadcast_in_dim3A_6 {strides = array<i32>} : memref<1024xi32, #tpu.memory_space<vmem>>, vector<16xi32>,
    %swap3A_521 = arith.constant 688 : index
    %swap3A_522 = tpu.vector_load %arg13[%swap3A_521] {strides = array<i32>} : memref<1024xi32, #tpu.memory_space<vmem>>, vector<16xi32>,
    tpu.vector_store %arg13[%swap3A_521], %broadcast_in_dim3A_6 {strides = array<i32>} : memref<1024xi32, #tpu.memory_space<vmem>>, vector<16xi32>,
    %swap3A_523 = arith.constant 704 : index
    %swap3A_524 = tpu.vector_load %arg13[%swap3A_523] {strides = array<i32>} : memref<1024xi32, #tpu.memory_space<vmem>>, vector<16xi32>,
    tpu.vector_store %arg13[%swap3A_523], %broadcast_in_dim3A_6 {strides = array<i32>} : memref<1024xi32, #tpu.memory_space<vmem>>, vector<16xi32>,
    %swap3A_525 = arith.constant 720 : index
    %swap3A_526 = tpu.vector_load %arg13[%swap3A_525] {strides = array<i32>} : memref<1024xi32, #tpu.memory_space<vmem>>, vector<16xi32>,
    tpu.vector_store %arg13[%swap3A_525], %broadcast_in_dim3A_6 {strides = array<i32>} : memref<1024xi32, #tpu.memory_space<vmem>>, vector<16xi32>,
    %swap3A_527 = arith.constant 736 : index
    %swap3A_528 = tpu.vector_load %arg13[%swap3A_527] {strides = array<i32>} : memref<1024xi32, #tpu.memory_space<vmem>>, vector<16xi32>,
    tpu.vector_store %arg13[%swap3A_527], %broadcast_in_dim3A_6 {strides = array<i32>} : memref<1024xi32, #tpu.memory_space<vmem>>, vector<16xi32>,
    %swap3A_529 = arith.constant 752 : index
    %swap3A_530 = tpu.vector_load %arg13[%swap3A_529] {strides = array<i32>} : memref<1024xi32, #tpu.memory_space<vmem>>, vector<16xi32>,
    tpu.vector_store %arg13[%swap3A_529], %broadcast_in_dim3A_6 {strides = array<i32>} : memref<1024xi32, #tpu.memory_space<vmem>>, vector<16xi32>,
    %swap3A_531 = arith.constant 768 : index
    %swap3A_532 = tpu.vector_load %arg13[%swap3A_531] {strides = array<i32>} : memref<1024xi32, #tpu.memory_space<vmem>>, vector<16xi32>,
    tpu.vector_store %arg13[%swap3A_531], %broadcast_in_dim3A_6 {strides = array<i32>} : memref<1024xi32, #tpu.memory_space<vmem>>, vector<16xi32>,
    %swap3A_533 = arith.constant 784 : index
    %swap3A_534 = tpu.vector_load %arg13[%swap3A_533] {strides = array<i32>} : memref<1024xi32, #tpu.memory_space<vmem>>, vector<16xi32>,
    tpu.vector_store %arg13[%swap3A_533], %broadcast_in_dim3A_6 {strides = array<i32>} : memref<1024xi32, #tpu.memory_space<vmem>>, vector<16xi32>,
    %swap3A_535 = arith.constant 800 : index
    %swap3A_536 = tpu.vector_load %arg13[%swap3A_535] {strides = array<i32>} : memref<1024xi32, #tpu.memory_space<vmem>>, vector<16xi32>,
    tpu.vector_store %arg13[%swap3A_535], %broadcast_in_dim3A_6 {strides = array<i32>} : memref<1024xi32, #tpu.memory_space<vmem>>, vector<16xi32>,
    %swap3A_537 = arith.constant 816 : index
    %swap3A_538 = tpu.vector_load %arg13[%swap3A_537] {strides = array<i32>} : memref<1024xi32, #tpu.memory_space<vmem>>, vector<16xi32>,
    tpu.vector_store %arg13[%swap3A_537], %broadcast_in_dim3A_6 {strides = array<i32>} : memref<1024xi32, #tpu.memory_space<vmem>>, vector<16xi32>,
    %swap3A_539 = arith.constant 832 : index
    %swap3A_540 = tpu.vector_load %arg13[%swap3A_539] {strides = array<i32>} : memref<1024xi32, #tpu.memory_space<vmem>>, vector<16xi32>,
    tpu.vector_store %arg13[%swap3A_539], %broadcast_in_dim3A_6 {strides = array<i32>} : memref<1024xi32, #tpu.memory_space<vmem>>, vector<16xi32>,
    %swap3A_541 = arith.constant 848 : index
    %swap3A_542 = tpu.vector_load %arg13[%swap3A_541] {strides = array<i32>} : memref<1024xi32, #tpu.memory_space<vmem>>, vector<16xi32>,
    tpu.vector_store %arg13[%swap3A_541], %broadcast_in_dim3A_6 {strides = array<i32>} : memref<1024xi32, #tpu.memory_space<vmem>>, vector<16xi32>,
    %swap3A_543 = arith.constant 864 : index
    %swap3A_544 = tpu.vector_load %arg13[%swap3A_543] {strides = array<i32>} : memref<1024xi32, #tpu.memory_space<vmem>>, vector<16xi32>,
    tpu.vector_store %arg13[%swap3A_543], %broadcast_in_dim3A_6 {strides = array<i32>} : memref<1024xi32, #tpu.memory_space<vmem>>, vector<16xi32>,
    %swap3A_545 = arith.constant 880 : index
    %swap3A_546 = tpu.vector_load %arg13[%swap3A_545] {strides = array<i32>} : memref<1024xi32, #tpu.memory_space<vmem>>, vector<16xi32>,
    tpu.vector_store %arg13[%swap3A_545], %broadcast_in_dim3A_6 {strides = array<i32>} : memref<1024xi32, #tpu.memory_space<vmem>>, vector<16xi32>,
    %swap3A_547 = arith.constant 896 : index
    %swap3A_548 = tpu.vector_load %arg13[%swap3A_547] {strides = array<i32>} : memref<1024xi32, #tpu.memory_space<vmem>>, vector<16xi32>,
    tpu.vector_store %arg13[%swap3A_547], %broadcast_in_dim3A_6 {strides = array<i32>} : memref<1024xi32, #tpu.memory_space<vmem>>, vector<16xi32>,
    %swap3A_549 = arith.constant 912 : index
    %swap3A_550 = tpu.vector_load %arg13[%swap3A_549] {strides = array<i32>} : memref<1024xi32, #tpu.memory_space<vmem>>, vector<16xi32>,
    tpu.vector_store %arg13[%swap3A_549], %broadcast_in_dim3A_6 {strides = array<i32>} : memref<1024xi32, #tpu.memory_space<vmem>>, vector<16xi32>,
    %swap3A_551 = arith.constant 928 : index
    %swap3A_552 = tpu.vector_load %arg13[%swap3A_551] {strides = array<i32>} : memref<1024xi32, #tpu.memory_space<vmem>>, vector<16xi32>,
    tpu.vector_store %arg13[%swap3A_551], %broadcast_in_dim3A_6 {strides = array<i32>} : memref<1024xi32, #tpu.memory_space<vmem>>, vector<16xi32>,
    %swap3A_553 = arith.constant 944 : index
    %swap3A_554 = tpu.vector_load %arg13[%swap3A_553] {strides = array<i32>} : memref<1024xi32, #tpu.memory_space<vmem>>, vector<16xi32>,
    tpu.vector_store %arg13[%swap3A_553], %broadcast_in_dim3A_6 {strides = array<i32>} : memref<1024xi32, #tpu.memory_space<vmem>>, vector<16xi32>,
    %swap3A_555 = arith.constant 960 : index
    %swap3A_556 = tpu.vector_load %arg13[%swap3A_555] {strides = array<i32>} : memref<1024xi32, #tpu.memory_space<vmem>>, vector<16xi32>,
    tpu.vector_store %arg13[%swap3A_555], %broadcast_in_dim3A_6 {strides = array<i32>} : memref<1024xi32, #tpu.memory_space<vmem>>, vector<16xi32>,
    %swap3A_557 = arith.constant 976 : index
    %swap3A_558 = tpu.vector_load %arg13[%swap3A_557] {strides = array<i32>} : memref<1024xi32, #tpu.memory_space<vmem>>, vector<16xi32>,
    tpu.vector_store %arg13[%swap3A_557], %broadcast_in_dim3A_6 {strides = array<i32>} : memref<1024xi32, #tpu.memory_space<vmem>>, vector<16xi32>,
    %swap3A_559 = arith.constant 992 : index
    %swap3A_560 = tpu.vector_load %arg13[%swap3A_559] {strides = array<i32>} : memref<1024xi32, #tpu.memory_space<vmem>>, vector<16xi32>,
    tpu.vector_store %arg13[%swap3A_559], %broadcast_in_dim3A_6 {strides = array<i32>} : memref<1024xi32, #tpu.memory_space<vmem>>, vector<16xi32>,
    %swap3A_561 = arith.constant 1008 : index
    %swap3A_562 = tpu.vector_load %arg13[%swap3A_561] {strides = array<i32>} : memref<1024xi32, #tpu.memory_space<vmem>>, vector<16xi32>,
    tpu.vector_store %arg13[%swap3A_561], %broadcast_in_dim3A_6 {strides = array<i32>} : memref<1024xi32, #tpu.memory_space<vmem>>, vector<16xi32>,
    %while3A_563 = arith.constant 0 : i32
    %while3A_564 = arith.constant -862048943 : i32
    %while3A_565 = arith.constant 461845907 : i32
    %while3A_566 = arith.constant 0 : i32
    %while3A_567 = arith.constant 256 : i32
    %while3A_568 = arith.subi %while3A_567, %while3A_566 : i32
    %while3A_569 = arith.addi %while3A_566, %while3A_568 : i32
    %while3A_570 = arith.constant 1 : i32
    %while3A_571 = arith.divsi %while3A_568, %while3A_570 : i32
    %while3A_572 = arith.muli %while3A_571, %while3A_570 : i32
    %while3A_573 = arith.addi %while3A_566, %while3A_572 : i32
    %while3A_574 = arith.constant 1 : i32
    scf.for %while3A_830 = %while3A_566 to %while3A_573 step %while3A_574  : i32 {
      %mul3A_831 = arith.constant 16 : i32
      %mul3A_832 = arith.muli %while3A_830, %mul3A_831 : i32
      %get3A_833 = arith.constant 0 : i64
      %get3A_834 = arith.index_cast %get3A_833 : i64 to index
      %get3A_835 = arith.index_cast %mul3A_832 : i32 to index
      %get3A_836 = tpu.vector_load %arg8[%get3A_834, %get3A_835] {strides = array<i32>} : memref<16x4096xi32, #tpu.memory_space<vmem>>, vector<16xi32>,
      %get3A_837 = arith.constant 1 : i64
      %get3A_838 = arith.index_cast %get3A_837 : i64 to index
      %get3A_839 = arith.index_cast %mul3A_832 : i32 to index
      %get3A_840 = tpu.vector_load %arg8[%get3A_838, %get3A_839] {strides = array<i32>} : memref<16x4096xi32, #tpu.memory_space<vmem>>, vector<16xi32>,
      %get3A_841 = arith.constant 2 : i64
      %get3A_842 = arith.index_cast %get3A_841 : i64 to index
      %get3A_843 = arith.index_cast %mul3A_832 : i32 to index
      %get3A_844 = tpu.vector_load %arg8[%get3A_842, %get3A_843] {strides = array<i32>} : memref<16x4096xi32, #tpu.memory_space<vmem>>, vector<16xi32>,
      %get3A_845 = arith.constant 3 : i64
      %get3A_846 = arith.index_cast %get3A_845 : i64 to index
      %get3A_847 = arith.index_cast %mul3A_832 : i32 to index
      %get3A_848 = tpu.vector_load %arg8[%get3A_846, %get3A_847] {strides = array<i32>} : memref<16x4096xi32, #tpu.memory_space<vmem>>, vector<16xi32>,
      %get3A_849 = arith.constant 4 : i64
      %get3A_850 = arith.index_cast %get3A_849 : i64 to index
      %get3A_851 = arith.index_cast %mul3A_832 : i32 to index
      %get3A_852 = tpu.vector_load %arg8[%get3A_850, %get3A_851] {strides = array<i32>} : memref<16x4096xi32, #tpu.memory_space<vmem>>, vector<16xi32>,
      %get3A_853 = arith.constant 5 : i64
      %get3A_854 = arith.index_cast %get3A_853 : i64 to index
      %get3A_855 = arith.index_cast %mul3A_832 : i32 to index
      %get3A_856 = tpu.vector_load %arg8[%get3A_854, %get3A_855] {strides = array<i32>} : memref<16x4096xi32, #tpu.memory_space<vmem>>, vector<16xi32>,
      %get3A_857 = arith.constant 6 : i64
      %get3A_858 = arith.index_cast %get3A_857 : i64 to index
      %get3A_859 = arith.index_cast %mul3A_832 : i32 to index
      %get3A_860 = tpu.vector_load %arg8[%get3A_858, %get3A_859] {strides = array<i32>} : memref<16x4096xi32, #tpu.memory_space<vmem>>, vector<16xi32>,
      %get3A_861 = arith.constant 7 : i64
      %get3A_862 = arith.index_cast %get3A_861 : i64 to index
      %get3A_863 = arith.index_cast %mul3A_832 : i32 to index
      %get3A_864 = tpu.vector_load %arg8[%get3A_862, %get3A_863] {strides = array<i32>} : memref<16x4096xi32, #tpu.memory_space<vmem>>, vector<16xi32>,
      %get3A_865 = arith.constant 8 : i64
      %get3A_866 = arith.index_cast %get3A_865 : i64 to index
      %get3A_867 = arith.index_cast %mul3A_832 : i32 to index
      %get3A_868 = tpu.vector_load %arg8[%get3A_866, %get3A_867] {strides = array<i32>} : memref<16x4096xi32, #tpu.memory_space<vmem>>, vector<16xi32>,
      %get3A_869 = arith.constant 9 : i64
      %get3A_870 = arith.index_cast %get3A_869 : i64 to index
      %get3A_871 = arith.index_cast %mul3A_832 : i32 to index
      %get3A_872 = tpu.vector_load %arg8[%get3A_870, %get3A_871] {strides = array<i32>} : memref<16x4096xi32, #tpu.memory_space<vmem>>, vector<16xi32>,
      %get3A_873 = arith.constant 10 : i64
      %get3A_874 = arith.index_cast %get3A_873 : i64 to index
      %get3A_875 = arith.index_cast %mul3A_832 : i32 to index
      %get3A_876 = tpu.vector_load %arg8[%get3A_874, %get3A_875] {strides = array<i32>} : memref<16x4096xi32, #tpu.memory_space<vmem>>, vector<16xi32>,
      %get3A_877 = arith.constant 11 : i64
      %get3A_878 = arith.index_cast %get3A_877 : i64 to index
      %get3A_879 = arith.index_cast %mul3A_832 : i32 to index
      %get3A_880 = tpu.vector_load %arg8[%get3A_878, %get3A_879] {strides = array<i32>} : memref<16x4096xi32, #tpu.memory_space<vmem>>, vector<16xi32>,
      %get3A_881 = arith.constant 12 : i64
      %get3A_882 = arith.index_cast %get3A_881 : i64 to index
      %get3A_883 = arith.index_cast %mul3A_832 : i32 to index
      %get3A_884 = tpu.vector_load %arg8[%get3A_882, %get3A_883] {strides = array<i32>} : memref<16x4096xi32, #tpu.memory_space<vmem>>, vector<16xi32>,
      %get3A_885 = arith.constant 13 : i64
      %get3A_886 = arith.index_cast %get3A_885 : i64 to index
      %get3A_887 = arith.index_cast %mul3A_832 : i32 to index
      %get3A_888 = tpu.vector_load %arg8[%get3A_886, %get3A_887] {strides = array<i32>} : memref<16x4096xi32, #tpu.memory_space<vmem>>, vector<16xi32>,
      %get3A_889 = arith.constant 14 : i64
      %get3A_890 = arith.index_cast %get3A_889 : i64 to index
      %get3A_891 = arith.index_cast %mul3A_832 : i32 to index
      %get3A_892 = tpu.vector_load %arg8[%get3A_890, %get3A_891] {strides = array<i32>} : memref<16x4096xi32, #tpu.memory_space<vmem>>, vector<16xi32>,
      %get3A_893 = arith.constant 15 : i64
      %get3A_894 = arith.index_cast %get3A_893 : i64 to index
      %get3A_895 = arith.index_cast %mul3A_832 : i32 to index
      %get3A_896 = tpu.vector_load %arg8[%get3A_894, %get3A_895] {strides = array<i32>} : memref<16x4096xi32, #tpu.memory_space<vmem>>, vector<16xi32>,
      %shift_left3A = arith.constant 8 : i32
      %shift_left3A_897 = vector.broadcast %shift_left3A : i32 to vector<16xi32>
      %shift_left3A_898 = arith.shli %get3A_840, %shift_left3A_897 : vector<16xi32>
      %or3A = arith.ori %get3A_836, %shift_left3A_898 : vector<16xi32>
      %shift_left3A_899 = arith.constant 16 : i32
      %shift_left3A_900 = vector.broadcast %shift_left3A_899 : i32 to vector<16xi32>
      %shift_left3A_901 = arith.shli %get3A_844, %shift_left3A_900 : vector<16xi32>
      %or3A_902 = arith.ori %or3A, %shift_left3A_901 : vector<16xi32>
      %shift_left3A_903 = arith.constant 24 : i32
      %shift_left3A_904 = vector.broadcast %shift_left3A_903 : i32 to vector<16xi32>
      %shift_left3A_905 = arith.shli %get3A_848, %shift_left3A_904 : vector<16xi32>
      %or3A_906 = arith.ori %or3A_902, %shift_left3A_905 : vector<16xi32>
      %shift_left3A_907 = arith.constant 8 : i32
      %shift_left3A_908 = vector.broadcast %shift_left3A_907 : i32 to vector<16xi32>
      %shift_left3A_909 = arith.shli %get3A_856, %shift_left3A_908 : vector<16xi32>
      %or3A_910 = arith.ori %get3A_852, %shift_left3A_909 : vector<16xi32>
      %shift_left3A_911 = arith.constant 16 : i32
      %shift_left3A_912 = vector.broadcast %shift_left3A_911 : i32 to vector<16xi32>
      %shift_left3A_913 = arith.shli %get3A_860, %shift_left3A_912 : vector<16xi32>
      %or3A_914 = arith.ori %or3A_910, %shift_left3A_913 : vector<16xi32>
      %shift_left3A_915 = arith.constant 24 : i32
      %shift_left3A_916 = vector.broadcast %shift_left3A_915 : i32 to vector<16xi32>
      %shift_left3A_917 = arith.shli %get3A_864, %shift_left3A_916 : vector<16xi32>
      %or3A_918 = arith.ori %or3A_914, %shift_left3A_917 : vector<16xi32>
      %shift_left3A_919 = arith.constant 8 : i32
      %shift_left3A_920 = vector.broadcast %shift_left3A_919 : i32 to vector<16xi32>
      %shift_left3A_921 = arith.shli %get3A_872, %shift_left3A_920 : vector<16xi32>
      %or3A_922 = arith.ori %get3A_868, %shift_left3A_921 : vector<16xi32>
      %shift_left3A_923 = arith.constant 16 : i32
      %shift_left3A_924 = vector.broadcast %shift_left3A_923 : i32 to vector<16xi32>
      %shift_left3A_925 = arith.shli %get3A_876, %shift_left3A_924 : vector<16xi32>
      %or3A_926 = arith.ori %or3A_922, %shift_left3A_925 : vector<16xi32>
      %shift_left3A_927 = arith.constant 24 : i32
      %shift_left3A_928 = vector.broadcast %shift_left3A_927 : i32 to vector<16xi32>
      %shift_left3A_929 = arith.shli %get3A_880, %shift_left3A_928 : vector<16xi32>
      %or3A_930 = arith.ori %or3A_926, %shift_left3A_929 : vector<16xi32>
      %shift_left3A_931 = arith.constant 8 : i32
      %shift_left3A_932 = vector.broadcast %shift_left3A_931 : i32 to vector<16xi32>
      %shift_left3A_933 = arith.shli %get3A_888, %shift_left3A_932 : vector<16xi32>
      %or3A_934 = arith.ori %get3A_884, %shift_left3A_933 : vector<16xi32>
      %shift_left3A_935 = arith.constant 16 : i32
      %shift_left3A_936 = vector.broadcast %shift_left3A_935 : i32 to vector<16xi32>
      %shift_left3A_937 = arith.shli %get3A_892, %shift_left3A_936 : vector<16xi32>
      %or3A_938 = arith.ori %or3A_934, %shift_left3A_937 : vector<16xi32>
      %shift_left3A_939 = arith.constant 24 : i32
      %shift_left3A_940 = vector.broadcast %shift_left3A_939 : i32 to vector<16xi32>
      %shift_left3A_941 = arith.shli %get3A_896, %shift_left3A_940 : vector<16xi32>
      %or3A_942 = arith.ori %or3A_938, %shift_left3A_941 : vector<16xi32>
      %broadcast_in_dim3A_943 = arith.constant 0 : i32
      %broadcast_in_dim3A_944 = vector.broadcast %broadcast_in_dim3A_943 : i32 to vector<16xi32>
      %mul3A_945 = vector.broadcast %while3A_564 : i32 to vector<16xi32>
      %mul3A_946 = arith.muli %or3A_906, %mul3A_945 : vector<16xi32>
      %mul3A_947 = vector.broadcast %while3A_565 : i32 to vector<16xi32>
      %mul3A_948 = arith.muli %mul3A_946, %mul3A_947 : vector<16xi32>
      %xor3A = arith.xori %broadcast_in_dim3A_944, %mul3A_948 : vector<16xi32>
      %mul3A_949 = vector.broadcast %while3A_564 : i32 to vector<16xi32>
      %mul3A_950 = arith.muli %or3A_918, %mul3A_949 : vector<16xi32>
      %mul3A_951 = vector.broadcast %while3A_565 : i32 to vector<16xi32>
      %mul3A_952 = arith.muli %mul3A_950, %mul3A_951 : vector<16xi32>
      %xor3A_953 = arith.xori %xor3A, %mul3A_952 : vector<16xi32>
      %mul3A_954 = vector.broadcast %while3A_564 : i32 to vector<16xi32>
      %mul3A_955 = arith.muli %or3A_930, %mul3A_954 : vector<16xi32>
      %mul3A_956 = vector.broadcast %while3A_565 : i32 to vector<16xi32>
      %mul3A_957 = arith.muli %mul3A_955, %mul3A_956 : vector<16xi32>
      %xor3A_958 = arith.xori %xor3A_953, %mul3A_957 : vector<16xi32>
      %mul3A_959 = vector.broadcast %while3A_564 : i32 to vector<16xi32>
      %mul3A_960 = arith.muli %or3A_942, %mul3A_959 : vector<16xi32>
      %mul3A_961 = vector.broadcast %while3A_565 : i32 to vector<16xi32>
      %mul3A_962 = arith.muli %mul3A_960, %mul3A_961 : vector<16xi32>
      %xor3A_963 = arith.xori %xor3A_958, %mul3A_962 : vector<16xi32>
      %jit3A_964 = arith.constant 35 : i32
      %eq3A = arith.constant 0 : i32
      %eq3A_965 = arith.cmpi eq, %jit3A_964, %eq3A : i32
      %jit3A_966 = arith.constant 1 : i32
      %select_n3A_967 = arith.select %eq3A_965, %jit3A_966, %jit3A_964 : i32
      %rem3A_968 = vector.broadcast %select_n3A_967 : i32 to vector<16xi32>
      %rem3A_969 = arith.remui %xor3A_963, %rem3A_968 : vector<16xi32>
      %ne3A_970 = arith.constant 0 : i32
      %ne3A_971 = vector.broadcast %ne3A_970 : i32 to vector<16xi32>
      %ne3A_972 = arith.cmpi ne, %rem3A_969, %ne3A_971 : vector<16xi32>
      %lt3A = arith.constant 0 : i32
      %lt3A_973 = vector.broadcast %lt3A : i32 to vector<16xi32>
      %lt3A_974 = arith.cmpi ult, %rem3A_969, %lt3A_973 : vector<16xi32>
      %lt3A_975 = arith.constant 0 : i32
      %lt3A_976 = arith.cmpi ult, %select_n3A_967, %lt3A_975 : i32
      %ne3A_977 = vector.broadcast %lt3A_976 : i1 to vector<16xi1>
      %ne3A_978 = vector.broadcast %ne3A_977 : vector<16xi1> to vector<16xi1>
      %ne3A_979 = arith.xori %lt3A_974, %ne3A_978 : vector<16xi1>
      %and3A_980 = arith.andi %ne3A_979, %ne3A_972 : vector<16xi1>
      %add3A_981 = vector.broadcast %select_n3A_967 : i32 to vector<16xi32>
      %add3A_982 = arith.addi %rem3A_969, %add3A_981 : vector<16xi32>
      %select_n3A_983 = arith.select %and3A_980, %add3A_982, %rem3A_969 : vector<16xi1>, vector<16xi32>
      %mul3A_984 = arith.constant 12 : i32
      %mul3A_985 = vector.broadcast %mul3A_984 : i32 to vector<16xi32>
      %mul3A_986 = arith.muli %select_n3A_983, %mul3A_985 : vector<16xi32>
      %mul3A_987 = arith.constant 3 : i32
      %mul3A_988 = vector.broadcast %mul3A_987 : i32 to vector<16xi32>
      %mul3A_989 = arith.muli %select_n3A_983, %mul3A_988 : vector<16xi32>
      %add3A_990 = arith.constant 0 : i32
      %add3A_991 = vector.broadcast %add3A_990 : i32 to vector<16xi32>
      %add3A_992 = arith.addi %mul3A_986, %add3A_991 : vector<16xi32>
      %gather3A = tpu.vector_load_idx %arg9[%add3A_992] : memref<432xi32, #tpu.memory_space<vmem>>[vector<16xi32>], vector<16xi32>,
      %add3A_993 = arith.constant 1 : i32
      %add3A_994 = vector.broadcast %add3A_993 : i32 to vector<16xi32>
      %add3A_995 = arith.addi %mul3A_986, %add3A_994 : vector<16xi32>
      %gather3A_996 = tpu.vector_load_idx %arg9[%add3A_995] : memref<432xi32, #tpu.memory_space<vmem>>[vector<16xi32>], vector<16xi32>,
      %add3A_997 = arith.constant 2 : i32
      %add3A_998 = vector.broadcast %add3A_997 : i32 to vector<16xi32>
      %add3A_999 = arith.addi %mul3A_986, %add3A_998 : vector<16xi32>
      %gather3A_1000 = tpu.vector_load_idx %arg9[%add3A_999] : memref<432xi32, #tpu.memory_space<vmem>>[vector<16xi32>], vector<16xi32>,
      %add3A_1001 = arith.constant 3 : i32
      %add3A_1002 = vector.broadcast %add3A_1001 : i32 to vector<16xi32>
      %add3A_1003 = arith.addi %mul3A_986, %add3A_1002 : vector<16xi32>
      %gather3A_1004 = tpu.vector_load_idx %arg9[%add3A_1003] : memref<432xi32, #tpu.memory_space<vmem>>[vector<16xi32>], vector<16xi32>,
      %add3A_1005 = arith.constant 0 : i32
      %add3A_1006 = vector.broadcast %add3A_1005 : i32 to vector<16xi32>
      %add3A_1007 = arith.addi %mul3A_989, %add3A_1006 : vector<16xi32>
      %gather3A_1008 = tpu.vector_load_idx %arg10[%add3A_1007] : memref<112xi32, #tpu.memory_space<vmem>>[vector<16xi32>], vector<16xi32>,
      %eq3A_1009 = arith.cmpi eq, %or3A_906, %gather3A : vector<16xi32>
      %eq3A_1010 = arith.cmpi eq, %or3A_918, %gather3A_996 : vector<16xi32>
      %and3A_1011 = arith.andi %eq3A_1009, %eq3A_1010 : vector<16xi1>
      %eq3A_1012 = arith.cmpi eq, %or3A_930, %gather3A_1000 : vector<16xi32>
      %and3A_1013 = arith.andi %and3A_1011, %eq3A_1012 : vector<16xi1>
      %eq3A_1014 = arith.cmpi eq, %or3A_942, %gather3A_1004 : vector<16xi32>
      %and3A_1015 = arith.andi %and3A_1013, %eq3A_1014 : vector<16xi1>
      %jit3A_1016 = arith.constant 0 : i64
      %convert_element_type3A_1017 = arith.trunci %jit3A_1016 : i64 to i32
      %broadcast_in_dim3A_1018 = vector.broadcast %convert_element_type3A_1017 : i32 to vector<16xi32>
      %select_n3A_1019 = arith.select %and3A_1015, %gather3A_1008, %broadcast_in_dim3A_1018 : vector<16xi1>, vector<16xi32>
      %add3A_1020 = arith.addi %broadcast_in_dim3A_6, %select_n3A_1019 : vector<16xi32>
      %add3A_1021 = arith.constant 4 : i32
      %add3A_1022 = vector.broadcast %add3A_1021 : i32 to vector<16xi32>
      %add3A_1023 = arith.addi %mul3A_986, %add3A_1022 : vector<16xi32>
      %gather3A_1024 = tpu.vector_load_idx %arg9[%add3A_1023] : memref<432xi32, #tpu.memory_space<vmem>>[vector<16xi32>], vector<16xi32>,
      %add3A_1025 = arith.constant 5 : i32
      %add3A_1026 = vector.broadcast %add3A_1025 : i32 to vector<16xi32>
      %add3A_1027 = arith.addi %mul3A_986, %add3A_1026 : vector<16xi32>
      %gather3A_1028 = tpu.vector_load_idx %arg9[%add3A_1027] : memref<432xi32, #tpu.memory_space<vmem>>[vector<16xi32>], vector<16xi32>,
      %add3A_1029 = arith.constant 6 : i32
      %add3A_1030 = vector.broadcast %add3A_1029 : i32 to vector<16xi32>
      %add3A_1031 = arith.addi %mul3A_986, %add3A_1030 : vector<16xi32>
      %gather3A_1032 = tpu.vector_load_idx %arg9[%add3A_1031] : memref<432xi32, #tpu.memory_space<vmem>>[vector<16xi32>], vector<16xi32>,
      %add3A_1033 = arith.constant 7 : i32
      %add3A_1034 = vector.broadcast %add3A_1033 : i32 to vector<16xi32>
      %add3A_1035 = arith.addi %mul3A_986, %add3A_1034 : vector<16xi32>
      %gather3A_1036 = tpu.vector_load_idx %arg9[%add3A_1035] : memref<432xi32, #tpu.memory_space<vmem>>[vector<16xi32>], vector<16xi32>,
      %add3A_1037 = arith.constant 1 : i32
      %add3A_1038 = vector.broadcast %add3A_1037 : i32 to vector<16xi32>
      %add3A_1039 = arith.addi %mul3A_989, %add3A_1038 : vector<16xi32>
      %gather3A_1040 = tpu.vector_load_idx %arg10[%add3A_1039] : memref<112xi32, #tpu.memory_space<vmem>>[vector<16xi32>], vector<16xi32>,
      %eq3A_1041 = arith.cmpi eq, %or3A_906, %gather3A_1024 : vector<16xi32>
      %eq3A_1042 = arith.cmpi eq, %or3A_918, %gather3A_1028 : vector<16xi32>
      %and3A_1043 = arith.andi %eq3A_1041, %eq3A_1042 : vector<16xi1>
      %eq3A_1044 = arith.cmpi eq, %or3A_930, %gather3A_1032 : vector<16xi32>
      %and3A_1045 = arith.andi %and3A_1043, %eq3A_1044 : vector<16xi1>
      %eq3A_1046 = arith.cmpi eq, %or3A_942, %gather3A_1036 : vector<16xi32>
      %and3A_1047 = arith.andi %and3A_1045, %eq3A_1046 : vector<16xi1>
      %jit3A_1048 = arith.constant 0 : i64
      %convert_element_type3A_1049 = arith.trunci %jit3A_1048 : i64 to i32
      %broadcast_in_dim3A_1050 = vector.broadcast %convert_element_type3A_1049 : i32 to vector<16xi32>
      %select_n3A_1051 = arith.select %and3A_1047, %gather3A_1040, %broadcast_in_dim3A_1050 : vector<16xi1>, vector<16xi32>
      %add3A_1052 = arith.addi %add3A_1020, %select_n3A_1051 : vector<16xi32>
      %add3A_1053 = arith.constant 8 : i32
      %add3A_1054 = vector.broadcast %add3A_1053 : i32 to vector<16xi32>
      %add3A_1055 = arith.addi %mul3A_986, %add3A_1054 : vector<16xi32>
      %gather3A_1056 = tpu.vector_load_idx %arg9[%add3A_1055] : memref<432xi32, #tpu.memory_space<vmem>>[vector<16xi32>], vector<16xi32>,
      %add3A_1057 = arith.constant 9 : i32
      %add3A_1058 = vector.broadcast %add3A_1057 : i32 to vector<16xi32>
      %add3A_1059 = arith.addi %mul3A_986, %add3A_1058 : vector<16xi32>
      %gather3A_1060 = tpu.vector_load_idx %arg9[%add3A_1059] : memref<432xi32, #tpu.memory_space<vmem>>[vector<16xi32>], vector<16xi32>,
      %add3A_1061 = arith.constant 10 : i32
      %add3A_1062 = vector.broadcast %add3A_1061 : i32 to vector<16xi32>
      %add3A_1063 = arith.addi %mul3A_986, %add3A_1062 : vector<16xi32>
      %gather3A_1064 = tpu.vector_load_idx %arg9[%add3A_1063] : memref<432xi32, #tpu.memory_space<vmem>>[vector<16xi32>], vector<16xi32>,
      %add3A_1065 = arith.constant 11 : i32
      %add3A_1066 = vector.broadcast %add3A_1065 : i32 to vector<16xi32>
      %add3A_1067 = arith.addi %mul3A_986, %add3A_1066 : vector<16xi32>
      %gather3A_1068 = tpu.vector_load_idx %arg9[%add3A_1067] : memref<432xi32, #tpu.memory_space<vmem>>[vector<16xi32>], vector<16xi32>,
      %add3A_1069 = arith.constant 2 : i32
      %add3A_1070 = vector.broadcast %add3A_1069 : i32 to vector<16xi32>
      %add3A_1071 = arith.addi %mul3A_989, %add3A_1070 : vector<16xi32>
      %gather3A_1072 = tpu.vector_load_idx %arg10[%add3A_1071] : memref<112xi32, #tpu.memory_space<vmem>>[vector<16xi32>], vector<16xi32>,
      %eq3A_1073 = arith.cmpi eq, %or3A_906, %gather3A_1056 : vector<16xi32>
      %eq3A_1074 = arith.cmpi eq, %or3A_918, %gather3A_1060 : vector<16xi32>
      %and3A_1075 = arith.andi %eq3A_1073, %eq3A_1074 : vector<16xi1>
      %eq3A_1076 = arith.cmpi eq, %or3A_930, %gather3A_1064 : vector<16xi32>
      %and3A_1077 = arith.andi %and3A_1075, %eq3A_1076 : vector<16xi1>
      %eq3A_1078 = arith.cmpi eq, %or3A_942, %gather3A_1068 : vector<16xi32>
      %and3A_1079 = arith.andi %and3A_1077, %eq3A_1078 : vector<16xi1>
      %jit3A_1080 = arith.constant 0 : i64
      %convert_element_type3A_1081 = arith.trunci %jit3A_1080 : i64 to i32
      %broadcast_in_dim3A_1082 = vector.broadcast %convert_element_type3A_1081 : i32 to vector<16xi32>
      %select_n3A_1083 = arith.select %and3A_1079, %gather3A_1072, %broadcast_in_dim3A_1082 : vector<16xi1>, vector<16xi32>
      %add3A_1084 = arith.addi %add3A_1052, %select_n3A_1083 : vector<16xi32>
      %add3A_1085 = arith.addi %mul3A_3, %add3A_1084 : vector<16xi32>
      tpu.vector_store_idx %arg13[%add3A_1085], %broadcast_in_dim3A_4 {add = true} : memref<1024xi32, #tpu.memory_space<vmem>>[vector<16xi32>], vector<16xi32>,
      %swap3A_1086 = arith.index_cast %mul3A_832 : i32 to index
      %swap3A_1087 = tpu.vector_load %arg15[%swap3A_1086] {strides = array<i32>} : memref<4096xi32, #tpu.memory_space<vmem>>, vector<16xi32>,
      tpu.vector_store %arg15[%swap3A_1086], %add3A_1084 {strides = array<i32>} : memref<4096xi32, #tpu.memory_space<vmem>>, vector<16xi32>,
    }
    %while3A_575 = arith.constant 1 : i32
    scf.for %while3A_830 = %while3A_573 to %while3A_569 step %while3A_575  : i32 {
      %mul3A_831 = arith.constant 16 : i32
      %mul3A_832 = arith.muli %while3A_830, %mul3A_831 : i32
      %get3A_833 = arith.constant 0 : i64
      %get3A_834 = arith.index_cast %get3A_833 : i64 to index
      %get3A_835 = arith.index_cast %mul3A_832 : i32 to index
      %get3A_836 = tpu.vector_load %arg8[%get3A_834, %get3A_835] {strides = array<i32>} : memref<16x4096xi32, #tpu.memory_space<vmem>>, vector<16xi32>,
      %get3A_837 = arith.constant 1 : i64
      %get3A_838 = arith.index_cast %get3A_837 : i64 to index
      %get3A_839 = arith.index_cast %mul3A_832 : i32 to index
      %get3A_840 = tpu.vector_load %arg8[%get3A_838, %get3A_839] {strides = array<i32>} : memref<16x4096xi32, #tpu.memory_space<vmem>>, vector<16xi32>,
      %get3A_841 = arith.constant 2 : i64
      %get3A_842 = arith.index_cast %get3A_841 : i64 to index
      %get3A_843 = arith.index_cast %mul3A_832 : i32 to index
      %get3A_844 = tpu.vector_load %arg8[%get3A_842, %get3A_843] {strides = array<i32>} : memref<16x4096xi32, #tpu.memory_space<vmem>>, vector<16xi32>,
      %get3A_845 = arith.constant 3 : i64
      %get3A_846 = arith.index_cast %get3A_845 : i64 to index
      %get3A_847 = arith.index_cast %mul3A_832 : i32 to index
      %get3A_848 = tpu.vector_load %arg8[%get3A_846, %get3A_847] {strides = array<i32>} : memref<16x4096xi32, #tpu.memory_space<vmem>>, vector<16xi32>,
      %get3A_849 = arith.constant 4 : i64
      %get3A_850 = arith.index_cast %get3A_849 : i64 to index
      %get3A_851 = arith.index_cast %mul3A_832 : i32 to index
      %get3A_852 = tpu.vector_load %arg8[%get3A_850, %get3A_851] {strides = array<i32>} : memref<16x4096xi32, #tpu.memory_space<vmem>>, vector<16xi32>,
      %get3A_853 = arith.constant 5 : i64
      %get3A_854 = arith.index_cast %get3A_853 : i64 to index
      %get3A_855 = arith.index_cast %mul3A_832 : i32 to index
      %get3A_856 = tpu.vector_load %arg8[%get3A_854, %get3A_855] {strides = array<i32>} : memref<16x4096xi32, #tpu.memory_space<vmem>>, vector<16xi32>,
      %get3A_857 = arith.constant 6 : i64
      %get3A_858 = arith.index_cast %get3A_857 : i64 to index
      %get3A_859 = arith.index_cast %mul3A_832 : i32 to index
      %get3A_860 = tpu.vector_load %arg8[%get3A_858, %get3A_859] {strides = array<i32>} : memref<16x4096xi32, #tpu.memory_space<vmem>>, vector<16xi32>,
      %get3A_861 = arith.constant 7 : i64
      %get3A_862 = arith.index_cast %get3A_861 : i64 to index
      %get3A_863 = arith.index_cast %mul3A_832 : i32 to index
      %get3A_864 = tpu.vector_load %arg8[%get3A_862, %get3A_863] {strides = array<i32>} : memref<16x4096xi32, #tpu.memory_space<vmem>>, vector<16xi32>,
      %get3A_865 = arith.constant 8 : i64
      %get3A_866 = arith.index_cast %get3A_865 : i64 to index
      %get3A_867 = arith.index_cast %mul3A_832 : i32 to index
      %get3A_868 = tpu.vector_load %arg8[%get3A_866, %get3A_867] {strides = array<i32>} : memref<16x4096xi32, #tpu.memory_space<vmem>>, vector<16xi32>,
      %get3A_869 = arith.constant 9 : i64
      %get3A_870 = arith.index_cast %get3A_869 : i64 to index
      %get3A_871 = arith.index_cast %mul3A_832 : i32 to index
      %get3A_872 = tpu.vector_load %arg8[%get3A_870, %get3A_871] {strides = array<i32>} : memref<16x4096xi32, #tpu.memory_space<vmem>>, vector<16xi32>,
      %get3A_873 = arith.constant 10 : i64
      %get3A_874 = arith.index_cast %get3A_873 : i64 to index
      %get3A_875 = arith.index_cast %mul3A_832 : i32 to index
      %get3A_876 = tpu.vector_load %arg8[%get3A_874, %get3A_875] {strides = array<i32>} : memref<16x4096xi32, #tpu.memory_space<vmem>>, vector<16xi32>,
      %get3A_877 = arith.constant 11 : i64
      %get3A_878 = arith.index_cast %get3A_877 : i64 to index
      %get3A_879 = arith.index_cast %mul3A_832 : i32 to index
      %get3A_880 = tpu.vector_load %arg8[%get3A_878, %get3A_879] {strides = array<i32>} : memref<16x4096xi32, #tpu.memory_space<vmem>>, vector<16xi32>,
      %get3A_881 = arith.constant 12 : i64
      %get3A_882 = arith.index_cast %get3A_881 : i64 to index
      %get3A_883 = arith.index_cast %mul3A_832 : i32 to index
      %get3A_884 = tpu.vector_load %arg8[%get3A_882, %get3A_883] {strides = array<i32>} : memref<16x4096xi32, #tpu.memory_space<vmem>>, vector<16xi32>,
      %get3A_885 = arith.constant 13 : i64
      %get3A_886 = arith.index_cast %get3A_885 : i64 to index
      %get3A_887 = arith.index_cast %mul3A_832 : i32 to index
      %get3A_888 = tpu.vector_load %arg8[%get3A_886, %get3A_887] {strides = array<i32>} : memref<16x4096xi32, #tpu.memory_space<vmem>>, vector<16xi32>,
      %get3A_889 = arith.constant 14 : i64
      %get3A_890 = arith.index_cast %get3A_889 : i64 to index
      %get3A_891 = arith.index_cast %mul3A_832 : i32 to index
      %get3A_892 = tpu.vector_load %arg8[%get3A_890, %get3A_891] {strides = array<i32>} : memref<16x4096xi32, #tpu.memory_space<vmem>>, vector<16xi32>,
      %get3A_893 = arith.constant 15 : i64
      %get3A_894 = arith.index_cast %get3A_893 : i64 to index
      %get3A_895 = arith.index_cast %mul3A_832 : i32 to index
      %get3A_896 = tpu.vector_load %arg8[%get3A_894, %get3A_895] {strides = array<i32>} : memref<16x4096xi32, #tpu.memory_space<vmem>>, vector<16xi32>,
      %shift_left3A = arith.constant 8 : i32
      %shift_left3A_897 = vector.broadcast %shift_left3A : i32 to vector<16xi32>
      %shift_left3A_898 = arith.shli %get3A_840, %shift_left3A_897 : vector<16xi32>
      %or3A = arith.ori %get3A_836, %shift_left3A_898 : vector<16xi32>
      %shift_left3A_899 = arith.constant 16 : i32
      %shift_left3A_900 = vector.broadcast %shift_left3A_899 : i32 to vector<16xi32>
      %shift_left3A_901 = arith.shli %get3A_844, %shift_left3A_900 : vector<16xi32>
      %or3A_902 = arith.ori %or3A, %shift_left3A_901 : vector<16xi32>
      %shift_left3A_903 = arith.constant 24 : i32
      %shift_left3A_904 = vector.broadcast %shift_left3A_903 : i32 to vector<16xi32>
      %shift_left3A_905 = arith.shli %get3A_848, %shift_left3A_904 : vector<16xi32>
      %or3A_906 = arith.ori %or3A_902, %shift_left3A_905 : vector<16xi32>
      %shift_left3A_907 = arith.constant 8 : i32
      %shift_left3A_908 = vector.broadcast %shift_left3A_907 : i32 to vector<16xi32>
      %shift_left3A_909 = arith.shli %get3A_856, %shift_left3A_908 : vector<16xi32>
      %or3A_910 = arith.ori %get3A_852, %shift_left3A_909 : vector<16xi32>
      %shift_left3A_911 = arith.constant 16 : i32
      %shift_left3A_912 = vector.broadcast %shift_left3A_911 : i32 to vector<16xi32>
      %shift_left3A_913 = arith.shli %get3A_860, %shift_left3A_912 : vector<16xi32>
      %or3A_914 = arith.ori %or3A_910, %shift_left3A_913 : vector<16xi32>
      %shift_left3A_915 = arith.constant 24 : i32
      %shift_left3A_916 = vector.broadcast %shift_left3A_915 : i32 to vector<16xi32>
      %shift_left3A_917 = arith.shli %get3A_864, %shift_left3A_916 : vector<16xi32>
      %or3A_918 = arith.ori %or3A_914, %shift_left3A_917 : vector<16xi32>
      %shift_left3A_919 = arith.constant 8 : i32
      %shift_left3A_920 = vector.broadcast %shift_left3A_919 : i32 to vector<16xi32>
      %shift_left3A_921 = arith.shli %get3A_872, %shift_left3A_920 : vector<16xi32>
      %or3A_922 = arith.ori %get3A_868, %shift_left3A_921 : vector<16xi32>
      %shift_left3A_923 = arith.constant 16 : i32
      %shift_left3A_924 = vector.broadcast %shift_left3A_923 : i32 to vector<16xi32>
      %shift_left3A_925 = arith.shli %get3A_876, %shift_left3A_924 : vector<16xi32>
      %or3A_926 = arith.ori %or3A_922, %shift_left3A_925 : vector<16xi32>
      %shift_left3A_927 = arith.constant 24 : i32
      %shift_left3A_928 = vector.broadcast %shift_left3A_927 : i32 to vector<16xi32>
      %shift_left3A_929 = arith.shli %get3A_880, %shift_left3A_928 : vector<16xi32>
      %or3A_930 = arith.ori %or3A_926, %shift_left3A_929 : vector<16xi32>
      %shift_left3A_931 = arith.constant 8 : i32
      %shift_left3A_932 = vector.broadcast %shift_left3A_931 : i32 to vector<16xi32>
      %shift_left3A_933 = arith.shli %get3A_888, %shift_left3A_932 : vector<16xi32>
      %or3A_934 = arith.ori %get3A_884, %shift_left3A_933 : vector<16xi32>
      %shift_left3A_935 = arith.constant 16 : i32
      %shift_left3A_936 = vector.broadcast %shift_left3A_935 : i32 to vector<16xi32>
      %shift_left3A_937 = arith.shli %get3A_892, %shift_left3A_936 : vector<16xi32>
      %or3A_938 = arith.ori %or3A_934, %shift_left3A_937 : vector<16xi32>
      %shift_left3A_939 = arith.constant 24 : i32
      %shift_left3A_940 = vector.broadcast %shift_left3A_939 : i32 to vector<16xi32>
      %shift_left3A_941 = arith.shli %get3A_896, %shift_left3A_940 : vector<16xi32>
      %or3A_942 = arith.ori %or3A_938, %shift_left3A_941 : vector<16xi32>
      %broadcast_in_dim3A_943 = arith.constant 0 : i32
      %broadcast_in_dim3A_944 = vector.broadcast %broadcast_in_dim3A_943 : i32 to vector<16xi32>
      %mul3A_945 = vector.broadcast %while3A_564 : i32 to vector<16xi32>
      %mul3A_946 = arith.muli %or3A_906, %mul3A_945 : vector<16xi32>
      %mul3A_947 = vector.broadcast %while3A_565 : i32 to vector<16xi32>
      %mul3A_948 = arith.muli %mul3A_946, %mul3A_947 : vector<16xi32>
      %xor3A = arith.xori %broadcast_in_dim3A_944, %mul3A_948 : vector<16xi32>
      %mul3A_949 = vector.broadcast %while3A_564 : i32 to vector<16xi32>
      %mul3A_950 = arith.muli %or3A_918, %mul3A_949 : vector<16xi32>
      %mul3A_951 = vector.broadcast %while3A_565 : i32 to vector<16xi32>
      %mul3A_952 = arith.muli %mul3A_950, %mul3A_951 : vector<16xi32>
      %xor3A_953 = arith.xori %xor3A, %mul3A_952 : vector<16xi32>
      %mul3A_954 = vector.broadcast %while3A_564 : i32 to vector<16xi32>
      %mul3A_955 = arith.muli %or3A_930, %mul3A_954 : vector<16xi32>
      %mul3A_956 = vector.broadcast %while3A_565 : i32 to vector<16xi32>
      %mul3A_957 = arith.muli %mul3A_955, %mul3A_956 : vector<16xi32>
      %xor3A_958 = arith.xori %xor3A_953, %mul3A_957 : vector<16xi32>
      %mul3A_959 = vector.broadcast %while3A_564 : i32 to vector<16xi32>
      %mul3A_960 = arith.muli %or3A_942, %mul3A_959 : vector<16xi32>
      %mul3A_961 = vector.broadcast %while3A_565 : i32 to vector<16xi32>
      %mul3A_962 = arith.muli %mul3A_960, %mul3A_961 : vector<16xi32>
      %xor3A_963 = arith.xori %xor3A_958, %mul3A_962 : vector<16xi32>
      %jit3A_964 = arith.constant 35 : i32
      %eq3A = arith.constant 0 : i32
      %eq3A_965 = arith.cmpi eq, %jit3A_964, %eq3A : i32
      %jit3A_966 = arith.constant 1 : i32
      %select_n3A_967 = arith.select %eq3A_965, %jit3A_966, %jit3A_964 : i32
      %rem3A_968 = vector.broadcast %select_n3A_967 : i32 to vector<16xi32>
      %rem3A_969 = arith.remui %xor3A_963, %rem3A_968 : vector<16xi32>
      %ne3A_970 = arith.constant 0 : i32
      %ne3A_971 = vector.broadcast %ne3A_970 : i32 to vector<16xi32>
      %ne3A_972 = arith.cmpi ne, %rem3A_969, %ne3A_971 : vector<16xi32>
      %lt3A = arith.constant 0 : i32
      %lt3A_973 = vector.broadcast %lt3A : i32 to vector<16xi32>
      %lt3A_974 = arith.cmpi ult, %rem3A_969, %lt3A_973 : vector<16xi32>
      %lt3A_975 = arith.constant 0 : i32
      %lt3A_976 = arith.cmpi ult, %select_n3A_967, %lt3A_975 : i32
      %ne3A_977 = vector.broadcast %lt3A_976 : i1 to vector<16xi1>
      %ne3A_978 = vector.broadcast %ne3A_977 : vector<16xi1> to vector<16xi1>
      %ne3A_979 = arith.xori %lt3A_974, %ne3A_978 : vector<16xi1>
      %and3A_980 = arith.andi %ne3A_979, %ne3A_972 : vector<16xi1>
      %add3A_981 = vector.broadcast %select_n3A_967 : i32 to vector<16xi32>
      %add3A_982 = arith.addi %rem3A_969, %add3A_981 : vector<16xi32>
      %select_n3A_983 = arith.select %and3A_980, %add3A_982, %rem3A_969 : vector<16xi1>, vector<16xi32>
      %mul3A_984 = arith.constant 12 : i32
      %mul3A_985 = vector.broadcast %mul3A_984 : i32 to vector<16xi32>
      %mul3A_986 = arith.muli %select_n3A_983, %mul3A_985 : vector<16xi32>
      %mul3A_987 = arith.constant 3 : i32
      %mul3A_988 = vector.broadcast %mul3A_987 : i32 to vector<16xi32>
      %mul3A_989 = arith.muli %select_n3A_983, %mul3A_988 : vector<16xi32>
      %add3A_990 = arith.constant 0 : i32
      %add3A_991 = vector.broadcast %add3A_990 : i32 to vector<16xi32>
      %add3A_992 = arith.addi %mul3A_986, %add3A_991 : vector<16xi32>
      %gather3A = tpu.vector_load_idx %arg9[%add3A_992] : memref<432xi32, #tpu.memory_space<vmem>>[vector<16xi32>], vector<16xi32>,
      %add3A_993 = arith.constant 1 : i32
      %add3A_994 = vector.broadcast %add3A_993 : i32 to vector<16xi32>
      %add3A_995 = arith.addi %mul3A_986, %add3A_994 : vector<16xi32>
      %gather3A_996 = tpu.vector_load_idx %arg9[%add3A_995] : memref<432xi32, #tpu.memory_space<vmem>>[vector<16xi32>], vector<16xi32>,
      %add3A_997 = arith.constant 2 : i32
      %add3A_998 = vector.broadcast %add3A_997 : i32 to vector<16xi32>
      %add3A_999 = arith.addi %mul3A_986, %add3A_998 : vector<16xi32>
      %gather3A_1000 = tpu.vector_load_idx %arg9[%add3A_999] : memref<432xi32, #tpu.memory_space<vmem>>[vector<16xi32>], vector<16xi32>,
      %add3A_1001 = arith.constant 3 : i32
      %add3A_1002 = vector.broadcast %add3A_1001 : i32 to vector<16xi32>
      %add3A_1003 = arith.addi %mul3A_986, %add3A_1002 : vector<16xi32>
      %gather3A_1004 = tpu.vector_load_idx %arg9[%add3A_1003] : memref<432xi32, #tpu.memory_space<vmem>>[vector<16xi32>], vector<16xi32>,
      %add3A_1005 = arith.constant 0 : i32
      %add3A_1006 = vector.broadcast %add3A_1005 : i32 to vector<16xi32>
      %add3A_1007 = arith.addi %mul3A_989, %add3A_1006 : vector<16xi32>
      %gather3A_1008 = tpu.vector_load_idx %arg10[%add3A_1007] : memref<112xi32, #tpu.memory_space<vmem>>[vector<16xi32>], vector<16xi32>,
      %eq3A_1009 = arith.cmpi eq, %or3A_906, %gather3A : vector<16xi32>
      %eq3A_1010 = arith.cmpi eq, %or3A_918, %gather3A_996 : vector<16xi32>
      %and3A_1011 = arith.andi %eq3A_1009, %eq3A_1010 : vector<16xi1>
      %eq3A_1012 = arith.cmpi eq, %or3A_930, %gather3A_1000 : vector<16xi32>
      %and3A_1013 = arith.andi %and3A_1011, %eq3A_1012 : vector<16xi1>
      %eq3A_1014 = arith.cmpi eq, %or3A_942, %gather3A_1004 : vector<16xi32>
      %and3A_1015 = arith.andi %and3A_1013, %eq3A_1014 : vector<16xi1>
      %jit3A_1016 = arith.constant 0 : i64
      %convert_element_type3A_1017 = arith.trunci %jit3A_1016 : i64 to i32
      %broadcast_in_dim3A_1018 = vector.broadcast %convert_element_type3A_1017 : i32 to vector<16xi32>
      %select_n3A_1019 = arith.select %and3A_1015, %gather3A_1008, %broadcast_in_dim3A_1018 : vector<16xi1>, vector<16xi32>
      %add3A_1020 = arith.addi %broadcast_in_dim3A_6, %select_n3A_1019 : vector<16xi32>
      %add3A_1021 = arith.constant 4 : i32
      %add3A_1022 = vector.broadcast %add3A_1021 : i32 to vector<16xi32>
      %add3A_1023 = arith.addi %mul3A_986, %add3A_1022 : vector<16xi32>
      %gather3A_1024 = tpu.vector_load_idx %arg9[%add3A_1023] : memref<432xi32, #tpu.memory_space<vmem>>[vector<16xi32>], vector<16xi32>,
      %add3A_1025 = arith.constant 5 : i32
      %add3A_1026 = vector.broadcast %add3A_1025 : i32 to vector<16xi32>
      %add3A_1027 = arith.addi %mul3A_986, %add3A_1026 : vector<16xi32>
      %gather3A_1028 = tpu.vector_load_idx %arg9[%add3A_1027] : memref<432xi32, #tpu.memory_space<vmem>>[vector<16xi32>], vector<16xi32>,
      %add3A_1029 = arith.constant 6 : i32
      %add3A_1030 = vector.broadcast %add3A_1029 : i32 to vector<16xi32>
      %add3A_1031 = arith.addi %mul3A_986, %add3A_1030 : vector<16xi32>
      %gather3A_1032 = tpu.vector_load_idx %arg9[%add3A_1031] : memref<432xi32, #tpu.memory_space<vmem>>[vector<16xi32>], vector<16xi32>,
      %add3A_1033 = arith.constant 7 : i32
      %add3A_1034 = vector.broadcast %add3A_1033 : i32 to vector<16xi32>
      %add3A_1035 = arith.addi %mul3A_986, %add3A_1034 : vector<16xi32>
      %gather3A_1036 = tpu.vector_load_idx %arg9[%add3A_1035] : memref<432xi32, #tpu.memory_space<vmem>>[vector<16xi32>], vector<16xi32>,
      %add3A_1037 = arith.constant 1 : i32
      %add3A_1038 = vector.broadcast %add3A_1037 : i32 to vector<16xi32>
      %add3A_1039 = arith.addi %mul3A_989, %add3A_1038 : vector<16xi32>
      %gather3A_1040 = tpu.vector_load_idx %arg10[%add3A_1039] : memref<112xi32, #tpu.memory_space<vmem>>[vector<16xi32>], vector<16xi32>,
      %eq3A_1041 = arith.cmpi eq, %or3A_906, %gather3A_1024 : vector<16xi32>
      %eq3A_1042 = arith.cmpi eq, %or3A_918, %gather3A_1028 : vector<16xi32>
      %and3A_1043 = arith.andi %eq3A_1041, %eq3A_1042 : vector<16xi1>
      %eq3A_1044 = arith.cmpi eq, %or3A_930, %gather3A_1032 : vector<16xi32>
      %and3A_1045 = arith.andi %and3A_1043, %eq3A_1044 : vector<16xi1>
      %eq3A_1046 = arith.cmpi eq, %or3A_942, %gather3A_1036 : vector<16xi32>
      %and3A_1047 = arith.andi %and3A_1045, %eq3A_1046 : vector<16xi1>
      %jit3A_1048 = arith.constant 0 : i64
      %convert_element_type3A_1049 = arith.trunci %jit3A_1048 : i64 to i32
      %broadcast_in_dim3A_1050 = vector.broadcast %convert_element_type3A_1049 : i32 to vector<16xi32>
      %select_n3A_1051 = arith.select %and3A_1047, %gather3A_1040, %broadcast_in_dim3A_1050 : vector<16xi1>, vector<16xi32>
      %add3A_1052 = arith.addi %add3A_1020, %select_n3A_1051 : vector<16xi32>
      %add3A_1053 = arith.constant 8 : i32
      %add3A_1054 = vector.broadcast %add3A_1053 : i32 to vector<16xi32>
      %add3A_1055 = arith.addi %mul3A_986, %add3A_1054 : vector<16xi32>
      %gather3A_1056 = tpu.vector_load_idx %arg9[%add3A_1055] : memref<432xi32, #tpu.memory_space<vmem>>[vector<16xi32>], vector<16xi32>,
      %add3A_1057 = arith.constant 9 : i32
      %add3A_1058 = vector.broadcast %add3A_1057 : i32 to vector<16xi32>
      %add3A_1059 = arith.addi %mul3A_986, %add3A_1058 : vector<16xi32>
      %gather3A_1060 = tpu.vector_load_idx %arg9[%add3A_1059] : memref<432xi32, #tpu.memory_space<vmem>>[vector<16xi32>], vector<16xi32>,
      %add3A_1061 = arith.constant 10 : i32
      %add3A_1062 = vector.broadcast %add3A_1061 : i32 to vector<16xi32>
      %add3A_1063 = arith.addi %mul3A_986, %add3A_1062 : vector<16xi32>
      %gather3A_1064 = tpu.vector_load_idx %arg9[%add3A_1063] : memref<432xi32, #tpu.memory_space<vmem>>[vector<16xi32>], vector<16xi32>,
      %add3A_1065 = arith.constant 11 : i32
      %add3A_1066 = vector.broadcast %add3A_1065 : i32 to vector<16xi32>
      %add3A_1067 = arith.addi %mul3A_986, %add3A_1066 : vector<16xi32>
      %gather3A_1068 = tpu.vector_load_idx %arg9[%add3A_1067] : memref<432xi32, #tpu.memory_space<vmem>>[vector<16xi32>], vector<16xi32>,
      %add3A_1069 = arith.constant 2 : i32
      %add3A_1070 = vector.broadcast %add3A_1069 : i32 to vector<16xi32>
      %add3A_1071 = arith.addi %mul3A_989, %add3A_1070 : vector<16xi32>
      %gather3A_1072 = tpu.vector_load_idx %arg10[%add3A_1071] : memref<112xi32, #tpu.memory_space<vmem>>[vector<16xi32>], vector<16xi32>,
      %eq3A_1073 = arith.cmpi eq, %or3A_906, %gather3A_1056 : vector<16xi32>
      %eq3A_1074 = arith.cmpi eq, %or3A_918, %gather3A_1060 : vector<16xi32>
      %and3A_1075 = arith.andi %eq3A_1073, %eq3A_1074 : vector<16xi1>
      %eq3A_1076 = arith.cmpi eq, %or3A_930, %gather3A_1064 : vector<16xi32>
      %and3A_1077 = arith.andi %and3A_1075, %eq3A_1076 : vector<16xi1>
      %eq3A_1078 = arith.cmpi eq, %or3A_942, %gather3A_1068 : vector<16xi32>
      %and3A_1079 = arith.andi %and3A_1077, %eq3A_1078 : vector<16xi1>
      %jit3A_1080 = arith.constant 0 : i64
      %convert_element_type3A_1081 = arith.trunci %jit3A_1080 : i64 to i32
      %broadcast_in_dim3A_1082 = vector.broadcast %convert_element_type3A_1081 : i32 to vector<16xi32>
      %select_n3A_1083 = arith.select %and3A_1079, %gather3A_1072, %broadcast_in_dim3A_1082 : vector<16xi1>, vector<16xi32>
      %add3A_1084 = arith.addi %add3A_1052, %select_n3A_1083 : vector<16xi32>
      %add3A_1085 = arith.addi %mul3A_3, %add3A_1084 : vector<16xi32>
      tpu.vector_store_idx %arg13[%add3A_1085], %broadcast_in_dim3A_4 {add = true} : memref<1024xi32, #tpu.memory_space<vmem>>[vector<16xi32>], vector<16xi32>,
      %swap3A_1086 = arith.index_cast %mul3A_832 : i32 to index
      %swap3A_1087 = tpu.vector_load %arg15[%swap3A_1086] {strides = array<i32>} : memref<4096xi32, #tpu.memory_space<vmem>>, vector<16xi32>,
      tpu.vector_store %arg15[%swap3A_1086], %add3A_1084 {strides = array<i32>} : memref<4096xi32, #tpu.memory_space<vmem>>, vector<16xi32>,
    }
    %while3A_576 = arith.constant 0 : i32
    %while3A_577 = arith.constant 256 : i32
    %while3A_578 = arith.constant 0 : i32
    %while3A_579 = arith.subi %while3A_577, %while3A_576 : i32
    %while3A_580 = arith.addi %while3A_576, %while3A_579 : i32
    %while3A_581 = arith.constant 1 : i32
    %while3A_582 = arith.divsi %while3A_579, %while3A_581 : i32
    %while3A_583 = arith.muli %while3A_582, %while3A_581 : i32
    %while3A_584 = arith.addi %while3A_576, %while3A_583 : i32
    %while3A_585 = arith.constant 1 : i32
    %while3A_586 = scf.for %while3A_830 = %while3A_576 to %while3A_584 step %while3A_585 iter_args(%while3A_831 = %while3A_578) -> (i32)  : i32 {
      %mul3A_832 = arith.constant 16 : i32
      %mul3A_833 = arith.muli %while3A_830, %mul3A_832 : i32
      %get3A_834 = arith.index_cast %mul3A_833 : i32 to index
      %get3A_835 = tpu.vector_load %arg15[%get3A_834] {strides = array<i32>} : memref<4096xi32, #tpu.memory_space<vmem>>, vector<16xi32>,
      %lt3A = arith.constant 33 : i32
      %lt3A_836 = vector.broadcast %lt3A : i32 to vector<16xi32>
      %lt3A_837 = arith.cmpi slt, %get3A_835, %lt3A_836 : vector<16xi32>
      %swap3A_838 = arith.index_cast %while3A_831 : i32 to index
      %swap3A_839 = tpu.vector_load %arg14[%swap3A_838] masked %lt3A_837 {strides = array<i32>} : memref<4160xi32, #tpu.memory_space<vmem>>, vector<16xi32>, vector<16xi1>
      tpu.vector_store %arg14[%swap3A_838], %get3A_835 masked %lt3A_837 {strides = array<i32>} : memref<4160xi32, #tpu.memory_space<vmem>>, vector<16xi32>, vector<16xi1>
      %convert_element_type3A_840 = arith.extui %lt3A_837 : vector<16xi1> to vector<16xi32>
      %reduce_sum3A = arith.constant true
      %reduce_sum3A_841 = vector.broadcast %reduce_sum3A : i1 to vector<16xi1>
      %reduce_sum3A_842 = tpu.scan <sum>, %convert_element_type3A_840 masked %reduce_sum3A_841 : vector<16xi32>, vector<16xi1> -> vector<16xi32>
      %reduce_sum3A_843 = vector.extract %reduce_sum3A_842[15] : i32 from vector<16xi32>
      %add3A_844 = arith.addi %while3A_831, %reduce_sum3A_843 : i32
      scf.yield %add3A_844 : i32
    }
    %while3A_587 = arith.constant 1 : i32
    %while3A_588 = scf.for %while3A_830 = %while3A_584 to %while3A_580 step %while3A_587 iter_args(%while3A_831 = %while3A_586) -> (i32)  : i32 {
      %mul3A_832 = arith.constant 16 : i32
      %mul3A_833 = arith.muli %while3A_830, %mul3A_832 : i32
      %get3A_834 = arith.index_cast %mul3A_833 : i32 to index
      %get3A_835 = tpu.vector_load %arg15[%get3A_834] {strides = array<i32>} : memref<4096xi32, #tpu.memory_space<vmem>>, vector<16xi32>,
      %lt3A = arith.constant 33 : i32
      %lt3A_836 = vector.broadcast %lt3A : i32 to vector<16xi32>
      %lt3A_837 = arith.cmpi slt, %get3A_835, %lt3A_836 : vector<16xi32>
      %swap3A_838 = arith.index_cast %while3A_831 : i32 to index
      %swap3A_839 = tpu.vector_load %arg14[%swap3A_838] masked %lt3A_837 {strides = array<i32>} : memref<4160xi32, #tpu.memory_space<vmem>>, vector<16xi32>, vector<16xi1>
      tpu.vector_store %arg14[%swap3A_838], %get3A_835 masked %lt3A_837 {strides = array<i32>} : memref<4160xi32, #tpu.memory_space<vmem>>, vector<16xi32>, vector<16xi1>
      %convert_element_type3A_840 = arith.extui %lt3A_837 : vector<16xi1> to vector<16xi32>
      %reduce_sum3A = arith.constant true
      %reduce_sum3A_841 = vector.broadcast %reduce_sum3A : i1 to vector<16xi1>
      %reduce_sum3A_842 = tpu.scan <sum>, %convert_element_type3A_840 masked %reduce_sum3A_841 : vector<16xi32>, vector<16xi1> -> vector<16xi32>
      %reduce_sum3A_843 = vector.extract %reduce_sum3A_842[15] : i32 from vector<16xi32>
      %add3A_844 = arith.addi %while3A_831, %reduce_sum3A_843 : i32
      scf.yield %add3A_844 : i32
    }
    %sub3A_589 = arith.constant 1 : i32
    %sub3A_590 = arith.subi %while3A_588, %sub3A_589 : i32
    %max3A_591 = arith.constant 0 : i32
    %max3A_592 = arith.maxsi %sub3A_590, %max3A_591 : i32
    %add3A_593 = arith.constant 31 : i32
    %add3A_594 = arith.addi %max3A_592, %add3A_593 : i32
    %jit3A_595 = arith.constant 32 : i64
    %convert_element_type3A_596 = arith.trunci %jit3A_595 : i64 to i32
    %div3A_597 = arith.divsi %add3A_594, %convert_element_type3A_596 : i32
    %sign3A_598 = arith.constant 0 : i32
    %sign3A_599 = arith.cmpi sgt, %add3A_594, %sign3A_598 : i32
    %sign3A_600 = arith.extui %sign3A_599 : i1 to i32
    %sign3A_601 = arith.constant 0 : i32
    %sign3A_602 = arith.cmpi slt, %add3A_594, %sign3A_601 : i32
    %sign3A_603 = arith.extui %sign3A_602 : i1 to i32
    %sign3A_604 = arith.subi %sign3A_600, %sign3A_603 : i32
    %sign3A_605 = arith.constant 0 : i32
    %sign3A_606 = arith.cmpi sgt, %convert_element_type3A_596, %sign3A_605 : i32
    %sign3A_607 = arith.extui %sign3A_606 : i1 to i32
    %sign3A_608 = arith.constant 0 : i32
    %sign3A_609 = arith.cmpi slt, %convert_element_type3A_596, %sign3A_608 : i32
    %sign3A_610 = arith.extui %sign3A_609 : i1 to i32
    %sign3A_611 = arith.subi %sign3A_607, %sign3A_610 : i32
    %ne3A_612 = arith.cmpi ne, %sign3A_604, %sign3A_611 : i32
    %rem3A_613 = arith.remsi %add3A_594, %convert_element_type3A_596 : i32
    %ne3A_614 = arith.constant 0 : i32
    %ne3A_615 = arith.cmpi ne, %rem3A_613, %ne3A_614 : i32
    %and3A_616 = arith.andi %ne3A_612, %ne3A_615 : i1
    %sub3A_617 = arith.constant 1 : i32
    %sub3A_618 = arith.subi %div3A_597, %sub3A_617 : i32
    %select_n3A_619 = arith.select %and3A_616, %sub3A_618, %div3A_597 : i32
    %while3A_620 = arith.constant 0 : i32
    %while3A_621 = arith.constant 0 : i32
    %while3A_622 = arith.subi %select_n3A_619, %while3A_621 : i32
    %while3A_623 = arith.addi %while3A_621, %while3A_622 : i32
    %while3A_624 = arith.constant 1 : i32
    %while3A_625 = arith.divsi %while3A_622, %while3A_624 : i32
    %while3A_626 = arith.muli %while3A_625, %while3A_624 : i32
    %while3A_627 = arith.addi %while3A_621, %while3A_626 : i32
    %while3A_628 = arith.constant 1 : i32
    scf.for %while3A_830 = %while3A_621 to %while3A_627 step %while3A_628  : i32 {
      %mul3A_831 = arith.constant 32 : i32
      %mul3A_832 = arith.muli %while3A_830, %mul3A_831 : i32
      %add3A_833 = vector.broadcast %mul3A_832 : i32 to vector<16xi32>
      %add3A_834 = arith.addi %iota3A, %add3A_833 : vector<16xi32>
      %gather3A = tpu.vector_load_idx %arg14[%add3A_834] : memref<4160xi32, #tpu.memory_space<vmem>>[vector<16xi32>], vector<16xi32>,
      %add3A_835 = arith.constant 1 : i32
      %add3A_836 = vector.broadcast %add3A_835 : i32 to vector<16xi32>
      %add3A_837 = arith.addi %add3A_834, %add3A_836 : vector<16xi32>
      %gather3A_838 = tpu.vector_load_idx %arg14[%add3A_837] : memref<4160xi32, #tpu.memory_space<vmem>>[vector<16xi32>], vector<16xi32>,
      %lt3A = vector.broadcast %max3A_592 : i32 to vector<16xi32>
      %lt3A_839 = arith.cmpi slt, %add3A_834, %lt3A : vector<16xi32>
      %eq3A = arith.cmpi eq, %gather3A, %broadcast_in_dim3A_10 : vector<16xi32>
      %eq3A_840 = arith.cmpi eq, %gather3A_838, %broadcast_in_dim3A_22 : vector<16xi32>
      %and3A_841 = arith.andi %eq3A, %eq3A_840 : vector<16xi1>
      %jit3A_842 = arith.constant 0 : i64
      %convert_element_type3A_843 = arith.trunci %jit3A_842 : i64 to i32
      %broadcast_in_dim3A_844 = vector.broadcast %convert_element_type3A_843 : i32 to vector<16xi32>
      %select_n3A_845 = arith.select %and3A_841, %broadcast_in_dim3A_34, %broadcast_in_dim3A_844 : vector<16xi1>, vector<16xi32>
      %add3A_846 = arith.addi %broadcast_in_dim3A_6, %select_n3A_845 : vector<16xi32>
      %eq3A_847 = arith.cmpi eq, %gather3A, %broadcast_in_dim3A_13 : vector<16xi32>
      %eq3A_848 = arith.cmpi eq, %gather3A_838, %broadcast_in_dim3A_25 : vector<16xi32>
      %and3A_849 = arith.andi %eq3A_847, %eq3A_848 : vector<16xi1>
      %jit3A_850 = arith.constant 0 : i64
      %convert_element_type3A_851 = arith.trunci %jit3A_850 : i64 to i32
      %broadcast_in_dim3A_852 = vector.broadcast %convert_element_type3A_851 : i32 to vector<16xi32>
      %select_n3A_853 = arith.select %and3A_849, %broadcast_in_dim3A_37, %broadcast_in_dim3A_852 : vector<16xi1>, vector<16xi32>
      %add3A_854 = arith.addi %add3A_846, %select_n3A_853 : vector<16xi32>
      %eq3A_855 = arith.cmpi eq, %gather3A, %broadcast_in_dim3A_16 : vector<16xi32>
      %eq3A_856 = arith.cmpi eq, %gather3A_838, %broadcast_in_dim3A_28 : vector<16xi32>
      %and3A_857 = arith.andi %eq3A_855, %eq3A_856 : vector<16xi1>
      %jit3A_858 = arith.constant 0 : i64
      %convert_element_type3A_859 = arith.trunci %jit3A_858 : i64 to i32
      %broadcast_in_dim3A_860 = vector.broadcast %convert_element_type3A_859 : i32 to vector<16xi32>
      %select_n3A_861 = arith.select %and3A_857, %broadcast_in_dim3A_40, %broadcast_in_dim3A_860 : vector<16xi1>, vector<16xi32>
      %add3A_862 = arith.addi %add3A_854, %select_n3A_861 : vector<16xi32>
      %eq3A_863 = arith.cmpi eq, %gather3A, %broadcast_in_dim3A_19 : vector<16xi32>
      %eq3A_864 = arith.cmpi eq, %gather3A_838, %broadcast_in_dim3A_31 : vector<16xi32>
      %and3A_865 = arith.andi %eq3A_863, %eq3A_864 : vector<16xi1>
      %jit3A_866 = arith.constant 0 : i64
      %convert_element_type3A_867 = arith.trunci %jit3A_866 : i64 to i32
      %broadcast_in_dim3A_868 = vector.broadcast %convert_element_type3A_867 : i32 to vector<16xi32>
      %select_n3A_869 = arith.select %and3A_865, %broadcast_in_dim3A_43, %broadcast_in_dim3A_868 : vector<16xi1>, vector<16xi32>
      %add3A_870 = arith.addi %add3A_862, %select_n3A_869 : vector<16xi32>
      %add3A_871 = arith.addi %mul3A_3, %add3A_870 : vector<16xi32>
      tpu.vector_store_idx %arg13[%add3A_871], %broadcast_in_dim3A_4 masked %lt3A_839 {add = true} : memref<1024xi32, #tpu.memory_space<vmem>>[vector<16xi32>], vector<16xi32>, vector<16xi1>
      %mul3A_872 = arith.constant 32 : i32
      %mul3A_873 = arith.muli %while3A_830, %mul3A_872 : i32
      %add3A_874 = arith.constant 16 : i32
      %add3A_875 = arith.addi %mul3A_873, %add3A_874 : i32
      %add3A_876 = vector.broadcast %add3A_875 : i32 to vector<16xi32>
      %add3A_877 = arith.addi %iota3A, %add3A_876 : vector<16xi32>
      %gather3A_878 = tpu.vector_load_idx %arg14[%add3A_877] : memref<4160xi32, #tpu.memory_space<vmem>>[vector<16xi32>], vector<16xi32>,
      %add3A_879 = arith.constant 1 : i32
      %add3A_880 = vector.broadcast %add3A_879 : i32 to vector<16xi32>
      %add3A_881 = arith.addi %add3A_877, %add3A_880 : vector<16xi32>
      %gather3A_882 = tpu.vector_load_idx %arg14[%add3A_881] : memref<4160xi32, #tpu.memory_space<vmem>>[vector<16xi32>], vector<16xi32>,
      %lt3A_883 = vector.broadcast %max3A_592 : i32 to vector<16xi32>
      %lt3A_884 = arith.cmpi slt, %add3A_877, %lt3A_883 : vector<16xi32>
      %eq3A_885 = arith.cmpi eq, %gather3A_878, %broadcast_in_dim3A_10 : vector<16xi32>
      %eq3A_886 = arith.cmpi eq, %gather3A_882, %broadcast_in_dim3A_22 : vector<16xi32>
      %and3A_887 = arith.andi %eq3A_885, %eq3A_886 : vector<16xi1>
      %jit3A_888 = arith.constant 0 : i64
      %convert_element_type3A_889 = arith.trunci %jit3A_888 : i64 to i32
      %broadcast_in_dim3A_890 = vector.broadcast %convert_element_type3A_889 : i32 to vector<16xi32>
      %select_n3A_891 = arith.select %and3A_887, %broadcast_in_dim3A_34, %broadcast_in_dim3A_890 : vector<16xi1>, vector<16xi32>
      %add3A_892 = arith.addi %broadcast_in_dim3A_6, %select_n3A_891 : vector<16xi32>
      %eq3A_893 = arith.cmpi eq, %gather3A_878, %broadcast_in_dim3A_13 : vector<16xi32>
      %eq3A_894 = arith.cmpi eq, %gather3A_882, %broadcast_in_dim3A_25 : vector<16xi32>
      %and3A_895 = arith.andi %eq3A_893, %eq3A_894 : vector<16xi1>
      %jit3A_896 = arith.constant 0 : i64
      %convert_element_type3A_897 = arith.trunci %jit3A_896 : i64 to i32
      %broadcast_in_dim3A_898 = vector.broadcast %convert_element_type3A_897 : i32 to vector<16xi32>
      %select_n3A_899 = arith.select %and3A_895, %broadcast_in_dim3A_37, %broadcast_in_dim3A_898 : vector<16xi1>, vector<16xi32>
      %add3A_900 = arith.addi %add3A_892, %select_n3A_899 : vector<16xi32>
      %eq3A_901 = arith.cmpi eq, %gather3A_878, %broadcast_in_dim3A_16 : vector<16xi32>
      %eq3A_902 = arith.cmpi eq, %gather3A_882, %broadcast_in_dim3A_28 : vector<16xi32>
      %and3A_903 = arith.andi %eq3A_901, %eq3A_902 : vector<16xi1>
      %jit3A_904 = arith.constant 0 : i64
      %convert_element_type3A_905 = arith.trunci %jit3A_904 : i64 to i32
      %broadcast_in_dim3A_906 = vector.broadcast %convert_element_type3A_905 : i32 to vector<16xi32>
      %select_n3A_907 = arith.select %and3A_903, %broadcast_in_dim3A_40, %broadcast_in_dim3A_906 : vector<16xi1>, vector<16xi32>
      %add3A_908 = arith.addi %add3A_900, %select_n3A_907 : vector<16xi32>
      %eq3A_909 = arith.cmpi eq, %gather3A_878, %broadcast_in_dim3A_19 : vector<16xi32>
      %eq3A_910 = arith.cmpi eq, %gather3A_882, %broadcast_in_dim3A_31 : vector<16xi32>
      %and3A_911 = arith.andi %eq3A_909, %eq3A_910 : vector<16xi1>
      %jit3A_912 = arith.constant 0 : i64
      %convert_element_type3A_913 = arith.trunci %jit3A_912 : i64 to i32
      %broadcast_in_dim3A_914 = vector.broadcast %convert_element_type3A_913 : i32 to vector<16xi32>
      %select_n3A_915 = arith.select %and3A_911, %broadcast_in_dim3A_43, %broadcast_in_dim3A_914 : vector<16xi1>, vector<16xi32>
      %add3A_916 = arith.addi %add3A_908, %select_n3A_915 : vector<16xi32>
      %add3A_917 = arith.addi %mul3A_3, %add3A_916 : vector<16xi32>
      tpu.vector_store_idx %arg13[%add3A_917], %broadcast_in_dim3A_4 masked %lt3A_884 {add = true} : memref<1024xi32, #tpu.memory_space<vmem>>[vector<16xi32>], vector<16xi32>, vector<16xi1>
    }
    %while3A_629 = arith.constant 1 : i32
    scf.for %while3A_830 = %while3A_627 to %while3A_623 step %while3A_629  : i32 {
      %mul3A_831 = arith.constant 32 : i32
      %mul3A_832 = arith.muli %while3A_830, %mul3A_831 : i32
      %add3A_833 = vector.broadcast %mul3A_832 : i32 to vector<16xi32>
      %add3A_834 = arith.addi %iota3A, %add3A_833 : vector<16xi32>
      %gather3A = tpu.vector_load_idx %arg14[%add3A_834] : memref<4160xi32, #tpu.memory_space<vmem>>[vector<16xi32>], vector<16xi32>,
      %add3A_835 = arith.constant 1 : i32
      %add3A_836 = vector.broadcast %add3A_835 : i32 to vector<16xi32>
      %add3A_837 = arith.addi %add3A_834, %add3A_836 : vector<16xi32>
      %gather3A_838 = tpu.vector_load_idx %arg14[%add3A_837] : memref<4160xi32, #tpu.memory_space<vmem>>[vector<16xi32>], vector<16xi32>,
      %lt3A = vector.broadcast %max3A_592 : i32 to vector<16xi32>
      %lt3A_839 = arith.cmpi slt, %add3A_834, %lt3A : vector<16xi32>
      %eq3A = arith.cmpi eq, %gather3A, %broadcast_in_dim3A_10 : vector<16xi32>
      %eq3A_840 = arith.cmpi eq, %gather3A_838, %broadcast_in_dim3A_22 : vector<16xi32>
      %and3A_841 = arith.andi %eq3A, %eq3A_840 : vector<16xi1>
      %jit3A_842 = arith.constant 0 : i64
      %convert_element_type3A_843 = arith.trunci %jit3A_842 : i64 to i32
      %broadcast_in_dim3A_844 = vector.broadcast %convert_element_type3A_843 : i32 to vector<16xi32>
      %select_n3A_845 = arith.select %and3A_841, %broadcast_in_dim3A_34, %broadcast_in_dim3A_844 : vector<16xi1>, vector<16xi32>
      %add3A_846 = arith.addi %broadcast_in_dim3A_6, %select_n3A_845 : vector<16xi32>
      %eq3A_847 = arith.cmpi eq, %gather3A, %broadcast_in_dim3A_13 : vector<16xi32>
      %eq3A_848 = arith.cmpi eq, %gather3A_838, %broadcast_in_dim3A_25 : vector<16xi32>
      %and3A_849 = arith.andi %eq3A_847, %eq3A_848 : vector<16xi1>
      %jit3A_850 = arith.constant 0 : i64
      %convert_element_type3A_851 = arith.trunci %jit3A_850 : i64 to i32
      %broadcast_in_dim3A_852 = vector.broadcast %convert_element_type3A_851 : i32 to vector<16xi32>
      %select_n3A_853 = arith.select %and3A_849, %broadcast_in_dim3A_37, %broadcast_in_dim3A_852 : vector<16xi1>, vector<16xi32>
      %add3A_854 = arith.addi %add3A_846, %select_n3A_853 : vector<16xi32>
      %eq3A_855 = arith.cmpi eq, %gather3A, %broadcast_in_dim3A_16 : vector<16xi32>
      %eq3A_856 = arith.cmpi eq, %gather3A_838, %broadcast_in_dim3A_28 : vector<16xi32>
      %and3A_857 = arith.andi %eq3A_855, %eq3A_856 : vector<16xi1>
      %jit3A_858 = arith.constant 0 : i64
      %convert_element_type3A_859 = arith.trunci %jit3A_858 : i64 to i32
      %broadcast_in_dim3A_860 = vector.broadcast %convert_element_type3A_859 : i32 to vector<16xi32>
      %select_n3A_861 = arith.select %and3A_857, %broadcast_in_dim3A_40, %broadcast_in_dim3A_860 : vector<16xi1>, vector<16xi32>
      %add3A_862 = arith.addi %add3A_854, %select_n3A_861 : vector<16xi32>
      %eq3A_863 = arith.cmpi eq, %gather3A, %broadcast_in_dim3A_19 : vector<16xi32>
      %eq3A_864 = arith.cmpi eq, %gather3A_838, %broadcast_in_dim3A_31 : vector<16xi32>
      %and3A_865 = arith.andi %eq3A_863, %eq3A_864 : vector<16xi1>
      %jit3A_866 = arith.constant 0 : i64
      %convert_element_type3A_867 = arith.trunci %jit3A_866 : i64 to i32
      %broadcast_in_dim3A_868 = vector.broadcast %convert_element_type3A_867 : i32 to vector<16xi32>
      %select_n3A_869 = arith.select %and3A_865, %broadcast_in_dim3A_43, %broadcast_in_dim3A_868 : vector<16xi1>, vector<16xi32>
      %add3A_870 = arith.addi %add3A_862, %select_n3A_869 : vector<16xi32>
      %add3A_871 = arith.addi %mul3A_3, %add3A_870 : vector<16xi32>
      tpu.vector_store_idx %arg13[%add3A_871], %broadcast_in_dim3A_4 masked %lt3A_839 {add = true} : memref<1024xi32, #tpu.memory_space<vmem>>[vector<16xi32>], vector<16xi32>, vector<16xi1>
      %mul3A_872 = arith.constant 32 : i32
      %mul3A_873 = arith.muli %while3A_830, %mul3A_872 : i32
      %add3A_874 = arith.constant 16 : i32
      %add3A_875 = arith.addi %mul3A_873, %add3A_874 : i32
      %add3A_876 = vector.broadcast %add3A_875 : i32 to vector<16xi32>
      %add3A_877 = arith.addi %iota3A, %add3A_876 : vector<16xi32>
      %gather3A_878 = tpu.vector_load_idx %arg14[%add3A_877] : memref<4160xi32, #tpu.memory_space<vmem>>[vector<16xi32>], vector<16xi32>,
      %add3A_879 = arith.constant 1 : i32
      %add3A_880 = vector.broadcast %add3A_879 : i32 to vector<16xi32>
      %add3A_881 = arith.addi %add3A_877, %add3A_880 : vector<16xi32>
      %gather3A_882 = tpu.vector_load_idx %arg14[%add3A_881] : memref<4160xi32, #tpu.memory_space<vmem>>[vector<16xi32>], vector<16xi32>,
      %lt3A_883 = vector.broadcast %max3A_592 : i32 to vector<16xi32>
      %lt3A_884 = arith.cmpi slt, %add3A_877, %lt3A_883 : vector<16xi32>
      %eq3A_885 = arith.cmpi eq, %gather3A_878, %broadcast_in_dim3A_10 : vector<16xi32>
      %eq3A_886 = arith.cmpi eq, %gather3A_882, %broadcast_in_dim3A_22 : vector<16xi32>
      %and3A_887 = arith.andi %eq3A_885, %eq3A_886 : vector<16xi1>
      %jit3A_888 = arith.constant 0 : i64
      %convert_element_type3A_889 = arith.trunci %jit3A_888 : i64 to i32
      %broadcast_in_dim3A_890 = vector.broadcast %convert_element_type3A_889 : i32 to vector<16xi32>
      %select_n3A_891 = arith.select %and3A_887, %broadcast_in_dim3A_34, %broadcast_in_dim3A_890 : vector<16xi1>, vector<16xi32>
      %add3A_892 = arith.addi %broadcast_in_dim3A_6, %select_n3A_891 : vector<16xi32>
      %eq3A_893 = arith.cmpi eq, %gather3A_878, %broadcast_in_dim3A_13 : vector<16xi32>
      %eq3A_894 = arith.cmpi eq, %gather3A_882, %broadcast_in_dim3A_25 : vector<16xi32>
      %and3A_895 = arith.andi %eq3A_893, %eq3A_894 : vector<16xi1>
      %jit3A_896 = arith.constant 0 : i64
      %convert_element_type3A_897 = arith.trunci %jit3A_896 : i64 to i32
      %broadcast_in_dim3A_898 = vector.broadcast %convert_element_type3A_897 : i32 to vector<16xi32>
      %select_n3A_899 = arith.select %and3A_895, %broadcast_in_dim3A_37, %broadcast_in_dim3A_898 : vector<16xi1>, vector<16xi32>
      %add3A_900 = arith.addi %add3A_892, %select_n3A_899 : vector<16xi32>
      %eq3A_901 = arith.cmpi eq, %gather3A_878, %broadcast_in_dim3A_16 : vector<16xi32>
      %eq3A_902 = arith.cmpi eq, %gather3A_882, %broadcast_in_dim3A_28 : vector<16xi32>
      %and3A_903 = arith.andi %eq3A_901, %eq3A_902 : vector<16xi1>
      %jit3A_904 = arith.constant 0 : i64
      %convert_element_type3A_905 = arith.trunci %jit3A_904 : i64 to i32
      %broadcast_in_dim3A_906 = vector.broadcast %convert_element_type3A_905 : i32 to vector<16xi32>
      %select_n3A_907 = arith.select %and3A_903, %broadcast_in_dim3A_40, %broadcast_in_dim3A_906 : vector<16xi1>, vector<16xi32>
      %add3A_908 = arith.addi %add3A_900, %select_n3A_907 : vector<16xi32>
      %eq3A_909 = arith.cmpi eq, %gather3A_878, %broadcast_in_dim3A_19 : vector<16xi32>
      %eq3A_910 = arith.cmpi eq, %gather3A_882, %broadcast_in_dim3A_31 : vector<16xi32>
      %and3A_911 = arith.andi %eq3A_909, %eq3A_910 : vector<16xi1>
      %jit3A_912 = arith.constant 0 : i64
      %convert_element_type3A_913 = arith.trunci %jit3A_912 : i64 to i32
      %broadcast_in_dim3A_914 = vector.broadcast %convert_element_type3A_913 : i32 to vector<16xi32>
      %select_n3A_915 = arith.select %and3A_911, %broadcast_in_dim3A_43, %broadcast_in_dim3A_914 : vector<16xi1>, vector<16xi32>
      %add3A_916 = arith.addi %add3A_908, %select_n3A_915 : vector<16xi32>
      %add3A_917 = arith.addi %mul3A_3, %add3A_916 : vector<16xi32>
      tpu.vector_store_idx %arg13[%add3A_917], %broadcast_in_dim3A_4 masked %lt3A_884 {add = true} : memref<1024xi32, #tpu.memory_space<vmem>>[vector<16xi32>], vector<16xi32>, vector<16xi1>
    }
    %get3A_630 = arith.constant 0 : index
    %get3A_631 = tpu.vector_load %arg13[%get3A_630] {strides = array<i32>} : memref<1024xi32, #tpu.memory_space<vmem>>, vector<16xi32>,
    %add3A_632 = arith.addi %broadcast_in_dim3A_6, %get3A_631 : vector<16xi32>
    %get3A_633 = arith.constant 16 : index
    %get3A_634 = tpu.vector_load %arg13[%get3A_633] {strides = array<i32>} : memref<1024xi32, #tpu.memory_space<vmem>>, vector<16xi32>,
    %add3A_635 = arith.addi %broadcast_in_dim3A_6, %get3A_634 : vector<16xi32>
    %get3A_636 = arith.constant 32 : index
    %get3A_637 = tpu.vector_load %arg13[%get3A_636] {strides = array<i32>} : memref<1024xi32, #tpu.memory_space<vmem>>, vector<16xi32>,
    %add3A_638 = arith.addi %broadcast_in_dim3A_6, %get3A_637 : vector<16xi32>
    %get3A_639 = arith.constant 48 : index
    %get3A_640 = tpu.vector_load %arg13[%get3A_639] {strides = array<i32>} : memref<1024xi32, #tpu.memory_space<vmem>>, vector<16xi32>,
    %add3A_641 = arith.addi %broadcast_in_dim3A_6, %get3A_640 : vector<16xi32>
    %get3A_642 = arith.constant 64 : index
    %get3A_643 = tpu.vector_load %arg13[%get3A_642] {strides = array<i32>} : memref<1024xi32, #tpu.memory_space<vmem>>, vector<16xi32>,
    %add3A_644 = arith.addi %add3A_632, %get3A_643 : vector<16xi32>
    %get3A_645 = arith.constant 80 : index
    %get3A_646 = tpu.vector_load %arg13[%get3A_645] {strides = array<i32>} : memref<1024xi32, #tpu.memory_space<vmem>>, vector<16xi32>,
    %add3A_647 = arith.addi %add3A_635, %get3A_646 : vector<16xi32>
    %get3A_648 = arith.constant 96 : index
    %get3A_649 = tpu.vector_load %arg13[%get3A_648] {strides = array<i32>} : memref<1024xi32, #tpu.memory_space<vmem>>, vector<16xi32>,
    %add3A_650 = arith.addi %add3A_638, %get3A_649 : vector<16xi32>
    %get3A_651 = arith.constant 112 : index
    %get3A_652 = tpu.vector_load %arg13[%get3A_651] {strides = array<i32>} : memref<1024xi32, #tpu.memory_space<vmem>>, vector<16xi32>,
    %add3A_653 = arith.addi %add3A_641, %get3A_652 : vector<16xi32>
    %get3A_654 = arith.constant 128 : index
    %get3A_655 = tpu.vector_load %arg13[%get3A_654] {strides = array<i32>} : memref<1024xi32, #tpu.memory_space<vmem>>, vector<16xi32>,
    %add3A_656 = arith.addi %add3A_644, %get3A_655 : vector<16xi32>
    %get3A_657 = arith.constant 144 : index
    %get3A_658 = tpu.vector_load %arg13[%get3A_657] {strides = array<i32>} : memref<1024xi32, #tpu.memory_space<vmem>>, vector<16xi32>,
    %add3A_659 = arith.addi %add3A_647, %get3A_658 : vector<16xi32>
    %get3A_660 = arith.constant 160 : index
    %get3A_661 = tpu.vector_load %arg13[%get3A_660] {strides = array<i32>} : memref<1024xi32, #tpu.memory_space<vmem>>, vector<16xi32>,
    %add3A_662 = arith.addi %add3A_650, %get3A_661 : vector<16xi32>
    %get3A_663 = arith.constant 176 : index
    %get3A_664 = tpu.vector_load %arg13[%get3A_663] {strides = array<i32>} : memref<1024xi32, #tpu.memory_space<vmem>>, vector<16xi32>,
    %add3A_665 = arith.addi %add3A_653, %get3A_664 : vector<16xi32>
    %get3A_666 = arith.constant 192 : index
    %get3A_667 = tpu.vector_load %arg13[%get3A_666] {strides = array<i32>} : memref<1024xi32, #tpu.memory_space<vmem>>, vector<16xi32>,
    %add3A_668 = arith.addi %add3A_656, %get3A_667 : vector<16xi32>
    %get3A_669 = arith.constant 208 : index
    %get3A_670 = tpu.vector_load %arg13[%get3A_669] {strides = array<i32>} : memref<1024xi32, #tpu.memory_space<vmem>>, vector<16xi32>,
    %add3A_671 = arith.addi %add3A_659, %get3A_670 : vector<16xi32>
    %get3A_672 = arith.constant 224 : index
    %get3A_673 = tpu.vector_load %arg13[%get3A_672] {strides = array<i32>} : memref<1024xi32, #tpu.memory_space<vmem>>, vector<16xi32>,
    %add3A_674 = arith.addi %add3A_662, %get3A_673 : vector<16xi32>
    %get3A_675 = arith.constant 240 : index
    %get3A_676 = tpu.vector_load %arg13[%get3A_675] {strides = array<i32>} : memref<1024xi32, #tpu.memory_space<vmem>>, vector<16xi32>,
    %add3A_677 = arith.addi %add3A_665, %get3A_676 : vector<16xi32>
    %get3A_678 = arith.constant 256 : index
    %get3A_679 = tpu.vector_load %arg13[%get3A_678] {strides = array<i32>} : memref<1024xi32, #tpu.memory_space<vmem>>, vector<16xi32>,
    %add3A_680 = arith.addi %add3A_668, %get3A_679 : vector<16xi32>
    %get3A_681 = arith.constant 272 : index
    %get3A_682 = tpu.vector_load %arg13[%get3A_681] {strides = array<i32>} : memref<1024xi32, #tpu.memory_space<vmem>>, vector<16xi32>,
    %add3A_683 = arith.addi %add3A_671, %get3A_682 : vector<16xi32>
    %get3A_684 = arith.constant 288 : index
    %get3A_685 = tpu.vector_load %arg13[%get3A_684] {strides = array<i32>} : memref<1024xi32, #tpu.memory_space<vmem>>, vector<16xi32>,
    %add3A_686 = arith.addi %add3A_674, %get3A_685 : vector<16xi32>
    %get3A_687 = arith.constant 304 : index
    %get3A_688 = tpu.vector_load %arg13[%get3A_687] {strides = array<i32>} : memref<1024xi32, #tpu.memory_space<vmem>>, vector<16xi32>,
    %add3A_689 = arith.addi %add3A_677, %get3A_688 : vector<16xi32>
    %get3A_690 = arith.constant 320 : index
    %get3A_691 = tpu.vector_load %arg13[%get3A_690] {strides = array<i32>} : memref<1024xi32, #tpu.memory_space<vmem>>, vector<16xi32>,
    %add3A_692 = arith.addi %add3A_680, %get3A_691 : vector<16xi32>
    %get3A_693 = arith.constant 336 : index
    %get3A_694 = tpu.vector_load %arg13[%get3A_693] {strides = array<i32>} : memref<1024xi32, #tpu.memory_space<vmem>>, vector<16xi32>,
    %add3A_695 = arith.addi %add3A_683, %get3A_694 : vector<16xi32>
    %get3A_696 = arith.constant 352 : index
    %get3A_697 = tpu.vector_load %arg13[%get3A_696] {strides = array<i32>} : memref<1024xi32, #tpu.memory_space<vmem>>, vector<16xi32>,
    %add3A_698 = arith.addi %add3A_686, %get3A_697 : vector<16xi32>
    %get3A_699 = arith.constant 368 : index
    %get3A_700 = tpu.vector_load %arg13[%get3A_699] {strides = array<i32>} : memref<1024xi32, #tpu.memory_space<vmem>>, vector<16xi32>,
    %add3A_701 = arith.addi %add3A_689, %get3A_700 : vector<16xi32>
    %get3A_702 = arith.constant 384 : index
    %get3A_703 = tpu.vector_load %arg13[%get3A_702] {strides = array<i32>} : memref<1024xi32, #tpu.memory_space<vmem>>, vector<16xi32>,
    %add3A_704 = arith.addi %add3A_692, %get3A_703 : vector<16xi32>
    %get3A_705 = arith.constant 400 : index
    %get3A_706 = tpu.vector_load %arg13[%get3A_705] {strides = array<i32>} : memref<1024xi32, #tpu.memory_space<vmem>>, vector<16xi32>,
    %add3A_707 = arith.addi %add3A_695, %get3A_706 : vector<16xi32>
    %get3A_708 = arith.constant 416 : index
    %get3A_709 = tpu.vector_load %arg13[%get3A_708] {strides = array<i32>} : memref<1024xi32, #tpu.memory_space<vmem>>, vector<16xi32>,
    %add3A_710 = arith.addi %add3A_698, %get3A_709 : vector<16xi32>
    %get3A_711 = arith.constant 432 : index
    %get3A_712 = tpu.vector_load %arg13[%get3A_711] {strides = array<i32>} : memref<1024xi32, #tpu.memory_space<vmem>>, vector<16xi32>,
    %add3A_713 = arith.addi %add3A_701, %get3A_712 : vector<16xi32>
    %get3A_714 = arith.constant 448 : index
    %get3A_715 = tpu.vector_load %arg13[%get3A_714] {strides = array<i32>} : memref<1024xi32, #tpu.memory_space<vmem>>, vector<16xi32>,
    %add3A_716 = arith.addi %add3A_704, %get3A_715 : vector<16xi32>
    %get3A_717 = arith.constant 464 : index
    %get3A_718 = tpu.vector_load %arg13[%get3A_717] {strides = array<i32>} : memref<1024xi32, #tpu.memory_space<vmem>>, vector<16xi32>,
    %add3A_719 = arith.addi %add3A_707, %get3A_718 : vector<16xi32>
    %get3A_720 = arith.constant 480 : index
    %get3A_721 = tpu.vector_load %arg13[%get3A_720] {strides = array<i32>} : memref<1024xi32, #tpu.memory_space<vmem>>, vector<16xi32>,
    %add3A_722 = arith.addi %add3A_710, %get3A_721 : vector<16xi32>
    %get3A_723 = arith.constant 496 : index
    %get3A_724 = tpu.vector_load %arg13[%get3A_723] {strides = array<i32>} : memref<1024xi32, #tpu.memory_space<vmem>>, vector<16xi32>,
    %add3A_725 = arith.addi %add3A_713, %get3A_724 : vector<16xi32>
    %get3A_726 = arith.constant 512 : index
    %get3A_727 = tpu.vector_load %arg13[%get3A_726] {strides = array<i32>} : memref<1024xi32, #tpu.memory_space<vmem>>, vector<16xi32>,
    %add3A_728 = arith.addi %add3A_716, %get3A_727 : vector<16xi32>
    %get3A_729 = arith.constant 528 : index
    %get3A_730 = tpu.vector_load %arg13[%get3A_729] {strides = array<i32>} : memref<1024xi32, #tpu.memory_space<vmem>>, vector<16xi32>,
    %add3A_731 = arith.addi %add3A_719, %get3A_730 : vector<16xi32>
    %get3A_732 = arith.constant 544 : index
    %get3A_733 = tpu.vector_load %arg13[%get3A_732] {strides = array<i32>} : memref<1024xi32, #tpu.memory_space<vmem>>, vector<16xi32>,
    %add3A_734 = arith.addi %add3A_722, %get3A_733 : vector<16xi32>
    %get3A_735 = arith.constant 560 : index
    %get3A_736 = tpu.vector_load %arg13[%get3A_735] {strides = array<i32>} : memref<1024xi32, #tpu.memory_space<vmem>>, vector<16xi32>,
    %add3A_737 = arith.addi %add3A_725, %get3A_736 : vector<16xi32>
    %get3A_738 = arith.constant 576 : index
    %get3A_739 = tpu.vector_load %arg13[%get3A_738] {strides = array<i32>} : memref<1024xi32, #tpu.memory_space<vmem>>, vector<16xi32>,
    %add3A_740 = arith.addi %add3A_728, %get3A_739 : vector<16xi32>
    %get3A_741 = arith.constant 592 : index
    %get3A_742 = tpu.vector_load %arg13[%get3A_741] {strides = array<i32>} : memref<1024xi32, #tpu.memory_space<vmem>>, vector<16xi32>,
    %add3A_743 = arith.addi %add3A_731, %get3A_742 : vector<16xi32>
    %get3A_744 = arith.constant 608 : index
    %get3A_745 = tpu.vector_load %arg13[%get3A_744] {strides = array<i32>} : memref<1024xi32, #tpu.memory_space<vmem>>, vector<16xi32>,
    %add3A_746 = arith.addi %add3A_734, %get3A_745 : vector<16xi32>
    %get3A_747 = arith.constant 624 : index
    %get3A_748 = tpu.vector_load %arg13[%get3A_747] {strides = array<i32>} : memref<1024xi32, #tpu.memory_space<vmem>>, vector<16xi32>,
    %add3A_749 = arith.addi %add3A_737, %get3A_748 : vector<16xi32>
    %get3A_750 = arith.constant 640 : index
    %get3A_751 = tpu.vector_load %arg13[%get3A_750] {strides = array<i32>} : memref<1024xi32, #tpu.memory_space<vmem>>, vector<16xi32>,
    %add3A_752 = arith.addi %add3A_740, %get3A_751 : vector<16xi32>
    %get3A_753 = arith.constant 656 : index
    %get3A_754 = tpu.vector_load %arg13[%get3A_753] {strides = array<i32>} : memref<1024xi32, #tpu.memory_space<vmem>>, vector<16xi32>,
    %add3A_755 = arith.addi %add3A_743, %get3A_754 : vector<16xi32>
    %get3A_756 = arith.constant 672 : index
    %get3A_757 = tpu.vector_load %arg13[%get3A_756] {strides = array<i32>} : memref<1024xi32, #tpu.memory_space<vmem>>, vector<16xi32>,
    %add3A_758 = arith.addi %add3A_746, %get3A_757 : vector<16xi32>
    %get3A_759 = arith.constant 688 : index
    %get3A_760 = tpu.vector_load %arg13[%get3A_759] {strides = array<i32>} : memref<1024xi32, #tpu.memory_space<vmem>>, vector<16xi32>,
    %add3A_761 = arith.addi %add3A_749, %get3A_760 : vector<16xi32>
    %get3A_762 = arith.constant 704 : index
    %get3A_763 = tpu.vector_load %arg13[%get3A_762] {strides = array<i32>} : memref<1024xi32, #tpu.memory_space<vmem>>, vector<16xi32>,
    %add3A_764 = arith.addi %add3A_752, %get3A_763 : vector<16xi32>
    %get3A_765 = arith.constant 720 : index
    %get3A_766 = tpu.vector_load %arg13[%get3A_765] {strides = array<i32>} : memref<1024xi32, #tpu.memory_space<vmem>>, vector<16xi32>,
    %add3A_767 = arith.addi %add3A_755, %get3A_766 : vector<16xi32>
    %get3A_768 = arith.constant 736 : index
    %get3A_769 = tpu.vector_load %arg13[%get3A_768] {strides = array<i32>} : memref<1024xi32, #tpu.memory_space<vmem>>, vector<16xi32>,
    %add3A_770 = arith.addi %add3A_758, %get3A_769 : vector<16xi32>
    %get3A_771 = arith.constant 752 : index
    %get3A_772 = tpu.vector_load %arg13[%get3A_771] {strides = array<i32>} : memref<1024xi32, #tpu.memory_space<vmem>>, vector<16xi32>,
    %add3A_773 = arith.addi %add3A_761, %get3A_772 : vector<16xi32>
    %get3A_774 = arith.constant 768 : index
    %get3A_775 = tpu.vector_load %arg13[%get3A_774] {strides = array<i32>} : memref<1024xi32, #tpu.memory_space<vmem>>, vector<16xi32>,
    %add3A_776 = arith.addi %add3A_764, %get3A_775 : vector<16xi32>
    %get3A_777 = arith.constant 784 : index
    %get3A_778 = tpu.vector_load %arg13[%get3A_777] {strides = array<i32>} : memref<1024xi32, #tpu.memory_space<vmem>>, vector<16xi32>,
    %add3A_779 = arith.addi %add3A_767, %get3A_778 : vector<16xi32>
    %get3A_780 = arith.constant 800 : index
    %get3A_781 = tpu.vector_load %arg13[%get3A_780] {strides = array<i32>} : memref<1024xi32, #tpu.memory_space<vmem>>, vector<16xi32>,
    %add3A_782 = arith.addi %add3A_770, %get3A_781 : vector<16xi32>
    %get3A_783 = arith.constant 816 : index
    %get3A_784 = tpu.vector_load %arg13[%get3A_783] {strides = array<i32>} : memref<1024xi32, #tpu.memory_space<vmem>>, vector<16xi32>,
    %add3A_785 = arith.addi %add3A_773, %get3A_784 : vector<16xi32>
    %get3A_786 = arith.constant 832 : index
    %get3A_787 = tpu.vector_load %arg13[%get3A_786] {strides = array<i32>} : memref<1024xi32, #tpu.memory_space<vmem>>, vector<16xi32>,
    %add3A_788 = arith.addi %add3A_776, %get3A_787 : vector<16xi32>
    %get3A_789 = arith.constant 848 : index
    %get3A_790 = tpu.vector_load %arg13[%get3A_789] {strides = array<i32>} : memref<1024xi32, #tpu.memory_space<vmem>>, vector<16xi32>,
    %add3A_791 = arith.addi %add3A_779, %get3A_790 : vector<16xi32>
    %get3A_792 = arith.constant 864 : index
    %get3A_793 = tpu.vector_load %arg13[%get3A_792] {strides = array<i32>} : memref<1024xi32, #tpu.memory_space<vmem>>, vector<16xi32>,
    %add3A_794 = arith.addi %add3A_782, %get3A_793 : vector<16xi32>
    %get3A_795 = arith.constant 880 : index
    %get3A_796 = tpu.vector_load %arg13[%get3A_795] {strides = array<i32>} : memref<1024xi32, #tpu.memory_space<vmem>>, vector<16xi32>,
    %add3A_797 = arith.addi %add3A_785, %get3A_796 : vector<16xi32>
    %get3A_798 = arith.constant 896 : index
    %get3A_799 = tpu.vector_load %arg13[%get3A_798] {strides = array<i32>} : memref<1024xi32, #tpu.memory_space<vmem>>, vector<16xi32>,
    %add3A_800 = arith.addi %add3A_788, %get3A_799 : vector<16xi32>
    %get3A_801 = arith.constant 912 : index
    %get3A_802 = tpu.vector_load %arg13[%get3A_801] {strides = array<i32>} : memref<1024xi32, #tpu.memory_space<vmem>>, vector<16xi32>,
    %add3A_803 = arith.addi %add3A_791, %get3A_802 : vector<16xi32>
    %get3A_804 = arith.constant 928 : index
    %get3A_805 = tpu.vector_load %arg13[%get3A_804] {strides = array<i32>} : memref<1024xi32, #tpu.memory_space<vmem>>, vector<16xi32>,
    %add3A_806 = arith.addi %add3A_794, %get3A_805 : vector<16xi32>
    %get3A_807 = arith.constant 944 : index
    %get3A_808 = tpu.vector_load %arg13[%get3A_807] {strides = array<i32>} : memref<1024xi32, #tpu.memory_space<vmem>>, vector<16xi32>,
    %add3A_809 = arith.addi %add3A_797, %get3A_808 : vector<16xi32>
    %get3A_810 = arith.constant 960 : index
    %get3A_811 = tpu.vector_load %arg13[%get3A_810] {strides = array<i32>} : memref<1024xi32, #tpu.memory_space<vmem>>, vector<16xi32>,
    %add3A_812 = arith.addi %add3A_800, %get3A_811 : vector<16xi32>
    %get3A_813 = arith.constant 976 : index
    %get3A_814 = tpu.vector_load %arg13[%get3A_813] {strides = array<i32>} : memref<1024xi32, #tpu.memory_space<vmem>>, vector<16xi32>,
    %add3A_815 = arith.addi %add3A_803, %get3A_814 : vector<16xi32>
    %get3A_816 = arith.constant 992 : index
    %get3A_817 = tpu.vector_load %arg13[%get3A_816] {strides = array<i32>} : memref<1024xi32, #tpu.memory_space<vmem>>, vector<16xi32>,
    %add3A_818 = arith.addi %add3A_806, %get3A_817 : vector<16xi32>
    %get3A_819 = arith.constant 1008 : index
    %get3A_820 = tpu.vector_load %arg13[%get3A_819] {strides = array<i32>} : memref<1024xi32, #tpu.memory_space<vmem>>, vector<16xi32>,
    %add3A_821 = arith.addi %add3A_809, %get3A_820 : vector<16xi32>
    %swap3A_822 = arith.constant 0 : index
    %swap3A_823 = tpu.vector_load %arg16[%swap3A_822] {strides = array<i32>} : memref<64xi32, #tpu.memory_space<vmem>>, vector<16xi32>,
    tpu.vector_store %arg16[%swap3A_822], %add3A_812 {strides = array<i32>} : memref<64xi32, #tpu.memory_space<vmem>>, vector<16xi32>,
    %swap3A_824 = arith.constant 16 : index
    %swap3A_825 = tpu.vector_load %arg16[%swap3A_824] {strides = array<i32>} : memref<64xi32, #tpu.memory_space<vmem>>, vector<16xi32>,
    tpu.vector_store %arg16[%swap3A_824], %add3A_815 {strides = array<i32>} : memref<64xi32, #tpu.memory_space<vmem>>, vector<16xi32>,
    %swap3A_826 = arith.constant 32 : index
    %swap3A_827 = tpu.vector_load %arg16[%swap3A_826] {strides = array<i32>} : memref<64xi32, #tpu.memory_space<vmem>>, vector<16xi32>,
    tpu.vector_store %arg16[%swap3A_826], %add3A_818 {strides = array<i32>} : memref<64xi32, #tpu.memory_space<vmem>>, vector<16xi32>,
    %swap3A_828 = arith.constant 48 : index
    %swap3A_829 = tpu.vector_load %arg16[%swap3A_828] {strides = array<i32>} : memref<64xi32, #tpu.memory_space<vmem>>, vector<16xi32>,
    tpu.vector_store %arg16[%swap3A_828], %add3A_821 {strides = array<i32>} : memref<64xi32, #tpu.memory_space<vmem>>, vector<16xi32>,
    "tpu.region"() ({
      %run_scoped3A = tpu.sem_alloc : memref<!tpu.dma_semaphore, #tpu.memory_space<semaphore_mem>>
      %dma_start3A = arith.constant 0 : i32
      %dma_start3A_830 = tpu.memref_slice %arg7[%add3A_434, %dma_start3A] : memref<64x64xi32, #tpu.memory_space<hbm>> -> memref<1x64xi32, #tpu.memory_space<hbm>>
      %dma_start3A_831 = tpu.memref_squeeze %dma_start3A_830 : memref<1x64xi32, #tpu.memory_space<hbm>> -> memref<64xi32, #tpu.memory_space<hbm>>
      %dma_start3A_832 = arith.constant 0 : i32
      %dma_start3A_833 = tpu.memref_slice %arg7[%add3A_434, %dma_start3A_832] : memref<64x64xi32, #tpu.memory_space<hbm>> -> memref<1x64xi32, #tpu.memory_space<hbm>>
      %dma_start3A_834 = tpu.memref_squeeze %dma_start3A_833 : memref<1x64xi32, #tpu.memory_space<hbm>> -> memref<64xi32, #tpu.memory_space<hbm>>
      tpu.enqueue_dma source(%arg16 : memref<64xi32, #tpu.memory_space<vmem>>) target(%dma_start3A_834 : memref<64xi32, #tpu.memory_space<hbm>>) target_semaphore(%run_scoped3A : memref<!tpu.dma_semaphore, #tpu.memory_space<semaphore_mem>>)
      %dma_wait3A = arith.constant 0 : i32
      %dma_wait3A_835 = tpu.memref_slice %arg7[%add3A_434, %dma_wait3A] : memref<64x64xi32, #tpu.memory_space<hbm>> -> memref<1x64xi32, #tpu.memory_space<hbm>>
      %dma_wait3A_836 = tpu.memref_squeeze %dma_wait3A_835 : memref<1x64xi32, #tpu.memory_space<hbm>> -> memref<64xi32, #tpu.memory_space<hbm>>
      %dma_wait3A_837 = arith.constant 0 : i32
      %dma_wait3A_838 = tpu.memref_slice %arg7[%add3A_434, %dma_wait3A_837] : memref<64x64xi32, #tpu.memory_space<hbm>> -> memref<1x64xi32, #tpu.memory_space<hbm>>
      %dma_wait3A_839 = tpu.memref_squeeze %dma_wait3A_838 : memref<1x64xi32, #tpu.memory_space<hbm>> -> memref<64xi32, #tpu.memory_space<hbm>>
      tpu.wait_dma2 semaphore(%run_scoped3A : memref<!tpu.dma_semaphore, #tpu.memory_space<semaphore_mem>>) src(%arg16 : memref<64xi32, #tpu.memory_space<vmem>>) dst(%dma_wait3A_839 : memref<64xi32, #tpu.memory_space<hbm>>)
      tpu.yield
    }) : () -> ()
    return
  }
}

</mosaic_0001>

<sc_bundles>
// kernel: kernel.3.cloned.1.call-start
scs
__scs_entry_jumppad:
0x0: {  	(pc) =	sbr.rel $0x88, $3  }
0x1: {  	(tag) =	ssettag $0x0;
	lr =	simm.s32 $0x1  }
0x2: {  	[smem:$0x3F9C] =	sst lr;
	_ =	strace $0xD0000000  }
0x3: {  	_ = 	snop  }
0x4: {  	_ = 	snop  }
0x5: {  	_ = 	snop  }
0x6: {  	_ = 	snop  }
0x7: {  	_ = 	snop  }
__scs_overlays_trampoline_lowered:
0x8: {  	[smem:$0x3FAB] =	sst s0  }
0x9: {  	[smem:$0x3FAC] =	sst s1  }
0xa: {  	[smem:$0x3FAD] =	sst s2  }
0xb: {  	[smem:$0x3FAE] =	sst s3  }
0xc: {  	[smem:$0x3FAF] =	sst s4  }
0xd: {  	[smem:$0x3FB0] =	sst s5  }
0xe: {  	[smem:$0x3FB1] =	sst s6  }
0xf: {  	[smem:$0x3FB2] =	sst s7  }
0x10: {  	[smem:$0x3FB3] =	sst s8  }
0x11: {  	[smem:$0x3FB4] =	sst s9;
	s0 =	simm.s32 @!p0 $0x0  }
0x12: {  	s1 =	sld [smem:$0x3F9A];
	s0 =	simm.s32 @p0 $0x1  }
0x13: {  	[smem:$0x3FB5] =	sst s0;
	s0 =	simm.s32 @!p1 $0x0  }
0x14: {  	s2 =	sld [smem:$0x3F99];
	s0 =	simm.s32 @p1 $0x1  }
0x15: {  	[smem:$0x3FB6] =	sst s0;
	s0 =	simm.s32 @!p2 $0x0  }
0x16: {  	s3 =	sld [smem:$0x3FDB];
	s0 =	simm.s32 @p2 $0x1  }
0x17: {  	s4 =	simm.s32 $0x1BF5;
	[smem:$0x3FB8] =	sst s0  }
0x18: {  	s0 =	sld [smem:$0x3F9B];
	_ =	swait.ge [sflag:s4], $0x0  }
0x19: {  	s7 =	sld [smem:$0x3F9C]  }
0x1a: {  	s8 =	sadd.s32 $0xFFFFE003, lr  }
0x1b: {  	s9 =	sadd.s32 $0xFFFFFEF7, lr;
	s5 =	simm.s32 $0xFFFFFFFF;
	p2 =	slt.u32 s8, $0xFFFFF086  }
0x1c: {  	p1 =	slt.u32 s9, $0xF7A;
	s5 =	simm.s32 @!p2 $0x0  }
0x1d: {  	s5 =	simm.s32 @p1 $0x1;
	p0 =	seq.s32 s7, s2  }
0x1e: {  	s7 =	smul.u32 @!p0 $0xF7A, s2;
	p2 =	seq.s32 @!p0 s5, $0x0  }
0x1f: {  	s9 =	smul.u32 $0xF7A, s1;
	s8 =	simm.s32 @!p0 $0x1BF5;
	p2 =	por !p2, p0  }
0x20: {  	[sflag:s8] =	ssyncset.s32 @!p0 $0xFFFFF086;
	s6 =	sadd.s32 @!p0 s3, s7;
	s7 =	simm.s32 @!p0 $0x108  }
0x21: {  	s3 =	sadd.s32 s3, s9;
	s6 =	sadd.s32 @!p0 $0x88, s6;
	s7 =	simm.s32 @p2 $0x1082  }
0x22: {  	[simem:s7], [sflag:s8] =	dma.local @!p0 [hbm:s6], $0xF7A  }
0x23: {  	s9 =	sor.u32 $0xD0000000, s2;
	s6 =	simm.s32 $0x108;
	_ =	swait.ge @!p0 [sflag:s8], $0x0  }
0x24: {  	s3 =	sadd.s32 $0x88, s3;
	s6 =	simm.s32 @!p1 $0x1082;
	[sflag:s4] =	ssyncset.s32 $0xFFFFF086  }
0x25: {  	[simem:s6], [sflag:s4] =	dma.local [hbm:s3], $0xF7A  }
0x26: {  	[smem:$0x3F9C] =	sst s1;
	(tag) =	ssettag s2;
	_ =	strace s9  }
0x27: {  	s1 =	sld [smem:$0x3FAC]  }
0x28: {  	s2 =	sld [smem:$0x3FAD]  }
0x29: {  	s4 =	sld [smem:$0x3FAF]  }
0x2a: {  	p0 =	seq.s32 s5, $0x0;
	s5 =	sld [smem:$0x3FB0]  }
0x2b: {  	s6 =	sld [smem:$0x3FB1]  }
0x2c: {  	s7 =	sld [smem:$0x3FB2]  }
0x2d: {  	s3 =	simm.s32 $0x108;
	s8 =	sld [smem:$0x3FB3]  }
0x2e: {  	s3 =	simm.s32 @!p0 $0x1082;
	s9 =	sld [smem:$0x3FB4]  }
0x2f: {  	lr =	sadd.s32 s0, s3;
	s0 =	sld [smem:$0x3FAB]  }
0x30: {  	s3 =	sld [smem:$0x3FAE]  }
0x31: {  	[smem:$0x3FB7] =	sst s10  }
0x32: {  	s10 =	sld [smem:$0x3FB5];
	_ =	sdelay $0x3  }
0x33: {  	p0 =	seq.s32 s10, $0x1;
	s10 =	sld [smem:$0x3FB7];
	_ =	sdelay $0x3  }
0x34: {  	[smem:$0x3FB7] =	sst s10  }
0x35: {  	s10 =	sld [smem:$0x3FB6];
	_ =	sdelay $0x3  }
0x36: {  	p1 =	seq.s32 s10, $0x1;
	s10 =	sld [smem:$0x3FB7];
	_ =	sdelay $0x3  }
0x37: {  	[smem:$0x3FB7] =	sst s10  }
0x38: {  	s10 =	sld [smem:$0x3FB8]  }
0x39: {  	_ = 	snop;
	(pc) =	sbr.ind lr, $3  }
0x3a: {  	_ = 	snop  }
0x3b: {  	_ = 	snop  }
0x3c: {  	p2 =	seq.s32 s10, $0x1;
	s10 =	sld [smem:$0x3FB7]  }
0x3d: {  	_ =	shalt  }
0x3e: {  	_ =	shalt  }
0x3f: {  	_ =	shalt  }
0x40: {  	_ =	shalt  }
0x41: {  	_ =	shalt  }
0x42: {  	_ =	shalt  }
0x43: {  	_ =	shalt  }
0x44: {  	_ =	shalt  }
0x45: {  	_ =	shalt  }
0x46: {  	_ =	shalt  }
0x47: {  	_ =	shalt  }
0x48: {  	_ =	shalt  }
0x49: {  	_ =	shalt  }
0x4a: {  	_ =	shalt  }
0x4b: {  	_ =	shalt  }
0x4c: {  	_ =	shalt  }
0x4d: {  	_ =	shalt  }
0x4e: {  	_ =	shalt  }
0x4f: {  	_ =	shalt  }
0x50: {  	_ =	shalt  }
0x51: {  	_ =	shalt  }
0x52: {  	_ =	shalt  }
0x53: {  	_ =	shalt  }
0x54: {  	_ =	shalt  }
0x55: {  	_ =	shalt  }
0x56: {  	_ =	shalt  }
0x57: {  	_ =	shalt  }
0x58: {  	_ =	shalt  }
0x59: {  	_ =	shalt  }
0x5a: {  	_ =	shalt  }
0x5b: {  	_ =	shalt  }
0x5c: {  	_ =	shalt  }
0x5d: {  	_ =	shalt  }
0x5e: {  	_ =	shalt  }
0x5f: {  	_ =	shalt  }
0x60: {  	_ =	shalt  }
0x61: {  	_ =	shalt  }
0x62: {  	_ =	shalt  }
0x63: {  	_ =	shalt  }
0x64: {  	_ =	shalt  }
0x65: {  	_ =	shalt  }
0x66: {  	_ =	shalt  }
0x67: {  	_ =	shalt  }
0x68: {  	_ =	shalt  }
0x69: {  	_ =	shalt  }
0x6a: {  	_ =	shalt  }
0x6b: {  	_ =	shalt  }
0x6c: {  	_ =	shalt  }
0x6d: {  	_ =	shalt  }
0x6e: {  	_ =	shalt  }
0x6f: {  	_ =	shalt  }
0x70: {  	_ =	shalt  }
0x71: {  	_ =	shalt  }
0x72: {  	_ =	shalt  }
0x73: {  	_ =	shalt  }
0x74: {  	_ =	shalt  }
0x75: {  	_ =	shalt  }
0x76: {  	_ =	shalt  }
0x77: {  	_ =	shalt  }
0x78: {  	_ =	shalt  }
0x79: {  	_ =	shalt  }
0x7a: {  	_ =	shalt  }
0x7b: {  	_ =	shalt  }
0x7c: {  	_ =	shalt  }
0x7d: {  	_ =	shalt  }
0x7e: {  	_ =	shalt  }
0x7f: {  	_ =	shalt  }
0x80: {  	_ =	shalt  }
0x81: {  	_ =	shalt  }
0x82: {  	_ =	shalt  }
0x83: {  	_ =	shalt  }
0x84: {  	_ =	shalt  }
0x85: {  	_ =	shalt  }
0x86: {  	_ =	shalt  }
0x87: {  	_ =	shalt  }
.Lfunc_end0:
.L_simem_size_0:
called_computation_lowered:
.L_overlay_start_0:
0x88: {  	s2 =	sld [smem:$0x3FD9]  }
0x89: {  	s3 =	sld [smem:$0x3FFE];
	_ =	sdelay $0x1  }
0x8a: {  	s1 =	srdreg.scid  }
0x8b: {  	s0 =	sand.u32 $0x1, s1  }
0x8c: {  	s17 =	sshll.u32 s0, $0xA;
	s2 =	sadd.s32 s3, s2  }
0x8d: {  	s2 =	sadd.s32 s2, s17  }
0x8e: {  	[smem:$0x3FC3] =	sst s2  }
0x8f: {  	_ = 	snop  }
0x90: {  	s2 =	sld [smem:$0x3FD0];
	(tm) =	ssettm $0x1  }
0x91: {  	s18 =	sld [smem:$0x3FFB];
	_ =	sdelay $0x3  }
0x92: {  	_ =	strace s18  }
0x93: {  	s3 =	sld [smem:$0x3FFC];
	_ =	sdelay $0x3  }
0x94: {  	_ =	strace s3  }
0x95: {  	s3 =	sld [smem:$0x3FFD];
	_ =	sdelay $0x3  }
0x96: {  	_ =	strace s3  }
0x97: {  	_ =	strace $0x8FFFFFFF  }
0x98: {  	s19 =	sld [smem:$0x3FDB];
	_ =	sdelay $0x1  }
0x99: {  	s4 =	simm.s32 $_scs_section_size  }
0x9a: {  	s5 =	simm.s32 $_size__tile_overlayer_lowered;
	s6 =	simm.s32 $_tile_overlayer_lowered  }
0x9b: {  	s22 =	simm.s32 $0x1BFF;
	s21 =	sshll.u32 s6, $0x1;
	s3 =	sadd.s32 s4, s19  }
0x9c: {  	s7 =	simm.s32 $0x0;
	s20 =	sshll.u32 s5, $0x1;
	s5 =	sadd.s32 s21, s3  }
0x9d: {  	[timem:s7], [sflag:s22] =	dma.local [hbm:s5], s20  }
0x9e: {  	_ =	swait.ge [sflag:s22], s20  }
0x9f: {  	s4 =	ssub.s32 $0x0, s20;
	[sflag:s22] =	ssyncset.done $0x0  }
0xa0: {  	[sflag:s22] =	ssyncadd.s32 s4;
	_ =	sdelay $0x1  }
0xa1: {  	s23 =	simm.s32 $0x1B8B  }
0xa2: {  	_ =	swait.ge [sflag:s23], $0x1  }
0xa3: {  	[sflag:s23] =	ssyncset.done $0x0  }
0xa4: {  	s25 =	simm.s32 $0x1B8E;
	s24 =	sld [smem:$0x3FFE];
	[sflag:s23] =	ssyncadd.s32 $0xFFFFFFFF  }
0xa5: {  	s26 =	simm.s32 $execute0_lowered;
	[smem:$0x3FD2] =	sst s25  }
0xa6: {  	s5 =	sshll.u32 s26, $0x1;
	_ =	strace $0x80000046;
	[dreg:$0x1] =	wrdreg $0xFFFFFFFF  }
0xa7: {  	s28 =	simm.s32 $_size_execute0_lowered;
	s3 =	sadd.s32 s3, s5;
	[dreg:$0x0] =	wrdreg $0x0  }
0xa8: {  	s5 =	sshll.u32 s28, $0x1;
	[dreg:$0x2] =	wrdreg s3  }
0xa9: {  	[dreg:$0x3] =	wrdreg s5  }
0xaa: {  	[dreg:$0x4] =	wrdreg $0xC0  }
0xab: {  	_ =	task [dreg:s7], $0x5FFFF  }
0xac: {  	[dreg:$0x1] =	wrdreg $0xFFFFFFFF  }
0xad: {  	[dreg:$0x0] =	wrdreg $0x60  }
0xae: {  	[dreg:$0x2] =	wrdreg s24  }
0xaf: {  	[dreg:$0x3] =	wrdreg s2  }
0xb0: {  	[dreg:$0x4] =	wrdreg $0x9  }
0xb1: {  	_ =	task.clear_ibuf [dreg:s7], $0x5FFFF;
	_ =	strace $0x90000046  }
0xb2: {  	s29 =	simm.s32 $0x9;
	_ =	strace $0x80000048  }
0xb3: {  	_ =	swait.ge [sflag:s29], $0x1  }
0xb4: {  	[sflag:s29] =	ssyncadd.s32 $0xFFFFFFFF  }
0xb5: {  	_ =	strace $0x90000048  }
0xb6: {  	_ =	sfence  }
0xb7: {  	s30 =	sld [smem:$0x0];
	_ =	sdelay $0x2  }
0xb8: {  	s31 =	sshll.u32 s1, $0xD;
	s1 =	sshrl.u32 s1, $0x2  }
0xb9: {  	s3 =	sand.u32 $0x4000, s31;
	s1 =	sadd.s32 s1, s30  }
0xba: {  	s0 =	sor.u32 s3, s0;
	s1 =	sshll.u32 s1, $0x11  }
0xbb: {  	s0 =	sor.u32 s1, s0  }
0xbc: {  	s0 =	sadd.s32 $0x8F2B, s0  }
0xbd: {  	[sflag:s0] =	ssyncadd.remote.s32 $0x1  }
0xbe: {  	_ =	sfence.sel $0xFFFF  }
0xbf: {  	[dreg:$0x0] =	wrdreg $0xFFFFFFFF;
	(pc) =	sbr.abs _section_cstart, $3  }
0xc0: {  	[dreg:$0x1] =	wrdreg $0xFFFFFFFF  }
0xc1: {  	_ =	task.clear_ibuf [dreg:s7], $0x2FFFF;
	_ =	strace $0x9FFFFFFF  }
0xc2: {  	(tm) =	ssettm $0x7FFFFFFF  }
0xc3: {  	_ =	shalt  }
tec
execute0_lowered:
.L_overlay_start_1:
0x0: {  	(tag) =	ssettag $0x1  }
0x1: {  	s6 =	rddreg [dreg:$0x0]  }
0x2: {  	s10 =	rddreg [dreg:$0x1]  }
0x3: {  	s0 =	rddreg [dreg:$0x2];
	s1 =	simm.s32 $0x0  }
0x4: {  	s5 =	srdreg.scid;
	s2 =	stileid.u32;
	s14 =	simm.s32 $0x101B0  }
0x5: {  	s15 =	simm.s32 $0x10220;
	s16 =	simm.s32 $0x10230;
	s17 =	simm.s32 $0x10240  }
0x6: {  	s18 =	simm.s32 $0x10640;
	s19 =	simm.s32 $0x12680;
	s20 =	simm.s32 $0x0  }
0x7: {  	[smem:$0x7FF] =	sst s1;
	s9 =	sadd.s32 $0xE00, s6;
	s3 =	sadd.s32 $0xC00, s6  }
0x8: {  	s4 =	sadd.s32 $0xA00, s6;
	s5 =	sand.u32 $0x1, s5;
	s8 =	sshll.u32 s2, $0x2  }
0x9: {  	_ =	strace $0x80000047;
	s7 =	ssub.s32 $0x2, s5;
	s11 =	sshll.u32 s5, $0x1  }
0xa: {  	s5 =	sadd.s32 $0x800, s6;
	s6 =	sadd.s32 $0x600, s6;
	s12 =	sshrl.u32 s7, $0x1  }
.Ltmp0:
0xb: {  	s8 =	sor.u32 s11, s8;
	s28 =	ssub.s32 s7, s12;
	(pc) =	sbr.rel .LBB2_1-.Ltmp0, $4  }
0xc: {  	v2 =	vimm.s32 $0x7654321;
	s29 =	sshll.u32 s8, $0xD;
	s30 =	sshll.u32 s8, $0x3;
	s13 =	sor.u32 $0x1, s8  }
0xd: {  	v0 =	vimm.s32 $0x0;
	v1 =	vlaneseq.u32;
	v7 =	vunpack.c.l.s4.s8 v2;
	s12 =	simm.s32 $0x10000;
	s7 =	sadd.s32 s9, s29;
	s8 =	sadd.s32 s10, s30  }
0xe: {  	v2 =	vimm.s32 $0x1;
	v3 =	vmul.u32 $0x40, v1;
	v4 =	vor.u32 $0xFFFFFFE8, v1;
	s31 =	sshll.u32 s13, $0xD;
	s13 =	sshll.u32 s13, $0x3;
	s11 =	smax.u32 s28, $0x1  }
0xf: {  	v5 =	vadd.s32 $0x1, v1;
	v6 =	vor.u32 $0xFFFFFFF8, v1;
	v7 =	vunpack.c.0.s8.s32 v7;
	s9 =	sadd.s32 s9, s31;
	s10 =	sadd.s32 s10, s13;
	s13 =	simm.s32 $0x1  }
.LBB2_15:
0x10: {  	v8 =	vld [tilespmem:$0x10240]  }
0x11: {  	v9 =	vld [tilespmem:$0x10250]  }
0x12: {  	v10 =	vld [tilespmem:$0x10260]  }
0x13: {  	v11 =	vld [tilespmem:$0x10270]  }
0x14: {  	v12 =	vld [tilespmem:$0x10280]  }
0x15: {  	v13 =	vld [tilespmem:$0x10290]  }
0x16: {  	v14 =	vld [tilespmem:$0x102A0]  }
0x17: {  	v15 =	vld [tilespmem:$0x102B0]  }
0x18: {  	v16 =	vld [tilespmem:$0x102C0]  }
0x19: {  	v17 =	vld [tilespmem:$0x102D0]  }
0x1a: {  	v18 =	vld [tilespmem:$0x102E0]  }
0x1b: {  	v19 =	vld [tilespmem:$0x102F0]  }
0x1c: {  	v20 =	vld [tilespmem:$0x10300]  }
0x1d: {  	v21 =	vld [tilespmem:$0x10310]  }
0x1e: {  	v22 =	vld [tilespmem:$0x10320]  }
0x1f: {  	v23 =	vld [tilespmem:$0x10330]  }
0x20: {  	v24 =	vld [tilespmem:$0x10340]  }
0x21: {  	v25 =	vld [tilespmem:$0x10350]  }
0x22: {  	v26 =	vld [tilespmem:$0x10360]  }
0x23: {  	v27 =	vld [tilespmem:$0x10370]  }
0x24: {  	v28 =	vld [tilespmem:$0x10380]  }
0x25: {  	v29 =	vld [tilespmem:$0x10390]  }
0x26: {  	v30 =	vld [tilespmem:$0x103A0]  }
0x27: {  	v31 =	vld [tilespmem:$0x103B0]  }
0x28: {  	v32 =	vld [tilespmem:$0x103C0]  }
0x29: {  	v33 =	vld [tilespmem:$0x103D0]  }
0x2a: {  	v34 =	vld [tilespmem:$0x103E0]  }
0x2b: {  	v35 =	vld [tilespmem:$0x103F0]  }
0x2c: {  	v36 =	vld [tilespmem:$0x10400]  }
0x2d: {  	v37 =	vld [tilespmem:$0x10410]  }
0x2e: {  	v38 =	vld [tilespmem:$0x10420]  }
0x2f: {  	v39 =	vld [tilespmem:$0x10430]  }
0x30: {  	v40 =	vld [tilespmem:$0x10440]  }
0x31: {  	v41 =	vld [tilespmem:$0x10450]  }
0x32: {  	v42 =	vld [tilespmem:$0x10460]  }
0x33: {  	v43 =	vld [tilespmem:$0x10470]  }
0x34: {  	v44 =	vld [tilespmem:$0x10480]  }
0x35: {  	v45 =	vld [tilespmem:$0x10490]  }
0x36: {  	v46 =	vld [tilespmem:$0x104A0]  }
0x37: {  	v47 =	vld [tilespmem:$0x104B0]  }
0x38: {  	v48 =	vld [tilespmem:$0x104C0]  }
0x39: {  	v49 =	vld [tilespmem:$0x104D0]  }
0x3a: {  	v50 =	vld [tilespmem:$0x104E0]  }
0x3b: {  	v51 =	vld [tilespmem:$0x104F0]  }
0x3c: {  	v52 =	vld [tilespmem:$0x10500]  }
0x3d: {  	v53 =	vld [tilespmem:$0x10510]  }
0x3e: {  	v54 =	vld [tilespmem:$0x10520]  }
0x3f: {  	v55 =	vld [tilespmem:$0x10530]  }
0x40: {  	v62 =	vld [tilespmem:$0x10540];
	v8 =	vadd.s32 v8, v12;
	v9 =	vadd.s32 v9, v13;
	v10 =	vadd.s32 v10, v14  }
0x41: {  	v63 =	vld [tilespmem:$0x10580];
	v11 =	vadd.s32 v11, v15;
	v8 =	vadd.s32 v16, v8;
	v9 =	vadd.s32 v17, v9  }
0x42: {  	v56 =	vld [tilespmem:$0x105C0];
	v10 =	vadd.s32 v18, v10;
	v11 =	vadd.s32 v19, v11;
	v8 =	vadd.s32 v20, v8  }
0x43: {  	v57 =	vld [tilespmem:$0x105D0];
	v9 =	vadd.s32 v21, v9;
	v10 =	vadd.s32 v22, v10;
	v11 =	vadd.s32 v23, v11  }
0x44: {  	v58 =	vld [tilespmem:$0x105E0];
	v8 =	vadd.s32 v24, v8;
	v9 =	vadd.s32 v25, v9;
	v10 =	vadd.s32 v26, v10  }
0x45: {  	v59 =	vld [tilespmem:$0x105F0];
	v11 =	vadd.s32 v27, v11;
	v8 =	vadd.s32 v28, v8;
	v9 =	vadd.s32 v29, v9  }
0x46: {  	v60 =	vld [tilespmem:$0x10600];
	v10 =	vadd.s32 v30, v10;
	v11 =	vadd.s32 v31, v11;
	v8 =	vadd.s32 v32, v8  }
0x47: {  	v61 =	vld [tilespmem:$0x10610];
	v9 =	vadd.s32 v33, v9;
	v10 =	vadd.s32 v34, v10;
	v11 =	vadd.s32 v35, v11  }
0x48: {  	v13 =	vld [tilespmem:$0x10550];
	v8 =	vadd.s32 v36, v8;
	v9 =	vadd.s32 v37, v9;
	v10 =	vadd.s32 v38, v10  }
0x49: {  	v14 =	vld [tilespmem:$0x10560];
	v11 =	vadd.s32 v39, v11;
	v8 =	vadd.s32 v40, v8;
	v9 =	vadd.s32 v41, v9  }
0x4a: {  	v15 =	vld [tilespmem:$0x10570];
	v10 =	vadd.s32 v42, v10;
	v11 =	vadd.s32 v43, v11;
	v8 =	vadd.s32 v44, v8  }
0x4b: {  	v29 =	vld [tilespmem:$0x10590];
	v9 =	vadd.s32 v45, v9;
	v10 =	vadd.s32 v46, v10;
	v11 =	vadd.s32 v47, v11  }
0x4c: {  	v32 =	vld [tilespmem:$0x105A0];
	v8 =	vadd.s32 v48, v8;
	v9 =	vadd.s32 v49, v9;
	v10 =	vadd.s32 v50, v10  }
0x4d: {  	v35 =	vld [tilespmem:$0x105B0];
	v11 =	vadd.s32 v51, v11;
	v8 =	vadd.s32 v52, v8;
	v9 =	vadd.s32 v53, v9  }
0x4e: {  	v10 =	vadd.s32 v54, v10;
	v11 =	vadd.s32 v55, v11;
	v8 =	vadd.s32 v62, v8;
	v62 =	vld [tilespmem:$0x10620]  }
0x4f: {  	v9 =	vadd.s32 v13, v9;
	v10 =	vadd.s32 v14, v10;
	v8 =	vadd.s32 v63, v8;
	v63 =	vld [tilespmem:$0x10630]  }
0x50: {  	v11 =	vadd.s32 v15, v11;
	v9 =	vadd.s32 v29, v9;
	v8 =	vadd.s32 v56, v8  }
0x51: {  	v10 =	vadd.s32 v32, v10;
	v9 =	vadd.s32 v57, v9;
	v8 =	vadd.s32 v60, v8  }
0x52: {  	v11 =	vadd.s32 v35, v11;
	v10 =	vadd.s32 v58, v10;
	v9 =	vadd.s32 v61, v9;
	[tilespmem:$0x12680] =	vst v8  }
0x53: {  	s20 =	sadd.s32 $0x1, s20;
	v8 =	vadd.s32 v59, v11;
	[tilespmem:$0x12690] =	vst v9;
	v10 =	vadd.s32 v62, v10  }
0x54: {  	p0 =	sne.s32 s20, s11;
	v8 =	vadd.s32 v63, v8;
	[tilespmem:$0x126A0] =	vst v10  }
.Ltmp1:
0x55: {  	[tilespmem:$0x126B0] =	vst v8;
	(pc) =	sbr.rel @!p0 .LBB2_16-.Ltmp1, $4  }
0x56: {  	[hbm4b:s10+s1] =	stream.linear.scatter [tilespmem:s19], [sflag:$0x1], $0x40, $0x38;
	[tilespmem:$0x126C0] =	vst v63  }
0x57: {  	_ =	swait.ge [sflag:s13], $0x40  }
0x58: {  	[sflag:s13] =	ssyncset.done $0x0  }
0x59: {  	[sflag:s13] =	ssyncadd.s32 $0xFFFFFFC0  }
.LBB2_1:
0x5a: {  	[tilespmem:s12], [sflag:$0x1] =	stream.linear.gather [hbm4b:s3+s1], $0x1B0, $0x38;
	[tilespmem:$0x126C0] =	vst v63  }
0x5b: {  	_ =	swait.ge [sflag:s13], $0x1B0  }
0x5c: {  	[sflag:s13] =	ssyncset.done $0x0  }
0x5d: {  	[sflag:s13] =	ssyncadd.s32 $0xFFFFFE50  }
0x5e: {  	[tilespmem:s14], [sflag:$0x1] =	stream.linear.gather [hbm4b:s4+s1], $0x70, $0x38;
	[tilespmem:$0x126C0] =	vst v63  }
0x5f: {  	_ =	swait.ge [sflag:s13], $0x70  }
0x60: {  	[sflag:s13] =	ssyncset.done $0x0  }
0x61: {  	[sflag:s13] =	ssyncadd.s32 $0xFFFFFF90  }
0x62: {  	[tilespmem:s15], [sflag:$0x1] =	stream.linear.gather [hbm4b:s5+s1], $0x10, $0x38;
	[tilespmem:$0x126C0] =	vst v63  }
0x63: {  	_ =	swait.ge [sflag:s13], $0x10  }
0x64: {  	[sflag:s13] =	ssyncset.done $0x0  }
0x65: {  	[sflag:s13] =	ssyncadd.s32 $0xFFFFFFF0  }
0x66: {  	[tilespmem:s16], [sflag:$0x1] =	stream.linear.gather [hbm4b:s6+s1], $0x10, $0x38;
	[tilespmem:$0x126C0] =	vst v63  }
0x67: {  	_ =	swait.ge [sflag:s13], $0x10  }
0x68: {  	[sflag:s13] =	ssyncset.done $0x0  }
0x69: {  	[sflag:s13] =	ssyncadd.s32 $0xFFFFFFF0  }
0x6a: {  	v15 =	vld [tilespmem:$0x10220]  }
0x6b: {  	v18 =	vld [tilespmem:$0x10230];
	[tilespmem:s1], [sflag:$0x1] =	stream.linear.gather [hbm4b:s7+s1], $0x10000, $0x38  }
0x6c: {  	_ =	swait.ge [sflag:s13], $0x10000  }
0x6d: {  	[sflag:s13] =	ssyncset.done $0x0  }
0x6e: {  	[sflag:s13] =	ssyncadd.s32 $0xFFFF0000  }
0x6f: {  	[tilespmem:$0x10240] =	vst v0  }
0x70: {  	[tilespmem:$0x10250] =	vst v0  }
0x71: {  	[tilespmem:$0x10260] =	vst v0  }
0x72: {  	[tilespmem:$0x10270] =	vst v0  }
0x73: {  	[tilespmem:$0x10280] =	vst v0  }
0x74: {  	[tilespmem:$0x10290] =	vst v0  }
0x75: {  	[tilespmem:$0x102A0] =	vst v0  }
0x76: {  	[tilespmem:$0x102B0] =	vst v0  }
0x77: {  	[tilespmem:$0x102C0] =	vst v0  }
0x78: {  	[tilespmem:$0x102D0] =	vst v0  }
0x79: {  	[tilespmem:$0x102E0] =	vst v0  }
0x7a: {  	[tilespmem:$0x102F0] =	vst v0  }
0x7b: {  	[tilespmem:$0x10300] =	vst v0  }
0x7c: {  	[tilespmem:$0x10310] =	vst v0  }
0x7d: {  	[tilespmem:$0x10320] =	vst v0  }
0x7e: {  	[tilespmem:$0x10330] =	vst v0  }
0x7f: {  	[tilespmem:$0x10340] =	vst v0  }
0x80: {  	[tilespmem:$0x10350] =	vst v0  }
0x81: {  	[tilespmem:$0x10360] =	vst v0  }
0x82: {  	[tilespmem:$0x10370] =	vst v0  }
0x83: {  	[tilespmem:$0x10380] =	vst v0  }
0x84: {  	[tilespmem:$0x10390] =	vst v0  }
0x85: {  	[tilespmem:$0x103A0] =	vst v0  }
0x86: {  	[tilespmem:$0x103B0] =	vst v0  }
0x87: {  	[tilespmem:$0x103C0] =	vst v0  }
0x88: {  	[tilespmem:$0x103D0] =	vst v0  }
0x89: {  	[tilespmem:$0x103E0] =	vst v0  }
0x8a: {  	[tilespmem:$0x103F0] =	vst v0  }
0x8b: {  	[tilespmem:$0x10400] =	vst v0  }
0x8c: {  	[tilespmem:$0x10410] =	vst v0  }
0x8d: {  	[tilespmem:$0x10420] =	vst v0  }
0x8e: {  	[tilespmem:$0x10430] =	vst v0  }
0x8f: {  	[tilespmem:$0x10440] =	vst v0  }
0x90: {  	[tilespmem:$0x10450] =	vst v0  }
0x91: {  	[tilespmem:$0x10460] =	vst v0  }
0x92: {  	[tilespmem:$0x10470] =	vst v0  }
0x93: {  	[tilespmem:$0x10480] =	vst v0  }
0x94: {  	[tilespmem:$0x10490] =	vst v0  }
0x95: {  	[tilespmem:$0x104A0] =	vst v0  }
0x96: {  	[tilespmem:$0x104B0] =	vst v0  }
0x97: {  	[tilespmem:$0x104C0] =	vst v0  }
0x98: {  	[tilespmem:$0x104D0] =	vst v0  }
0x99: {  	[tilespmem:$0x104E0] =	vst v0  }
0x9a: {  	[tilespmem:$0x104F0] =	vst v0  }
0x9b: {  	[tilespmem:$0x10500] =	vst v0  }
0x9c: {  	[tilespmem:$0x10510] =	vst v0  }
0x9d: {  	[tilespmem:$0x10520] =	vst v0  }
0x9e: {  	[tilespmem:$0x10530] =	vst v0  }
0x9f: {  	[tilespmem:$0x10540] =	vst v0  }
0xa0: {  	[tilespmem:$0x10550] =	vst v0  }
0xa1: {  	[tilespmem:$0x10560] =	vst v0  }
0xa2: {  	[tilespmem:$0x10570] =	vst v0  }
0xa3: {  	[tilespmem:$0x10580] =	vst v0  }
0xa4: {  	[tilespmem:$0x10590] =	vst v0  }
0xa5: {  	[tilespmem:$0x105A0] =	vst v0  }
0xa6: {  	[tilespmem:$0x105B0] =	vst v0  }
0xa7: {  	[tilespmem:$0x105C0] =	vst v0  }
0xa8: {  	[tilespmem:$0x105D0] =	vst v0  }
0xa9: {  	[tilespmem:$0x105E0] =	vst v0  }
0xaa: {  	[tilespmem:$0x105F0] =	vst v0  }
0xab: {  	[tilespmem:$0x10600] =	vst v0  }
0xac: {  	[tilespmem:$0x10610] =	vst v0  }
0xad: {  	[tilespmem:$0x10620] =	vst v0  }
0xae: {  	s21 =	simm.s32 $0x0;
	[tilespmem:$0x10630] =	vst v0  }
.LBB2_2:
0xaf: {  	s22 =	sshra.s32 s21, $0x2  }
0xb0: {  	v8 =	vld [tilespmem:s22+$0x0]  }
0xb1: {  	v9 =	vld [tilespmem:s22+$0x1000]  }
0xb2: {  	v10 =	vld [tilespmem:s22+$0x2000]  }
0xb3: {  	v11 =	vld [tilespmem:s22+$0x3000]  }
0xb4: {  	v12 =	vld [tilespmem:s22+$0x4000]  }
0xb5: {  	v13 =	vld [tilespmem:s22+$0x5000]  }
0xb6: {  	v14 =	vld [tilespmem:s22+$0x6000]  }
0xb7: {  	v16 =	vld [tilespmem:s22+$0x7000]  }
0xb8: {  	v19 =	vld [tilespmem:s22+$0x9000]  }
0xb9: {  	v53 =	vld [tilespmem:s22+$0xE000]  }
0xba: {  	v56 =	vld [tilespmem:s22+$0xF000]  }
0xbb: {  	v17 =	vld [tilespmem:s22+$0x8000]  }
0xbc: {  	v21 =	vld [tilespmem:s22+$0xB000]  }
0xbd: {  	v20 =	vld [tilespmem:s22+$0xA000];
	v9 =	vshll.u32 v9, $0x8  }
0xbe: {  	v23 =	vld [tilespmem:s22+$0xD000];
	v52 =	vshll.u32 v10, $0x10;
	v54 =	vshll.u32 v11, $0x18;
	v55 =	vshll.u32 v13, $0x8  }
0xbf: {  	v22 =	vld [tilespmem:s22+$0xC000];
	v13 =	vshll.u32 v19, $0x8;
	v10 =	vshll.u32 v53, $0x10;
	v11 =	vshll.u32 v56, $0x18  }
0xc0: {  	v8 =	vor.u32 v8, v9;
	v9 =	vor.u32 v12, v55;
	v12 =	vshll.u32 v14, $0x10  }
0xc1: {  	v14 =	vshll.u32 v16, $0x18;
	v16 =	vshll.u32 v21, $0x18;
	v8 =	vor.u32 v52, v8  }
0xc2: {  	v9 =	vor.u32 v12, v9;
	v12 =	vor.u32 v17, v13;
	v13 =	vshll.u32 v20, $0x10  }
0xc3: {  	v8 =	vor.u32 v54, v8;
	v12 =	vor.u32 v13, v12;
	v13 =	vshll.u32 v23, $0x8  }
0xc4: {  	v9 =	vor.u32 v14, v9;
	v13 =	vor.u32 v22, v13;
	v12 =	vor.u32 v16, v12  }
0xc5: {  	v14 =	vmul.u32 $0xAEECCA83, v9;
	v10 =	vor.u32 v10, v13;
	v13 =	vmul.u32 $0xAEECCA83, v8  }
0xc6: {  	v57 =	vmul.u32 $0xAEECCA83, v12;
	v10 =	vor.u32 v11, v10  }
0xc7: {  	v13 =	vxor.u32 v13, v14;
	v14 =	vmul.u32 $0xAEECCA83, v10  }
0xc8: {  	v11 =	vxor.u32 v57, v13  }
0xc9: {  	v11 =	vxor.u32 v14, v11  }
0xca: {  	v13 =	vmulhi.u32 $0xD41D41D5, v11;
	_ =	sdelay $0x1  }
0xcb: {  	v14 =	vsub.s32 v11, v13  }
0xcc: {  	v14 =	vshrl.u32 v14, $0x1  }
0xcd: {  	v13 =	vadd.s32 v13, v14  }
0xce: {  	v13 =	vshrl.u32 v13, $0x5  }
0xcf: {  	v13 =	vmul.u32 $0x23, v13;
	_ =	sdelay $0x1  }
0xd0: {  	v11 =	vsub.s32 v11, v13  }
0xd1: {  	v13 =	vmul.u32 $0xC, v11  }
0xd2: {  	v11 =	vmul.u32 $0x3, v11;
	_ =	sdelay $0x1  }
0xd3: {  	v14 =	vor.u32 $0x1, v13  }
0xd4: {  	v16 =	vor.u32 $0x2, v13  }
0xd5: {  	v17 =	vor.u32 $0x3, v13  }
0xd6: {  	v20 =	vadd.s32 $0x4, v13;
	v19 =	vld.idx.msk [tilespmem:v13+s12+$0x0], $0xffff  }
0xd7: {  	v58 =	vadd.s32 $0x5, v13;
	v26 =	vld.idx.msk [tilespmem:v11+s14+$0x0], $0xffff  }
0xd8: {  	v59 =	vadd.s32 $0x6, v13;
	v60 =	vadd.s32 $0x8, v13;
	v14 =	vld.idx.msk [tilespmem:v14+s12+$0x0], $0xffff  }
0xd9: {  	v24 =	vadd.s32 $0x7, v13;
	v25 =	vand.u32 $0x4, v13;
	v23 =	vand.u32 $0x7F8, v60;
	v16 =	vld.idx.msk [tilespmem:v16+s12+$0x0], $0xffff  }
0xda: {  	v23 =	vor.u32 v25, v23;
	v17 =	vld.idx.msk [tilespmem:v17+s12+$0x0], $0xffff  }
0xdb: {  	v61 =	vadd.s32 $0x9, v13;
	v20 =	vld.idx.msk [tilespmem:v20+s12+$0x0], $0xffff  }
0xdc: {  	v27 =	vadd.s32 $0xA, v13;
	v21 =	vld.idx.msk [tilespmem:v58+s12+$0x0], $0xffff  }
0xdd: {  	v13 =	vadd.s32 $0xB, v13;
	v22 =	vld.idx.msk [tilespmem:v59+s12+$0x0], $0xffff  }
0xde: {  	v28 =	vadd.s32 $0x1, v11;
	v24 =	vld.idx.msk [tilespmem:v24+s12+$0x0], $0xffff  }
0xdf: {  	v11 =	vadd.s32 $0x2, v11;
	v23 =	vld.idx.msk [tilespmem:v23+s12+$0x0], $0xffff  }
0xe0: {  	vm1 =	veq.s32 v9, v14;
	v14 =	vld.idx.msk [tilespmem:v61+s12+$0x0], $0xffff  }
0xe1: {  	vm2 =	veq.s32 v12, v16;
	v16 =	vld.idx.msk [tilespmem:v27+s12+$0x0], $0xffff  }
0xe2: {  	vm0 =	veq.s32 v8, v19;
	v13 =	vld.idx.msk [tilespmem:v13+s12+$0x0], $0xffff;
	vm7 =	veq.s32 v10, v17;
	vm8 =	veq.s32 v8, v20  }
0xe3: {  	v17 =	vld.idx.msk [tilespmem:v28+s14+$0x0], $0xffff;
	vm3 =	veq.s32 v9, v21;
	vm10 =	veq.s32 v12, v22;
	vm0 =	vmand vm0, vm1  }
0xe4: {  	v11 =	vld.idx.msk [tilespmem:v11+s14+$0x0], $0xffff;
	vm4 =	veq.s32 v10, v24;
	vm9 =	vmand vm8, vm3;
	vm0 =	vmand vm0, vm2  }
0xe5: {  	vm1 =	vmand vm9, vm10;
	vm11 =	veq.s32 v8, v23;
	vm12 =	veq.s32 v9, v14  }
0xe6: {  	vm0 =	vmand vm0, vm7;
	vm13 =	veq.s32 v12, v16;
	vm2 =	vmand vm11, vm12  }
0xe7: {  	vm1 =	vmand vm1, vm4;
	vm14 =	veq.s32 v10, v13;
	vm2 =	vmand vm2, vm13  }
0xe8: {  	v8 =	vnsel vm0, $0x0, v26;
	v62 =	vnsel vm1, $0x0, v17;
	vm15 =	vmand vm2, vm14  }
0xe9: {  	v8 =	vadd.s32 v8, v62;
	v63 =	vnsel vm15, $0x0, v11  }
0xea: {  	v8 =	vadd.s32 v63, v8  }
0xeb: {  	v9 =	vadd.s32 v3, v8  }
0xec: {  	p0 =	sne.s32 s21, $0x3FC0  }
.Ltmp2:
0xed: {  	_ = 	snop;
	(pc) =	sbr.rel @p0 .LBB2_2-.Ltmp2, $3  }
0xee: {  	_ =	sdelay $0x1  }
0xef: {  	[tilespmem:v9+s17+$0x0] =	vst.idx.add.s32.msk $0xffff, v2  }
0xf0: {  	s21 =	sadd.s32 $0x40, s21;
	[tilespmem:s22+$0x11680] =	vst v8  }
0xf1: {  	s21 =	simm.s32 $0x0  }
0xf2: {  	v8 =	vld [tilespmem:s21+$0x11680];
	_ =	sdelay $0x4  }
0xf3: {  	vm0 =	vlt.s32 v8, $0x21  }
0xf4: {  	v9 =	vsel vm0, $0x1, v0  }
0xf5: {  	(xrf0) =	vadd.scan.msk.s32 $0xffff, v9;
	_ =	sdelay $0x5  }
0xf6: {  	v9, _, _ =	vpop (xrf0)  }
0xf7: {  	s21 =	simm.s32 $0x0;
	(v2sf) =	vpush v9, $0xF  }
0xf8: {  	s23 =	simm.s32 $0x10;
	s22 =	simm.s32 $0x80;
	[tilespmem:s21+$0x10640] =	vst.msk vm0, v8  }
.LBB2_4:
0xf9: {  	p0 =	sne.s32 s22, $0x3FC0;
	v8 =	vld [tilespmem:s23+$0x11680];
	_ =	sdelay $0x4  }
0xfa: {  	vm0 =	vlt.s32 v8, $0x21  }
0xfb: {  	v9 =	vsel vm0, $0x1, v0  }
0xfc: {  	(xrf0) =	vadd.scan.msk.s32 $0xffff, v9;
	_ =	sdelay $0x3  }
.Ltmp3:
0xfd: {  	(pc) =	sbr.rel @p0 .LBB2_4-.Ltmp3, $4  }
0xfe: {  	_ = 	snop  }
0xff: {  	v9, _, _ =	vpop (xrf0);
	s23 =	spop (v2sf)  }
0x100: {  	(v2sf) =	vpush v9, $0xF;
	s21 =	sadd.s32 s21, s23  }
0x101: {  	s23 =	sshra.s32 s22, $0x2;
	s22 =	sadd.s32 $0x40, s22;
	[tilespmem:s21+$0x10640] =	vst.msk vm0, v8  }
0x102: {  	v17 =	vld [tilespmem:s23+$0x11680];
	_ =	sdelay $0x4  }
0x103: {  	vm0 =	vlt.s32 v17, $0x21  }
0x104: {  	v8 =	vsel vm0, $0x1, v0  }
0x105: {  	(xrf0) =	vadd.scan.msk.s32 $0xffff, v8;
	_ =	sdelay $0x5  }
0x106: {  	v8, _, _ =	vpop (xrf0)  }
0x107: {  	(v2sf) =	vpush v8, $0xF;
	_ =	sdelay $0xd  }
0x108: {  	s22 =	spop (v2sf)  }
0x109: {  	s28 =	sadd.s32 s21, s22;
	s29 =	spop (v2sf)  }
0x10a: {  	s21 =	sadd.s32 s28, s29  }
0x10b: {  	s22 =	sadd.s32 $0xFFFFFFFF, s21  }
0x10c: {  	p0 =	sgt.s32 s22, $0x0  }
0x10d: {  	s22 =	simm.s32 @!p0 $0x0  }
0x10e: {  	s30 =	sadd.s32 $0x1F, s22  }
0x10f: {  	s24 =	sand.u32 $0x1F, s30  }
0x110: {  	s31 =	sshra.s32 s30, $0x1F;
	p1 =	slt.s32 s30, $0x0;
	p6 =	sne.s32 s24, $0x0  }
0x111: {  	s24 =	sshrl.u32 s31, $0x1B;
	p0 =	por !p1, !p6  }
0x112: {  	s21 =	sadd.s32 s24, s30;
	s24 =	simm.s32 $0x1;
	p0 =	por !p0, !p0  }
0x113: {  	s21 =	sshra.s32 s21, $0x5;
	s24 =	simm.s32 @!p0 $0x0  }
0x114: {  	s21 =	ssub.s32 s21, s24  }
0x115: {  	v9 =	vbroadcast v15, $0x2;
	v10 =	vbroadcast v15, $0x4;
	p0 =	slt.s32 s21, $0x1  }
.Ltmp4:
0x116: {  	v11 =	vbroadcast v15, $0x6;
	v12 =	vbroadcast v15, $0x1;
	(pc) =	sbr.rel @p0 .LBB2_8-.Ltmp4, $4  }
0x117: {  	v13 =	vbroadcast v15, $0x3;
	v14 =	vbroadcast v15, $0x5  }
0x118: {  	v19 =	vbroadcast v18, $0x1;
	v16 =	vbroadcast v18, $0x0  }
0x119: {  	v8 =	vbroadcast v15, $0x0;
	v15 =	vbroadcast v15, $0x7  }
0x11a: {  	v19 =	vadd.s32 v3, v19;
	[tilespmem:s28+$0x10640] =	vst.msk vm0, v17;
	v17 =	vbroadcast v18, $0x2;
	v18 =	vbroadcast v18, $0x3  }
0x11b: {  	v20 =	vmov s22;
	s22 =	simm.s32 $0x10  }
.LBB2_7:
0x11c: {  	s23 =	sadd.s32 $0xFFFFFFF0, s22  }
0x11d: {  	v23 =	vor.u32 s23, v5  }
0x11e: {  	v21 =	vor.u32 s23, v1  }
0x11f: {  	v22 =	vand.u32 v4, v21;
	_ =	sdelay $0x2  }
0x120: {  	v23 =	vld.idx.msk [tilespmem:v23+s18+$0x0], $0xffff;
	_ =	sdelay $0x1  }
0x121: {  	v22 =	vld.idx.msk [tilespmem:v22+s18+$0x0], $0xffff;
	_ =	sdelay $0x2  }
0x122: {  	vm1 =	veq.s32 v23, v12  }
0x123: {  	vm2 =	veq.s32 v23, v13;
	vm4 =	veq.s32 v23, v14;
	vm10 =	veq.s32 v23, v15  }
0x124: {  	vm0 =	veq.s32 v22, v8;
	vm15 =	veq.s32 v22, v9;
	vm3 =	veq.s32 v22, v10  }
0x125: {  	vm9 =	veq.s32 v22, v11;
	vm0 =	vmand vm0, vm1;
	vm7 =	vmand vm15, vm2  }
0x126: {  	vm8 =	vmand vm3, vm4;
	v24 =	vnsel vm0, $0x0, v16;
	v22 =	vsel vm7, v19, v3  }
0x127: {  	vm11 =	vmand vm9, vm10;
	v23 =	vnsel vm8, $0x0, v17;
	v22 =	vadd.s32 v24, v22  }
0x128: {  	vm12 =	vlt.s32 v21, v20;
	v21 =	vnsel vm11, $0x0, v18;
	v22 =	vadd.s32 v23, v22  }
0x129: {  	v23 =	vadd.s32 s22, v5;
	v21 =	vadd.s32 v21, v22;
	v22 =	vor.u32 s22, v1  }
0x12a: {  	v23 =	vand.u32 $0xFFFFFFF8, v23;
	v62 =	vand.u32 v6, v22  }
0x12b: {  	v23 =	vor.u32 v7, v23;
	_ =	sdelay $0x2  }
0x12c: {  	[tilespmem:v21+s17+$0x0] =	vst.idx.add.s32.msk vm12, v2  }
0x12d: {  	v21 =	vld.idx.msk [tilespmem:v62+s18+$0x0], $0xffff  }
0x12e: {  	v23 =	vld.idx.msk [tilespmem:v23+s18+$0x0], $0xffff;
	_ =	sdelay $0x3  }
0x12f: {  	vm13 =	veq.s32 v21, v8  }
0x130: {  	vm14 =	veq.s32 v23, v12;
	vm15 =	veq.s32 v21, v9;
	vm8 =	veq.s32 v23, v13  }
0x131: {  	vm9 =	veq.s32 v21, v10;
	vm10 =	veq.s32 v23, v14;
	vm12 =	veq.s32 v21, v11  }
0x132: {  	vm0 =	vmand vm13, vm14;
	vm1 =	vmand vm15, vm8;
	vm11 =	vmand vm9, vm10  }
0x133: {  	vm13 =	veq.s32 v23, v15;
	v63 =	vnsel vm0, $0x0, v16;
	v21 =	vsel vm1, v19, v3  }
0x134: {  	v23 =	vnsel vm11, $0x0, v17;
	vm14 =	vmand vm12, vm13;
	v21 =	vadd.s32 v63, v21  }
0x135: {  	vm15 =	vlt.s32 v22, v20;
	v22 =	vnsel vm14, $0x0, v18;
	v21 =	vadd.s32 v23, v21  }
0x136: {  	p0 =	sne.s32 s21, $0x1;
	v21 =	vadd.s32 v22, v21  }
.Ltmp5:
0x137: {  	_ = 	snop;
	(pc) =	sbr.rel @p0 .LBB2_7-.Ltmp5, $2  }
0x138: {  	_ =	sdelay $0x2  }
0x139: {  	s21 =	sadd.s32 $0xFFFFFFFF, s21;
	s22 =	sadd.s32 $0x20, s22;
	[tilespmem:v21+s17+$0x0] =	vst.idx.add.s32.msk vm15, v2  }
.LBB2_8:
0x13a: {  	v20 =	vld [tilespmem:$0x10240]  }
0x13b: {  	v21 =	vld [tilespmem:$0x10250]  }
0x13c: {  	v22 =	vld [tilespmem:$0x10260]  }
0x13d: {  	v23 =	vld [tilespmem:$0x10270]  }
0x13e: {  	v24 =	vld [tilespmem:$0x10280]  }
0x13f: {  	v25 =	vld [tilespmem:$0x10290]  }
0x140: {  	v26 =	vld [tilespmem:$0x102A0]  }
0x141: {  	v27 =	vld [tilespmem:$0x102B0]  }
0x142: {  	v28 =	vld [tilespmem:$0x102C0]  }
0x143: {  	v29 =	vld [tilespmem:$0x102D0]  }
0x144: {  	v30 =	vld [tilespmem:$0x102E0]  }
0x145: {  	v31 =	vld [tilespmem:$0x102F0]  }
0x146: {  	v32 =	vld [tilespmem:$0x10300]  }
0x147: {  	v33 =	vld [tilespmem:$0x10310]  }
0x148: {  	v34 =	vld [tilespmem:$0x10320]  }
0x149: {  	v35 =	vld [tilespmem:$0x10330]  }
0x14a: {  	v36 =	vld [tilespmem:$0x10340]  }
0x14b: {  	v37 =	vld [tilespmem:$0x10350]  }
0x14c: {  	v38 =	vld [tilespmem:$0x10360]  }
0x14d: {  	v39 =	vld [tilespmem:$0x10370]  }
0x14e: {  	v40 =	vld [tilespmem:$0x10380]  }
0x14f: {  	v41 =	vld [tilespmem:$0x10390]  }
0x150: {  	v42 =	vld [tilespmem:$0x103A0]  }
0x151: {  	v43 =	vld [tilespmem:$0x103B0]  }
0x152: {  	v44 =	vld [tilespmem:$0x103C0]  }
0x153: {  	v45 =	vld [tilespmem:$0x103D0]  }
0x154: {  	v46 =	vld [tilespmem:$0x103E0]  }
0x155: {  	v47 =	vld [tilespmem:$0x103F0]  }
0x156: {  	v48 =	vld [tilespmem:$0x10400]  }
0x157: {  	v49 =	vld [tilespmem:$0x10410]  }
0x158: {  	v50 =	vld [tilespmem:$0x10420]  }
0x159: {  	v51 =	vld [tilespmem:$0x10430]  }
0x15a: {  	v52 =	vld [tilespmem:$0x10440]  }
0x15b: {  	v53 =	vld [tilespmem:$0x10450]  }
0x15c: {  	v54 =	vld [tilespmem:$0x10460]  }
0x15d: {  	v55 =	vld [tilespmem:$0x10470]  }
0x15e: {  	v56 =	vld [tilespmem:$0x10480]  }
0x15f: {  	v57 =	vld [tilespmem:$0x10490]  }
0x160: {  	v58 =	vld [tilespmem:$0x104A0]  }
0x161: {  	v63 =	vld [tilespmem:$0x104F0]  }
0x162: {  	v59 =	vld [tilespmem:$0x104B0]  }
0x163: {  	v60 =	vld [tilespmem:$0x104C0]  }
0x164: {  	v61 =	vld [tilespmem:$0x104D0]  }
0x165: {  	v62 =	vld [tilespmem:$0x104E0]  }
0x166: {  	[tilespmem:$0x1FFC0] =	vst v63;
	v63 =	vld [tilespmem:$0x10500]  }
0x167: {  	v20 =	vadd.s32 v20, v24;
	v24 =	vld [tilespmem:$0x10540]  }
0x168: {  	v21 =	vadd.s32 v21, v25;
	v25 =	vld [tilespmem:$0x10550]  }
0x169: {  	v22 =	vadd.s32 v22, v26;
	v26 =	vld [tilespmem:$0x10560]  }
0x16a: {  	v23 =	vadd.s32 v23, v27;
	v27 =	vld [tilespmem:$0x10570]  }
0x16b: {  	v20 =	vadd.s32 v28, v20;
	v21 =	vadd.s32 v29, v21;
	v28 =	vld [tilespmem:$0x10580]  }
0x16c: {  	v22 =	vadd.s32 v30, v22;
	v23 =	vadd.s32 v31, v23;
	v29 =	vld [tilespmem:$0x10590];
	v21 =	vadd.s32 v33, v21  }
0x16d: {  	v30 =	vld [tilespmem:$0x105A0];
	v20 =	vadd.s32 v32, v20;
	v22 =	vadd.s32 v34, v22;
	v21 =	vadd.s32 v37, v21  }
0x16e: {  	v23 =	vadd.s32 v35, v23;
	v22 =	vadd.s32 v38, v22;
	v21 =	vadd.s32 v41, v21;
	[tilespmem:$0x1FFD0] =	vst v63;
	v63 =	vld [tilespmem:$0x10510]  }
0x16f: {  	v31 =	vld [tilespmem:$0x105B0];
	v23 =	vadd.s32 v39, v23;
	v22 =	vadd.s32 v42, v22;
	v21 =	vadd.s32 v45, v21  }
0x170: {  	v23 =	vadd.s32 v43, v23;
	v22 =	vadd.s32 v46, v22;
	v21 =	vadd.s32 v49, v21;
	v49 =	vld [tilespmem:$0x105C0]  }
0x171: {  	v20 =	vadd.s32 v36, v20;
	v23 =	vadd.s32 v47, v23;
	v22 =	vadd.s32 v50, v22;
	v50 =	vld [tilespmem:$0x105D0]  }
0x172: {  	v20 =	vadd.s32 v40, v20;
	v23 =	vadd.s32 v51, v23;
	v51 =	vld [tilespmem:$0x105E0]  }
0x173: {  	v20 =	vadd.s32 v44, v20;
	[tilespmem:$0x1FFE0] =	vst v63;
	v63 =	vld [tilespmem:$0x10520]  }
0x174: {  	v20 =	vadd.s32 v48, v20;
	v23 =	vadd.s32 v55, v23;
	v55 =	vld [tilespmem:$0x1FFD0]  }
0x175: {  	v20 =	vadd.s32 v52, v20;
	v21 =	vadd.s32 v53, v21;
	v53 =	vld [tilespmem:$0x10600]  }
0x176: {  	v20 =	vadd.s32 v56, v20;
	v56 =	vld [tilespmem:$0x1FFE0]  }
0x177: {  	v22 =	vadd.s32 v54, v22;
	v54 =	vld [tilespmem:$0x1FFC0]  }
0x178: {  	v20 =	vadd.s32 v60, v20;
	[tilespmem:$0x1FFF0] =	vst v63;
	v63 =	vld [tilespmem:$0x10530]  }
0x179: {  	v21 =	vadd.s32 v57, v21;
	v22 =	vadd.s32 v58, v22;
	v20 =	vadd.s32 v55, v20;
	v58 =	vld [tilespmem:$0x1FFF0]  }
0x17a: {  	v52 =	vld [tilespmem:$0x105F0];
	v21 =	vadd.s32 v61, v21;
	v20 =	vadd.s32 v24, v20  }
0x17b: {  	v23 =	vadd.s32 v59, v23;
	v57 =	vld [tilespmem:$0x10610];
	v20 =	vadd.s32 v28, v20;
	v21 =	vadd.s32 v56, v21  }
0x17c: {  	v23 =	vadd.s32 v54, v23;
	v20 =	vadd.s32 v49, v20;
	v21 =	vadd.s32 v25, v21;
	v25 =	vld [tilespmem:$0x10630]  }
0x17d: {  	v22 =	vadd.s32 v62, v22;
	v24 =	vld [tilespmem:$0x10620];
	v20 =	vadd.s32 v53, v20;
	v23 =	vadd.s32 v63, v23  }
0x17e: {  	v21 =	vadd.s32 v29, v21;
	v22 =	vadd.s32 v58, v22;
	v23 =	vadd.s32 v27, v23  }
0x17f: {  	v21 =	vadd.s32 v50, v21;
	v22 =	vadd.s32 v26, v22;
	v23 =	vadd.s32 v31, v23  }
0x180: {  	[tilespmem:$0x12680] =	vst v20;
	v21 =	vadd.s32 v57, v21;
	v22 =	vadd.s32 v30, v22;
	v20 =	vadd.s32 v52, v23  }
0x181: {  	[tilespmem:$0x12690] =	vst v21;
	v22 =	vadd.s32 v51, v22;
	v20 =	vadd.s32 v25, v20  }
0x182: {  	v22 =	vadd.s32 v24, v22;
	[tilespmem:$0x126B0] =	vst v20  }
0x183: {  	s21 =	simm.s32 $0x0;
	[tilespmem:$0x126A0] =	vst v22  }
0x184: {  	[hbm4b:s8+s21] =	stream.linear.scatter [tilespmem:s19], [sflag:$0x1], $0x40, $0x38;
	[tilespmem:$0x126C0] =	vst v63  }
0x185: {  	_ =	swait.ge [sflag:s13], $0x40  }
0x186: {  	[sflag:s13] =	ssyncset.done $0x0  }
0x187: {  	[sflag:s13] =	ssyncadd.s32 $0xFFFFFFC0  }
0x188: {  	[tilespmem:s21], [sflag:$0x1] =	stream.linear.gather [hbm4b:s9+s21], $0x10000, $0x38;
	[tilespmem:$0x126C0] =	vst v63  }
0x189: {  	_ =	swait.ge [sflag:s13], $0x10000  }
0x18a: {  	[sflag:s13] =	ssyncset.done $0x0  }
0x18b: {  	[sflag:s13] =	ssyncadd.s32 $0xFFFF0000  }
0x18c: {  	[tilespmem:$0x10240] =	vst v0  }
0x18d: {  	[tilespmem:$0x10250] =	vst v0  }
0x18e: {  	[tilespmem:$0x10260] =	vst v0  }
0x18f: {  	[tilespmem:$0x10270] =	vst v0  }
0x190: {  	[tilespmem:$0x10280] =	vst v0  }
0x191: {  	[tilespmem:$0x10290] =	vst v0  }
0x192: {  	[tilespmem:$0x102A0] =	vst v0  }
0x193: {  	[tilespmem:$0x102B0] =	vst v0  }
0x194: {  	[tilespmem:$0x102C0] =	vst v0  }
0x195: {  	[tilespmem:$0x102D0] =	vst v0  }
0x196: {  	[tilespmem:$0x102E0] =	vst v0  }
0x197: {  	[tilespmem:$0x102F0] =	vst v0  }
0x198: {  	[tilespmem:$0x10300] =	vst v0  }
0x199: {  	[tilespmem:$0x10310] =	vst v0  }
0x19a: {  	[tilespmem:$0x10320] =	vst v0  }
0x19b: {  	[tilespmem:$0x10330] =	vst v0  }
0x19c: {  	[tilespmem:$0x10340] =	vst v0  }
0x19d: {  	[tilespmem:$0x10350] =	vst v0  }
0x19e: {  	[tilespmem:$0x10360] =	vst v0  }
0x19f: {  	[tilespmem:$0x10370] =	vst v0  }
0x1a0: {  	[tilespmem:$0x10380] =	vst v0  }
0x1a1: {  	[tilespmem:$0x10390] =	vst v0  }
0x1a2: {  	[tilespmem:$0x103A0] =	vst v0  }
0x1a3: {  	[tilespmem:$0x103B0] =	vst v0  }
0x1a4: {  	[tilespmem:$0x103C0] =	vst v0  }
0x1a5: {  	[tilespmem:$0x103D0] =	vst v0  }
0x1a6: {  	[tilespmem:$0x103E0] =	vst v0  }
0x1a7: {  	[tilespmem:$0x103F0] =	vst v0  }
0x1a8: {  	[tilespmem:$0x10400] =	vst v0  }
0x1a9: {  	[tilespmem:$0x10410] =	vst v0  }
0x1aa: {  	[tilespmem:$0x10420] =	vst v0  }
0x1ab: {  	[tilespmem:$0x10430] =	vst v0  }
0x1ac: {  	[tilespmem:$0x10440] =	vst v0  }
0x1ad: {  	[tilespmem:$0x10450] =	vst v0  }
0x1ae: {  	[tilespmem:$0x10460] =	vst v0  }
0x1af: {  	[tilespmem:$0x10470] =	vst v0  }
0x1b0: {  	[tilespmem:$0x10480] =	vst v0  }
0x1b1: {  	[tilespmem:$0x10490] =	vst v0  }
0x1b2: {  	[tilespmem:$0x104A0] =	vst v0  }
0x1b3: {  	[tilespmem:$0x104B0] =	vst v0  }
0x1b4: {  	[tilespmem:$0x104C0] =	vst v0  }
0x1b5: {  	[tilespmem:$0x104D0] =	vst v0  }
0x1b6: {  	[tilespmem:$0x104E0] =	vst v0  }
0x1b7: {  	[tilespmem:$0x104F0] =	vst v0  }
0x1b8: {  	[tilespmem:$0x10500] =	vst v0  }
0x1b9: {  	[tilespmem:$0x10510] =	vst v0  }
0x1ba: {  	[tilespmem:$0x10520] =	vst v0  }
0x1bb: {  	[tilespmem:$0x10530] =	vst v0  }
0x1bc: {  	[tilespmem:$0x10540] =	vst v0  }
0x1bd: {  	[tilespmem:$0x10550] =	vst v0  }
0x1be: {  	[tilespmem:$0x10560] =	vst v0  }
0x1bf: {  	[tilespmem:$0x10570] =	vst v0  }
0x1c0: {  	[tilespmem:$0x10580] =	vst v0  }
0x1c1: {  	[tilespmem:$0x10590] =	vst v0  }
0x1c2: {  	[tilespmem:$0x105A0] =	vst v0  }
0x1c3: {  	[tilespmem:$0x105B0] =	vst v0  }
0x1c4: {  	[tilespmem:$0x105C0] =	vst v0  }
0x1c5: {  	[tilespmem:$0x105D0] =	vst v0  }
0x1c6: {  	[tilespmem:$0x105E0] =	vst v0  }
0x1c7: {  	[tilespmem:$0x105F0] =	vst v0  }
0x1c8: {  	[tilespmem:$0x10600] =	vst v0  }
0x1c9: {  	[tilespmem:$0x10610] =	vst v0  }
0x1ca: {  	[tilespmem:$0x10620] =	vst v0  }
0x1cb: {  	s22 =	simm.s32 $0x0;
	[tilespmem:$0x10630] =	vst v0  }
0x1cc: {  	v20 =	vld [tilespmem:s22+$0xF000]  }
0x1cd: {  	v21 =	vld [tilespmem:s22+$0xE000]  }
0x1ce: {  	v22 =	vld [tilespmem:s22+$0xC000]  }
0x1cf: {  	v24 =	vld [tilespmem:s22+$0xB000]  }
0x1d0: {  	v23 =	vld [tilespmem:s22+$0xD000]  }
0x1d1: {  	v25 =	vld [tilespmem:s22+$0xA000]  }
0x1d2: {  	v26 =	vld [tilespmem:s22+$0x7000]  }
0x1d3: {  	v27 =	vld [tilespmem:s22+$0x3000]  }
0x1d4: {  	v28 =	vld [tilespmem:s22+$0x9000]  }
0x1d5: {  	v29 =	vld [tilespmem:s22+$0x6000]  }
0x1d6: {  	v30 =	vld [tilespmem:s22+$0x4000]  }
0x1d7: {  	v31 =	vld [tilespmem:s22+$0x2000]  }
0x1d8: {  	v59 =	vld [tilespmem:s22+$0x5000]  }
0x1d9: {  	v60 =	vld [tilespmem:s22+$0x1000]  }
0x1da: {  	v61 =	vld [tilespmem:s22+$0x0]  }
0x1db: {  	v62 =	vld [tilespmem:s22+$0x8000];
	v23 =	vshll.u32 v23, $0x8  }
0x1dc: {  	v21 =	vshll.u32 v21, $0x10;
	v20 =	vshll.u32 v20, $0x18;
	v28 =	vshll.u32 v28, $0x8  }
0x1dd: {  	v29 =	vshll.u32 v29, $0x10;
	v31 =	vshll.u32 v31, $0x10;
	v63 =	vor.u32 v22, v23  }
0x1de: {  	v23 =	vshll.u32 v25, $0x10;
	v22 =	vshll.u32 v24, $0x18;
	v24 =	vshll.u32 v27, $0x18  }
0x1df: {  	v25 =	vshll.u32 v26, $0x18;
	v26 =	vshll.u32 v60, $0x8;
	v27 =	vshll.u32 v59, $0x8  }
0x1e0: {  	v28 =	vor.u32 v62, v28;
	v26 =	vor.u32 v61, v26;
	v27 =	vor.u32 v30, v27  }
0x1e1: {  	s24 =	simm.s32 $0x40;
	s23 =	simm.s32 $0x0;
	v21 =	vor.u32 v21, v63;
	v26 =	vor.u32 v31, v26;
	v27 =	vor.u32 v29, v27  }
.LBB2_9:
0x1e2: {  	p0 =	sne.s32 s24, $0x3FC0;
	v24 =	vor.u32 v24, v26;
	v25 =	vor.u32 v25, v27;
	v23 =	vor.u32 v23, v28  }
0x1e3: {  	v22 =	vor.u32 v22, v23;
	v23 =	vmul.u32 $0xAEECCA83, v24;
	v26 =	vmul.u32 $0xAEECCA83, v25  }
0x1e4: {  	v20 =	vor.u32 v20, v21;
	v21 =	vmul.u32 $0xAEECCA83, v22  }
0x1e5: {  	v23 =	vxor.u32 v23, v26;
	v26 =	vmul.u32 $0xAEECCA83, v20  }
0x1e6: {  	v21 =	vxor.u32 v21, v23  }
0x1e7: {  	v21 =	vxor.u32 v26, v21  }
0x1e8: {  	v23 =	vmulhi.u32 $0xD41D41D5, v21;
	_ =	sdelay $0x1  }
0x1e9: {  	v26 =	vsub.s32 v21, v23  }
0x1ea: {  	v26 =	vshrl.u32 v26, $0x1  }
0x1eb: {  	v23 =	vadd.s32 v23, v26  }
0x1ec: {  	v23 =	vshrl.u32 v23, $0x5  }
0x1ed: {  	v23 =	vmul.u32 $0x23, v23;
	_ =	sdelay $0x1  }
0x1ee: {  	v21 =	vsub.s32 v21, v23  }
0x1ef: {  	v23 =	vmul.u32 $0xC, v21;
	_ =	sdelay $0x1  }
0x1f0: {  	v26 =	vadd.s32 $0xB, v23  }
0x1f1: {  	v27 =	vor.u32 $0x3, v23  }
0x1f2: {  	v28 =	vadd.s32 $0x7, v23  }
0x1f3: {  	v29 =	vadd.s32 $0xA, v23  }
0x1f4: {  	v31 =	vor.u32 $0x2, v23;
	v30 =	vld.idx.msk [tilespmem:v23+s12+$0x0], $0xffff  }
0x1f5: {  	v32 =	vadd.s32 $0x6, v23;
	v26 =	vld.idx.msk [tilespmem:v26+s12+$0x0], $0xffff  }
0x1f6: {  	v33 =	vadd.s32 $0x9, v23;
	v27 =	vld.idx.msk [tilespmem:v27+s12+$0x0], $0xffff  }
0x1f7: {  	v34 =	vor.u32 $0x1, v23;
	v28 =	vld.idx.msk [tilespmem:v28+s12+$0x0], $0xffff  }
0x1f8: {  	v35 =	vadd.s32 $0x4, v23;
	v36 =	vadd.s32 $0x8, v23;
	v29 =	vld.idx.msk [tilespmem:v29+s12+$0x0], $0xffff  }
0x1f9: {  	v37 =	vadd.s32 $0x5, v23;
	v36 =	vand.u32 $0x7F8, v36;
	v23 =	vand.u32 $0x4, v23;
	v31 =	vld.idx.msk [tilespmem:v31+s12+$0x0], $0xffff  }
0x1fa: {  	v23 =	vor.u32 v23, v36;
	v32 =	vld.idx.msk [tilespmem:v32+s12+$0x0], $0xffff  }
0x1fb: {  	v21 =	vmul.u32 $0x3, v21;
	v33 =	vld.idx.msk [tilespmem:v33+s12+$0x0], $0xffff  }
0x1fc: {  	v34 =	vld.idx.msk [tilespmem:v34+s12+$0x0], $0xffff  }
0x1fd: {  	v36 =	vadd.s32 $0x1, v21;
	v35 =	vld.idx.msk [tilespmem:v35+s12+$0x0], $0xffff  }
0x1fe: {  	v38 =	vadd.s32 $0x2, v21;
	v37 =	vld.idx.msk [tilespmem:v37+s12+$0x0], $0xffff  }
0x1ff: {  	v23 =	vld.idx.msk [tilespmem:v23+s12+$0x0], $0xffff;
	_ =	sdelay $0x1  }
0x200: {  	vm0 =	veq.s32 v24, v30;
	vm1 =	veq.s32 v20, v26;
	v21 =	vld.idx.msk [tilespmem:v21+s14+$0x0], $0xffff  }
0x201: {  	vm2 =	veq.s32 v20, v27;
	vm3 =	veq.s32 v20, v28;
	vm4 =	veq.s32 v22, v29;
	v26 =	vld.idx.msk [tilespmem:v36+s14+$0x0], $0xffff  }
0x202: {  	vm5 =	veq.s32 v22, v31;
	vm6 =	veq.s32 v22, v32;
	vm7 =	veq.s32 v25, v33;
	v20 =	vld.idx.msk [tilespmem:v38+s14+$0x0], $0xffff  }
0x203: {  	vm8 =	veq.s32 v25, v34;
	vm9 =	veq.s32 v24, v35;
	vm10 =	veq.s32 v25, v37  }
0x204: {  	vm0 =	vmand vm0, vm8;
	vm8 =	vmand vm9, vm10;
	vm9 =	veq.s32 v24, v23  }
0x205: {  	vm0 =	vmand vm0, vm5;
	vm5 =	vmand vm8, vm6;
	vm6 =	vmand vm9, vm7  }
0x206: {  	vm0 =	vmand vm0, vm2;
	vm2 =	vmand vm5, vm3;
	vm3 =	vmand vm6, vm4  }
0x207: {  	v21 =	vnsel vm0, $0x0, v21;
	v22 =	vnsel vm2, $0x0, v26;
	vm0 =	vmand vm3, vm1  }
0x208: {  	v21 =	vadd.s32 v21, v22;
	v20 =	vnsel vm0, $0x0, v20  }
0x209: {  	v20 =	vadd.s32 v20, v21  }
0x20a: {  	v21 =	vadd.s32 v3, v20;
	_ =	sdelay $0x4  }
0x20b: {  	s25 =	sshra.s32 s24, $0x2;
	[tilespmem:v21+s17+$0x0] =	vst.idx.add.s32.msk $0xffff, v2  }
0x20c: {  	v21 =	vld [tilespmem:s25+$0xF000];
	[tilespmem:s23+$0x11680] =	vst v20;
	s23 =	smov.u32 s25  }
0x20d: {  	v20 =	vld [tilespmem:s23+$0xE000]  }
0x20e: {  	v22 =	vld [tilespmem:s23+$0xC000]  }
0x20f: {  	v24 =	vld [tilespmem:s23+$0xB000]  }
0x210: {  	v23 =	vld [tilespmem:s23+$0xD000]  }
0x211: {  	v25 =	vld [tilespmem:s23+$0xA000]  }
0x212: {  	v26 =	vld [tilespmem:s23+$0x7000]  }
0x213: {  	v27 =	vld [tilespmem:s23+$0x3000]  }
0x214: {  	v28 =	vld [tilespmem:s23+$0x9000]  }
0x215: {  	v29 =	vld [tilespmem:s23+$0x6000]  }
0x216: {  	v30 =	vld [tilespmem:s23+$0x4000]  }
0x217: {  	v31 =	vld [tilespmem:s23+$0x2000]  }
0x218: {  	v32 =	vld [tilespmem:s23+$0x5000]  }
0x219: {  	v33 =	vld [tilespmem:s23+$0x1000]  }
0x21a: {  	v23 =	vshll.u32 v23, $0x8;
	v34 =	vld [tilespmem:s23+$0x0]  }
0x21b: {  	v37 =	vshll.u32 v20, $0x10;
	v20 =	vshll.u32 v21, $0x18;
	v36 =	vor.u32 v22, v23;
	v35 =	vld [tilespmem:s23+$0x8000]  }
.Ltmp6:
0x21c: {  	v23 =	vshll.u32 v25, $0x10;
	v22 =	vshll.u32 v24, $0x18;
	v21 =	vor.u32 v37, v36;
	(pc) =	sbr.rel @p0 .LBB2_9-.Ltmp6, $4  }
0x21d: {  	v25 =	vshll.u32 v26, $0x18;
	v24 =	vshll.u32 v27, $0x18;
	v28 =	vshll.u32 v28, $0x8  }
0x21e: {  	v29 =	vshll.u32 v29, $0x10;
	v27 =	vshll.u32 v32, $0x8;
	v26 =	vshll.u32 v33, $0x8  }
0x21f: {  	v31 =	vshll.u32 v31, $0x10;
	v27 =	vor.u32 v30, v27;
	v26 =	vor.u32 v34, v26  }
0x220: {  	s24 =	sadd.s32 $0x40, s24;
	v27 =	vor.u32 v29, v27;
	v26 =	vor.u32 v31, v26;
	v28 =	vor.u32 v35, v28  }
0x221: {  	v24 =	vor.u32 v24, v26;
	v25 =	vor.u32 v25, v27;
	v23 =	vor.u32 v23, v28  }
0x222: {  	v22 =	vor.u32 v22, v23;
	v52 =	vmul.u32 $0xAEECCA83, v24;
	v53 =	vmul.u32 $0xAEECCA83, v25  }
0x223: {  	v20 =	vor.u32 v20, v21;
	v54 =	vmul.u32 $0xAEECCA83, v22  }
0x224: {  	v55 =	vmul.u32 $0xAEECCA83, v20;
	v23 =	vxor.u32 v52, v53  }
0x225: {  	v21 =	vxor.u32 v54, v23  }
0x226: {  	v21 =	vxor.u32 v55, v21  }
0x227: {  	v56 =	vmulhi.u32 $0xD41D41D5, v21;
	_ =	sdelay $0x1  }
0x228: {  	v26 =	vsub.s32 v21, v56  }
0x229: {  	v26 =	vshrl.u32 v26, $0x1  }
0x22a: {  	v23 =	vadd.s32 v56, v26  }
0x22b: {  	v23 =	vshrl.u32 v23, $0x5  }
0x22c: {  	v23 =	vmul.u32 $0x23, v23;
	_ =	sdelay $0x1  }
0x22d: {  	v21 =	vsub.s32 v21, v23  }
0x22e: {  	v23 =	vmul.u32 $0xC, v21;
	_ =	sdelay $0x1  }
0x22f: {  	v57 =	vadd.s32 $0xB, v23  }
0x230: {  	v58 =	vor.u32 $0x3, v23  }
0x231: {  	v59 =	vadd.s32 $0x7, v23  }
0x232: {  	v29 =	vadd.s32 $0xA, v23  }
0x233: {  	v31 =	vor.u32 $0x2, v23;
	v30 =	vld.idx.msk [tilespmem:v23+s12+$0x0], $0xffff  }
0x234: {  	v32 =	vadd.s32 $0x6, v23;
	v26 =	vld.idx.msk [tilespmem:v57+s12+$0x0], $0xffff  }
0x235: {  	v33 =	vadd.s32 $0x9, v23;
	v27 =	vld.idx.msk [tilespmem:v58+s12+$0x0], $0xffff  }
0x236: {  	v34 =	vor.u32 $0x1, v23;
	v28 =	vld.idx.msk [tilespmem:v59+s12+$0x0], $0xffff  }
0x237: {  	v35 =	vadd.s32 $0x4, v23;
	v36 =	vadd.s32 $0x8, v23;
	v29 =	vld.idx.msk [tilespmem:v29+s12+$0x0], $0xffff  }
0x238: {  	v37 =	vadd.s32 $0x5, v23;
	v36 =	vand.u32 $0x7F8, v36;
	v23 =	vand.u32 $0x4, v23;
	v31 =	vld.idx.msk [tilespmem:v31+s12+$0x0], $0xffff  }
0x239: {  	v32 =	vld.idx.msk [tilespmem:v32+s12+$0x0], $0xffff;
	v23 =	vor.u32 v23, v36  }
0x23a: {  	v21 =	vmul.u32 $0x3, v21;
	v33 =	vld.idx.msk [tilespmem:v33+s12+$0x0], $0xffff  }
0x23b: {  	v34 =	vld.idx.msk [tilespmem:v34+s12+$0x0], $0xffff  }
0x23c: {  	v60 =	vadd.s32 $0x1, v21;
	v35 =	vld.idx.msk [tilespmem:v35+s12+$0x0], $0xffff  }
0x23d: {  	v38 =	vadd.s32 $0x2, v21;
	v37 =	vld.idx.msk [tilespmem:v37+s12+$0x0], $0xffff  }
0x23e: {  	v23 =	vld.idx.msk [tilespmem:v23+s12+$0x0], $0xffff  }
0x23f: {  	vm0 =	veq.s32 v24, v30;
	vm1 =	veq.s32 v20, v26  }
0x240: {  	v21 =	vld.idx.msk [tilespmem:v21+s14+$0x0], $0xffff;
	vm2 =	veq.s32 v20, v27;
	vm3 =	veq.s32 v20, v28;
	vm4 =	veq.s32 v22, v29  }
0x241: {  	v20 =	vld.idx.msk [tilespmem:v60+s14+$0x0], $0xffff;
	vm5 =	veq.s32 v22, v31;
	vm6 =	veq.s32 v22, v32;
	vm7 =	veq.s32 v25, v33  }
0x242: {  	v61 =	vld.idx.msk [tilespmem:v38+s14+$0x0], $0xffff;
	vm8 =	veq.s32 v25, v34;
	vm9 =	veq.s32 v24, v35;
	vm10 =	veq.s32 v25, v37  }
0x243: {  	vm0 =	vmand vm0, vm8;
	vm14 =	vmand vm9, vm10;
	vm15 =	veq.s32 v24, v23  }
0x244: {  	vm0 =	vmand vm0, vm5;
	vm10 =	vmand vm14, vm6;
	vm11 =	vmand vm15, vm7  }
0x245: {  	vm0 =	vmand vm0, vm2;
	vm12 =	vmand vm10, vm3;
	vm13 =	vmand vm11, vm4  }
0x246: {  	v21 =	vnsel vm0, $0x0, v21;
	v20 =	vnsel vm12, $0x0, v20;
	vm14 =	vmand vm13, vm1  }
0x247: {  	v20 =	vadd.s32 v21, v20;
	v62 =	vnsel vm14, $0x0, v61  }
0x248: {  	v20 =	vadd.s32 v62, v20  }
0x249: {  	v21 =	vadd.s32 v3, v20;
	_ =	sdelay $0x4  }
0x24a: {  	[tilespmem:v21+s17+$0x0] =	vst.idx.add.s32.msk $0xffff, v2  }
0x24b: {  	[tilespmem:s23+$0x11680] =	vst v20  }
0x24c: {  	v20 =	vld [tilespmem:s22+$0x11680];
	_ =	sdelay $0x4  }
0x24d: {  	vm15 =	vlt.s32 v20, $0x21  }
0x24e: {  	v63 =	vsel vm15, $0x1, v0  }
0x24f: {  	(xrf0) =	vadd.scan.msk.s32 $0xffff, v63;
	_ =	sdelay $0x5  }
0x250: {  	v21, _, _ =	vpop (xrf0)  }
0x251: {  	(v2sf) =	vpush v21, $0xF  }
0x252: {  	s23 =	simm.s32 $0x10;
	s22 =	simm.s32 $0x80;
	[tilespmem:s21+$0x10640] =	vst.msk vm15, v20  }
.LBB2_11:
0x253: {  	p0 =	sne.s32 s22, $0x3FC0;
	v20 =	vld [tilespmem:s23+$0x11680];
	_ =	sdelay $0x4  }
0x254: {  	vm0 =	vlt.s32 v20, $0x21  }
0x255: {  	v21 =	vsel vm0, $0x1, v0  }
0x256: {  	(xrf0) =	vadd.scan.msk.s32 $0xffff, v21;
	_ =	sdelay $0x3  }
.Ltmp7:
0x257: {  	(pc) =	sbr.rel @p0 .LBB2_11-.Ltmp7, $4  }
0x258: {  	_ = 	snop  }
0x259: {  	v21, _, _ =	vpop (xrf0);
	s23 =	spop (v2sf)  }
0x25a: {  	(v2sf) =	vpush v21, $0xF;
	s21 =	sadd.s32 s21, s23  }
0x25b: {  	s23 =	sshra.s32 s22, $0x2;
	s22 =	sadd.s32 $0x40, s22;
	[tilespmem:s21+$0x10640] =	vst.msk vm0, v20  }
0x25c: {  	v20 =	vld [tilespmem:s23+$0x11680];
	_ =	sdelay $0x4  }
0x25d: {  	vm0 =	vlt.s32 v20, $0x21  }
0x25e: {  	v21 =	vsel vm0, $0x1, v0  }
0x25f: {  	(xrf0) =	vadd.scan.msk.s32 $0xffff, v21;
	_ =	sdelay $0x5  }
0x260: {  	v21, _, _ =	vpop (xrf0)  }
0x261: {  	(v2sf) =	vpush v21, $0xF;
	_ =	sdelay $0xd  }
0x262: {  	s22 =	spop (v2sf)  }
0x263: {  	s28 =	sadd.s32 s21, s22;
	s29 =	spop (v2sf)  }
0x264: {  	s21 =	sadd.s32 s28, s29  }
0x265: {  	s22 =	sadd.s32 $0xFFFFFFFF, s21  }
0x266: {  	p0 =	sgt.s32 s22, $0x0  }
0x267: {  	s22 =	simm.s32 @!p0 $0x0  }
0x268: {  	s30 =	sadd.s32 $0x1F, s22  }
0x269: {  	s24 =	sand.u32 $0x1F, s30  }
0x26a: {  	s31 =	sshra.s32 s30, $0x1F;
	p1 =	slt.s32 s30, $0x0;
	p6 =	sne.s32 s24, $0x0  }
0x26b: {  	s24 =	sshrl.u32 s31, $0x1B;
	p0 =	por !p1, !p6  }
0x26c: {  	s21 =	sadd.s32 s24, s30;
	s24 =	simm.s32 $0x1;
	p0 =	por !p0, !p0  }
0x26d: {  	s21 =	sshra.s32 s21, $0x5;
	s24 =	simm.s32 @!p0 $0x0  }
0x26e: {  	s21 =	ssub.s32 s21, s24  }
0x26f: {  	p0 =	slt.s32 s21, $0x1  }
.Ltmp8:
0x270: {  	_ = 	snop;
	(pc) =	sbr.rel @p0 .LBB2_15-.Ltmp8, $2  }
0x271: {  	_ =	sdelay $0x2  }
0x272: {  	[tilespmem:s28+$0x10640] =	vst.msk vm0, v20  }
0x273: {  	v20 =	vmov s22;
	s22 =	simm.s32 $0x10  }
.LBB2_14:
0x274: {  	s23 =	sadd.s32 $0xFFFFFFF0, s22  }
0x275: {  	v23 =	vor.u32 s23, v5  }
0x276: {  	v21 =	vor.u32 s23, v1  }
0x277: {  	v22 =	vand.u32 v4, v21;
	_ =	sdelay $0x2  }
0x278: {  	v23 =	vld.idx.msk [tilespmem:v23+s18+$0x0], $0xffff;
	_ =	sdelay $0x1  }
0x279: {  	v22 =	vld.idx.msk [tilespmem:v22+s18+$0x0], $0xffff;
	_ =	sdelay $0x2  }
0x27a: {  	vm1 =	veq.s32 v23, v12  }
0x27b: {  	vm2 =	veq.s32 v23, v13;
	vm4 =	veq.s32 v23, v14;
	vm10 =	veq.s32 v23, v15  }
0x27c: {  	vm0 =	veq.s32 v22, v8;
	vm15 =	veq.s32 v22, v9;
	vm3 =	veq.s32 v22, v10  }
0x27d: {  	vm9 =	veq.s32 v22, v11;
	vm0 =	vmand vm0, vm1;
	vm7 =	vmand vm15, vm2  }
0x27e: {  	vm8 =	vmand vm3, vm4;
	v24 =	vnsel vm0, $0x0, v16;
	v22 =	vsel vm7, v19, v3  }
0x27f: {  	vm11 =	vmand vm9, vm10;
	v23 =	vnsel vm8, $0x0, v17;
	v22 =	vadd.s32 v24, v22  }
0x280: {  	vm12 =	vlt.s32 v21, v20;
	v21 =	vnsel vm11, $0x0, v18;
	v22 =	vadd.s32 v23, v22  }
0x281: {  	v23 =	vadd.s32 s22, v5;
	v21 =	vadd.s32 v21, v22;
	v22 =	vor.u32 s22, v1  }
0x282: {  	v23 =	vand.u32 $0xFFFFFFF8, v23;
	v62 =	vand.u32 v6, v22  }
0x283: {  	v23 =	vor.u32 v7, v23;
	_ =	sdelay $0x2  }
0x284: {  	[tilespmem:v21+s17+$0x0] =	vst.idx.add.s32.msk vm12, v2  }
0x285: {  	v21 =	vld.idx.msk [tilespmem:v62+s18+$0x0], $0xffff  }
0x286: {  	v23 =	vld.idx.msk [tilespmem:v23+s18+$0x0], $0xffff;
	_ =	sdelay $0x3  }
0x287: {  	vm13 =	veq.s32 v21, v8  }
0x288: {  	vm14 =	veq.s32 v23, v12;
	vm15 =	veq.s32 v21, v9;
	vm8 =	veq.s32 v23, v13  }
0x289: {  	vm9 =	veq.s32 v21, v10;
	vm10 =	veq.s32 v23, v14;
	vm12 =	veq.s32 v21, v11  }
0x28a: {  	vm0 =	vmand vm13, vm14;
	vm1 =	vmand vm15, vm8;
	vm11 =	vmand vm9, vm10  }
0x28b: {  	vm13 =	veq.s32 v23, v15;
	v63 =	vnsel vm0, $0x0, v16;
	v21 =	vsel vm1, v19, v3  }
0x28c: {  	v23 =	vnsel vm11, $0x0, v17;
	vm14 =	vmand vm12, vm13;
	v21 =	vadd.s32 v63, v21  }
0x28d: {  	vm15 =	vlt.s32 v22, v20;
	v22 =	vnsel vm14, $0x0, v18;
	v21 =	vadd.s32 v23, v21  }
0x28e: {  	p0 =	sne.s32 s21, $0x1;
	v21 =	vadd.s32 v22, v21  }
.Ltmp9:
0x28f: {  	_ = 	snop;
	(pc) =	sbr.rel @p0 .LBB2_14-.Ltmp9, $2  }
0x290: {  	_ =	sdelay $0x2  }
0x291: {  	s21 =	sadd.s32 $0xFFFFFFFF, s21;
	s22 =	sadd.s32 $0x20, s22;
	[tilespmem:v21+s17+$0x0] =	vst.idx.add.s32.msk vm15, v2  }
.Ltmp10:
0x292: {  	_ = 	snop;
	(pc) =	sbr.rel .LBB2_15-.Ltmp10, $1  }
0x293: {  	_ =	sdelay $0x3  }
.LBB2_16:
0x294: {  	_ =	sfence.sel $0x180000  }
0x295: {  	[bflag:$0x0] =	sbarrier.arrive $0xFFFF  }
0x296: {  	p0 =	sne.s32 s2, $0x0;
	_ =	strace $0x90000047  }
0x297: {  	s0 =	sadd.s32 @!p0 $0x100000, s0;
	[bflag:$0x2] =	sbarrier.arrive $0xFFFF  }
0x298: {  	[sflag:s0] =	ssyncadd.tile.s32 @!p0 $0x1;
	_ =	shalt  }
.Lfunc_end2:
_tile_overlayer_lowered:
.L_overlay_start_2:
0x299: {  	(tag) =	ssettag $0x2  }
0x29a: {  	s0 =	rddreg [dreg:$0x0];
	s2 =	stileid.u32  }
0x29b: {  	s1 =	rddreg [dreg:$0x1];
	p0 =	sne.s32 s2, $0x0  }
0x29c: {  	s3 =	rddreg [dreg:$0x2];
	[bflag:$0x3] =	sbarrier.arrive $0xFFFF;
	s2 =	simm.s32 @!p0 $0x1C01  }
0x29d: {  	[timem:s3], [sflag:s2] =	dma.local @!p0 [hbm:s0], s1  }
0x29e: {  	s0 =	simm.s32 @!p0 $0x1  }
0x29f: {  	_ =	swait.ge @!p0 [sflag:s0], s1  }
0x2a0: {  	s1 =	ssub.s32 @!p0 $0x0, s1;
	[sflag:s0] =	ssyncset.done @!p0 $0x0  }
0x2a1: {  	[sflag:s0] =	ssyncadd.s32 @!p0 s1  }
0x2a2: {  	[bflag:$0x3] =	sbarrier.arrive $0xFFFF  }
0x2a3: {  	_ =	shalt  }

</sc_bundles>
